<compile_context>
chip_gen: v7x
topology: tpu7x:2x2x1
jax: 0.10.2.dev20260603
libtpu: 0.0.44.dev20260713+nightly
codegen_flags: <defaults>
</compile_context>

<pallas_src>
import functools

import jax
import jax.numpy as jnp
from jax import lax
from jax.experimental import pallas as pl
from jax.experimental.pallas import tpu as pltpu
from jax.experimental.pallas import tpu_sc as plsc

_VOCAB = 1000000
_EMBED_DIM = 64
_BATCH = 16384
_HIST = 50
_HPAD = 56
_EPAD = 128

_info = plsc.get_sparse_core_info()
_NC = _info.num_cores
_NS = _info.num_subcores
_NW = _NC * _NS
_BPW = _BATCH // _NW
_CB = 4
_NCHUNK = _BPW // _CB
_CR = _CB * _HIST
_NBUF = 8
assert _NCHUNK % _NBUF == 0

_mesh = plsc.VectorSubcoreMesh(core_axis_name="c", subcore_axis_name="s")

@functools.partial(
    pl.kernel,
    mesh=_mesh,
    out_type=jax.ShapeDtypeStruct((_BATCH, _HPAD, _EPAD), jnp.float32),
    scratch_types=[
        pltpu.VMEM((_NCHUNK, _CR), jnp.int32),
        [pltpu.VMEM((_CR, _EMBED_DIM), jnp.float32)] * _NBUF,
        [pltpu.SemaphoreType.DMA] * _NBUF,
        [pltpu.SemaphoreType.DMA] * _NBUF,
    ],
    compiler_params=pltpu.CompilerParams(use_tc_tiling_on_sc=False),
)
def _gather_kernel(idx_hbm, table_hbm, out_hbm, idx_v, rows, gsems, wsems):
    wid = lax.axis_index("s") * _NC + lax.axis_index("c")
    base = wid * _BPW

    pltpu.sync_copy(idx_hbm.at[pl.ds(wid * _NCHUNK, _NCHUNK)], idx_v)

    def g_start(c, b):
        pltpu.async_copy(table_hbm.at[idx_v.at[c]], rows[b], gsems[b])

    def g_wait(c, b):
        pltpu.make_async_copy(table_hbm.at[idx_v.at[c]], rows[b],
                              gsems[b]).wait()

    def _w_copies(c, b):
        for k in range(_CB):
            yield pltpu.make_async_copy(
                rows[b].at[pl.ds(k * _HIST, _HIST)],
                out_hbm.at[base + c * _CB + k,
                           pl.ds(0, _HIST), pl.ds(0, _EMBED_DIM)],
                wsems[b])

    def w_start(c, b):
        for cp in _w_copies(c, b):
            cp.start()

    def w_wait(c, b):
        for cp in _w_copies(c, b):
            cp.wait()

    for b in range(_NBUF - 1):
        g_start(b, b)

    def body(g, _):
        for b in range(_NBUF):
            c = g * _NBUF + b
            g_wait(c, b)
            w_start(c, b)
            n = c + _NBUF - 1
            nb = (b - 1) % _NBUF

            @pl.when(n < _NCHUNK)
            def _(c=c, n=n, nb=nb):
                @pl.when(n >= _NBUF)
                def _():
                    w_wait(n - _NBUF, nb)
                g_start(n, nb)
        return 0

    lax.fori_loop(0, _NCHUNK // _NBUF, body, 0)
    for b in range(_NBUF):
        c = _NCHUNK - _NBUF + b
        w_wait(c, b)


def kernel(input_ids, table):
    idx = input_ids.astype(jnp.int32).reshape(_BATCH * _HIST // _CR, _CR)
    out = _gather_kernel(idx, table)
    return out[:, :_HIST, :_EMBED_DIM]

# --- scband reference (transcript-rebuilt; emitter-appended) ---
"""Pipeline reference for scband-embedding-91139206021232 (READ-ONLY COPY).

The authoritative reference and input builder live on the scoring server;
editing this copy changes nothing except your own understanding.
"""

import jax, jax.numpy as jnp
import numpy as np

VOCAB = 1000000
EMBED_DIM = 64
BATCH = 16384
HIST = 50

def setup_inputs(seed: int = 0) -> dict:
    key = jax.random.key(seed)
    k_idx, k_tab = jax.random.split(key)
    input_ids = jax.random.randint(k_idx, (BATCH, HIST), 0, VOCAB, dtype=jnp.int64 if jax.config.jax_enable_x64 else jnp.int32)
    table = jax.random.normal(k_tab, (VOCAB, EMBED_DIM), dtype=jnp.float32)
    return {"input_ids": input_ids, "table": table}

def reference(input_ids, table):
    # nn.Embedding forward: gather rows of the table
    return jnp.take(table, input_ids, axis=0)

if __name__ == "__main__":
    import jax
    _d = setup_inputs()
    print(jax.jit(kernel)(*tuple(_d.values())))

</pallas_src>

<mosaic_0001>
#map = affine_map<(d0, d1) -> (0, 0)>
#map1 = affine_map<(d0, d1) -> (0, 0, 0)>
module attributes {stable_mosaic.version = 14 : i64} {
  func.func @_gather_kernel(%arg0: i32, %arg1: i32, %arg2: memref<4096x200xi32, #tpu.memory_space<hbm>>, %arg3: memref<1000000x64xf32, #tpu.memory_space<hbm>>, %arg4: memref<16384x56x128xf32, #tpu.memory_space<hbm>>, %arg5: memref<128x200xi32, #tpu.memory_space<vmem>>, %arg6: memref<200x64xf32, #tpu.memory_space<vmem>>, %arg7: memref<200x64xf32, #tpu.memory_space<vmem>>, %arg8: memref<200x64xf32, #tpu.memory_space<vmem>>, %arg9: memref<200x64xf32, #tpu.memory_space<vmem>>, %arg10: memref<200x64xf32, #tpu.memory_space<vmem>>, %arg11: memref<200x64xf32, #tpu.memory_space<vmem>>, %arg12: memref<200x64xf32, #tpu.memory_space<vmem>>, %arg13: memref<200x64xf32, #tpu.memory_space<vmem>>, %arg14: memref<!tpu.dma_semaphore, #tpu.memory_space<semaphore_mem>>, %arg15: memref<!tpu.dma_semaphore, #tpu.memory_space<semaphore_mem>>, %arg16: memref<!tpu.dma_semaphore, #tpu.memory_space<semaphore_mem>>, %arg17: memref<!tpu.dma_semaphore, #tpu.memory_space<semaphore_mem>>, %arg18: memref<!tpu.dma_semaphore, #tpu.memory_space<semaphore_mem>>, %arg19: memref<!tpu.dma_semaphore, #tpu.memory_space<semaphore_mem>>, %arg20: memref<!tpu.dma_semaphore, #tpu.memory_space<semaphore_mem>>, %arg21: memref<!tpu.dma_semaphore, #tpu.memory_space<semaphore_mem>>, %arg22: memref<!tpu.dma_semaphore, #tpu.memory_space<semaphore_mem>>, %arg23: memref<!tpu.dma_semaphore, #tpu.memory_space<semaphore_mem>>, %arg24: memref<!tpu.dma_semaphore, #tpu.memory_space<semaphore_mem>>, %arg25: memref<!tpu.dma_semaphore, #tpu.memory_space<semaphore_mem>>, %arg26: memref<!tpu.dma_semaphore, #tpu.memory_space<semaphore_mem>>, %arg27: memref<!tpu.dma_semaphore, #tpu.memory_space<semaphore_mem>>, %arg28: memref<!tpu.dma_semaphore, #tpu.memory_space<semaphore_mem>>, %arg29: memref<!tpu.dma_semaphore, #tpu.memory_space<semaphore_mem>>) attributes {dimension_semantics = [#tpu.dimension_semantics<core_parallel>, #tpu.dimension_semantics<subcore_parallel>], iteration_bounds = array<i64: 2, 16>, scalar_prefetch = 0 : i64, scratch_operands = 25 : i64, tpu.core_type = #tpu.core_type<sc_vector_subcore>, window_params = [{transform_indices = #map}, {transform_indices = #map}, {transform_indices = #map1}]} {
    %mul3A = arith.constant 2 : i32
    %mul3A_0 = arith.muli %arg1, %mul3A : i32
    %add3A = arith.addi %mul3A_0, %arg0 : i32
    %mul3A_1 = arith.constant 512 : i32
    %mul3A_2 = arith.muli %add3A, %mul3A_1 : i32
    %mul3A_3 = arith.constant 128 : i32
    %mul3A_4 = arith.muli %add3A, %mul3A_3 : i32
    "tpu.region"() ({
      %run_scoped3A = tpu.sem_alloc : memref<!tpu.dma_semaphore, #tpu.memory_space<semaphore_mem>>
      %dma_start3A_634 = arith.constant 0 : i32
      %dma_start3A_635 = tpu.memref_slice %arg2[%mul3A_4, %dma_start3A_634] : memref<4096x200xi32, #tpu.memory_space<hbm>> -> memref<128x200xi32, #tpu.memory_space<hbm>>
      %dma_start3A_636 = arith.constant 0 : i32
      %dma_start3A_637 = tpu.memref_slice %arg2[%mul3A_4, %dma_start3A_636] : memref<4096x200xi32, #tpu.memory_space<hbm>> -> memref<128x200xi32, #tpu.memory_space<hbm>>
      tpu.enqueue_dma source(%dma_start3A_637 : memref<128x200xi32, #tpu.memory_space<hbm>>) target(%arg5 : memref<128x200xi32, #tpu.memory_space<vmem>>) target_semaphore(%run_scoped3A : memref<!tpu.dma_semaphore, #tpu.memory_space<semaphore_mem>>)
      %dma_wait3A_638 = arith.constant 0 : i32
      %dma_wait3A_639 = tpu.memref_slice %arg2[%mul3A_4, %dma_wait3A_638] : memref<4096x200xi32, #tpu.memory_space<hbm>> -> memref<128x200xi32, #tpu.memory_space<hbm>>
      %dma_wait3A_640 = arith.constant 0 : i32
      %dma_wait3A_641 = tpu.memref_slice %arg2[%mul3A_4, %dma_wait3A_640] : memref<4096x200xi32, #tpu.memory_space<hbm>> -> memref<128x200xi32, #tpu.memory_space<hbm>>
      tpu.wait_dma2 semaphore(%run_scoped3A : memref<!tpu.dma_semaphore, #tpu.memory_space<semaphore_mem>>) src(%dma_wait3A_641 : memref<128x200xi32, #tpu.memory_space<hbm>>) dst(%arg5 : memref<128x200xi32, #tpu.memory_space<vmem>>)
      tpu.yield
    }) : () -> ()
    %dma_start3A = arith.constant 0 : i32
    %dma_start3A_5 = arith.constant 0 : i32
    %dma_start3A_6 = tpu.memref_slice %arg5[%dma_start3A, %dma_start3A_5] : memref<128x200xi32, #tpu.memory_space<vmem>> -> memref<1x200xi32, #tpu.memory_space<vmem>>
    %dma_start3A_7 = tpu.memref_squeeze %dma_start3A_6 : memref<1x200xi32, #tpu.memory_space<vmem>> -> memref<200xi32, #tpu.memory_space<vmem>>
    %dma_start3A_8 = arith.constant 0 : i32
    %dma_start3A_9 = arith.constant 0 : i32
    %dma_start3A_10 = tpu.memref_slice %arg3[%dma_start3A_8, %dma_start3A_9] : memref<1000000x64xf32, #tpu.memory_space<hbm>> -> memref<1000000x64xf32, #tpu.memory_space<hbm>>
    tpu.enqueue_indirect_dma source(%dma_start3A_10 : memref<1000000x64xf32, #tpu.memory_space<hbm>>) target(%arg6 : memref<200x64xf32, #tpu.memory_space<vmem>>) offsets(%dma_start3A_7 : memref<200xi32, #tpu.memory_space<vmem>>) semaphore(%arg14 : memref<!tpu.dma_semaphore, #tpu.memory_space<semaphore_mem>>)
    %dma_start3A_11 = arith.constant 1 : i32
    %dma_start3A_12 = arith.constant 0 : i32
    %dma_start3A_13 = tpu.memref_slice %arg5[%dma_start3A_11, %dma_start3A_12] : memref<128x200xi32, #tpu.memory_space<vmem>> -> memref<1x200xi32, #tpu.memory_space<vmem>>
    %dma_start3A_14 = tpu.memref_squeeze %dma_start3A_13 : memref<1x200xi32, #tpu.memory_space<vmem>> -> memref<200xi32, #tpu.memory_space<vmem>>
    %dma_start3A_15 = arith.constant 0 : i32
    %dma_start3A_16 = arith.constant 0 : i32
    %dma_start3A_17 = tpu.memref_slice %arg3[%dma_start3A_15, %dma_start3A_16] : memref<1000000x64xf32, #tpu.memory_space<hbm>> -> memref<1000000x64xf32, #tpu.memory_space<hbm>>
    tpu.enqueue_indirect_dma source(%dma_start3A_17 : memref<1000000x64xf32, #tpu.memory_space<hbm>>) target(%arg7 : memref<200x64xf32, #tpu.memory_space<vmem>>) offsets(%dma_start3A_14 : memref<200xi32, #tpu.memory_space<vmem>>) semaphore(%arg15 : memref<!tpu.dma_semaphore, #tpu.memory_space<semaphore_mem>>)
    %dma_start3A_18 = arith.constant 2 : i32
    %dma_start3A_19 = arith.constant 0 : i32
    %dma_start3A_20 = tpu.memref_slice %arg5[%dma_start3A_18, %dma_start3A_19] : memref<128x200xi32, #tpu.memory_space<vmem>> -> memref<1x200xi32, #tpu.memory_space<vmem>>
    %dma_start3A_21 = tpu.memref_squeeze %dma_start3A_20 : memref<1x200xi32, #tpu.memory_space<vmem>> -> memref<200xi32, #tpu.memory_space<vmem>>
    %dma_start3A_22 = arith.constant 0 : i32
    %dma_start3A_23 = arith.constant 0 : i32
    %dma_start3A_24 = tpu.memref_slice %arg3[%dma_start3A_22, %dma_start3A_23] : memref<1000000x64xf32, #tpu.memory_space<hbm>> -> memref<1000000x64xf32, #tpu.memory_space<hbm>>
    tpu.enqueue_indirect_dma source(%dma_start3A_24 : memref<1000000x64xf32, #tpu.memory_space<hbm>>) target(%arg8 : memref<200x64xf32, #tpu.memory_space<vmem>>) offsets(%dma_start3A_21 : memref<200xi32, #tpu.memory_space<vmem>>) semaphore(%arg16 : memref<!tpu.dma_semaphore, #tpu.memory_space<semaphore_mem>>)
    %dma_start3A_25 = arith.constant 3 : i32
    %dma_start3A_26 = arith.constant 0 : i32
    %dma_start3A_27 = tpu.memref_slice %arg5[%dma_start3A_25, %dma_start3A_26] : memref<128x200xi32, #tpu.memory_space<vmem>> -> memref<1x200xi32, #tpu.memory_space<vmem>>
    %dma_start3A_28 = tpu.memref_squeeze %dma_start3A_27 : memref<1x200xi32, #tpu.memory_space<vmem>> -> memref<200xi32, #tpu.memory_space<vmem>>
    %dma_start3A_29 = arith.constant 0 : i32
    %dma_start3A_30 = arith.constant 0 : i32
    %dma_start3A_31 = tpu.memref_slice %arg3[%dma_start3A_29, %dma_start3A_30] : memref<1000000x64xf32, #tpu.memory_space<hbm>> -> memref<1000000x64xf32, #tpu.memory_space<hbm>>
    tpu.enqueue_indirect_dma source(%dma_start3A_31 : memref<1000000x64xf32, #tpu.memory_space<hbm>>) target(%arg9 : memref<200x64xf32, #tpu.memory_space<vmem>>) offsets(%dma_start3A_28 : memref<200xi32, #tpu.memory_space<vmem>>) semaphore(%arg17 : memref<!tpu.dma_semaphore, #tpu.memory_space<semaphore_mem>>)
    %dma_start3A_32 = arith.constant 4 : i32
    %dma_start3A_33 = arith.constant 0 : i32
    %dma_start3A_34 = tpu.memref_slice %arg5[%dma_start3A_32, %dma_start3A_33] : memref<128x200xi32, #tpu.memory_space<vmem>> -> memref<1x200xi32, #tpu.memory_space<vmem>>
    %dma_start3A_35 = tpu.memref_squeeze %dma_start3A_34 : memref<1x200xi32, #tpu.memory_space<vmem>> -> memref<200xi32, #tpu.memory_space<vmem>>
    %dma_start3A_36 = arith.constant 0 : i32
    %dma_start3A_37 = arith.constant 0 : i32
    %dma_start3A_38 = tpu.memref_slice %arg3[%dma_start3A_36, %dma_start3A_37] : memref<1000000x64xf32, #tpu.memory_space<hbm>> -> memref<1000000x64xf32, #tpu.memory_space<hbm>>
    tpu.enqueue_indirect_dma source(%dma_start3A_38 : memref<1000000x64xf32, #tpu.memory_space<hbm>>) target(%arg10 : memref<200x64xf32, #tpu.memory_space<vmem>>) offsets(%dma_start3A_35 : memref<200xi32, #tpu.memory_space<vmem>>) semaphore(%arg18 : memref<!tpu.dma_semaphore, #tpu.memory_space<semaphore_mem>>)
    %dma_start3A_39 = arith.constant 5 : i32
    %dma_start3A_40 = arith.constant 0 : i32
    %dma_start3A_41 = tpu.memref_slice %arg5[%dma_start3A_39, %dma_start3A_40] : memref<128x200xi32, #tpu.memory_space<vmem>> -> memref<1x200xi32, #tpu.memory_space<vmem>>
    %dma_start3A_42 = tpu.memref_squeeze %dma_start3A_41 : memref<1x200xi32, #tpu.memory_space<vmem>> -> memref<200xi32, #tpu.memory_space<vmem>>
    %dma_start3A_43 = arith.constant 0 : i32
    %dma_start3A_44 = arith.constant 0 : i32
    %dma_start3A_45 = tpu.memref_slice %arg3[%dma_start3A_43, %dma_start3A_44] : memref<1000000x64xf32, #tpu.memory_space<hbm>> -> memref<1000000x64xf32, #tpu.memory_space<hbm>>
    tpu.enqueue_indirect_dma source(%dma_start3A_45 : memref<1000000x64xf32, #tpu.memory_space<hbm>>) target(%arg11 : memref<200x64xf32, #tpu.memory_space<vmem>>) offsets(%dma_start3A_42 : memref<200xi32, #tpu.memory_space<vmem>>) semaphore(%arg19 : memref<!tpu.dma_semaphore, #tpu.memory_space<semaphore_mem>>)
    %dma_start3A_46 = arith.constant 6 : i32
    %dma_start3A_47 = arith.constant 0 : i32
    %dma_start3A_48 = tpu.memref_slice %arg5[%dma_start3A_46, %dma_start3A_47] : memref<128x200xi32, #tpu.memory_space<vmem>> -> memref<1x200xi32, #tpu.memory_space<vmem>>
    %dma_start3A_49 = tpu.memref_squeeze %dma_start3A_48 : memref<1x200xi32, #tpu.memory_space<vmem>> -> memref<200xi32, #tpu.memory_space<vmem>>
    %dma_start3A_50 = arith.constant 0 : i32
    %dma_start3A_51 = arith.constant 0 : i32
    %dma_start3A_52 = tpu.memref_slice %arg3[%dma_start3A_50, %dma_start3A_51] : memref<1000000x64xf32, #tpu.memory_space<hbm>> -> memref<1000000x64xf32, #tpu.memory_space<hbm>>
    tpu.enqueue_indirect_dma source(%dma_start3A_52 : memref<1000000x64xf32, #tpu.memory_space<hbm>>) target(%arg12 : memref<200x64xf32, #tpu.memory_space<vmem>>) offsets(%dma_start3A_49 : memref<200xi32, #tpu.memory_space<vmem>>) semaphore(%arg20 : memref<!tpu.dma_semaphore, #tpu.memory_space<semaphore_mem>>)
    %scan3A = arith.constant 0 : i32
    %scan3A_53 = arith.constant 0 : i32
    %scan3A_54 = arith.constant 16 : i32
    %scan3A_55 = arith.addi %scan3A_53, %scan3A_54 : i32
    %scan3A_56 = arith.constant 1 : i32
    %scan3A_57 = scf.for %scan3A_634 = %scan3A_53 to %scan3A_55 step %scan3A_56 iter_args(%scan3A_635 = %scan3A) -> (i32)  : i32 {
      %mul3A_636 = arith.constant 8 : i32
      %mul3A_637 = arith.muli %scan3A_634, %mul3A_636 : i32
      %add3A_638 = arith.constant 0 : i32
      %add3A_639 = arith.addi %mul3A_637, %add3A_638 : i32
      %dma_wait3A_640 = arith.constant 0 : i32
      %dma_wait3A_641 = tpu.memref_slice %arg5[%add3A_639, %dma_wait3A_640] : memref<128x200xi32, #tpu.memory_space<vmem>> -> memref<1x200xi32, #tpu.memory_space<vmem>>
      %dma_wait3A_642 = tpu.memref_squeeze %dma_wait3A_641 : memref<1x200xi32, #tpu.memory_space<vmem>> -> memref<200xi32, #tpu.memory_space<vmem>>
      %dma_wait3A_643 = arith.constant 0 : i32
      %dma_wait3A_644 = arith.constant 0 : i32
      %dma_wait3A_645 = tpu.memref_slice %arg3[%dma_wait3A_643, %dma_wait3A_644] : memref<1000000x64xf32, #tpu.memory_space<hbm>> -> memref<1000000x64xf32, #tpu.memory_space<hbm>>
      tpu.wait_indirect_dma semaphore(%arg14 : memref<!tpu.dma_semaphore, #tpu.memory_space<semaphore_mem>>) src(%dma_wait3A_645 : memref<1000000x64xf32, #tpu.memory_space<hbm>>) dst(%arg6 : memref<200x64xf32, #tpu.memory_space<vmem>>)
      %mul3A_646 = arith.constant 4 : i32
      %mul3A_647 = arith.muli %add3A_639, %mul3A_646 : i32
      %add3A_648 = arith.addi %mul3A_2, %mul3A_647 : i32
      %add3A_649 = arith.constant 0 : i32
      %add3A_650 = arith.addi %add3A_648, %add3A_649 : i32
      %dma_start3A_651 = arith.constant 0 : i32
      %dma_start3A_652 = arith.constant 0 : i32
      %dma_start3A_653 = tpu.memref_slice %arg6[%dma_start3A_651, %dma_start3A_652] : memref<200x64xf32, #tpu.memory_space<vmem>> -> memref<50x64xf32, #tpu.memory_space<vmem>>
      %dma_start3A_654 = arith.constant 0 : i32
      %dma_start3A_655 = arith.constant 0 : i32
      %dma_start3A_656 = tpu.memref_slice %arg4[%add3A_650, %dma_start3A_654, %dma_start3A_655] : memref<16384x56x128xf32, #tpu.memory_space<hbm>> -> memref<1x50x64xf32, #tpu.memory_space<hbm>>
      %dma_start3A_657 = tpu.memref_squeeze %dma_start3A_656 : memref<1x50x64xf32, #tpu.memory_space<hbm>> -> memref<50x64xf32, #tpu.memory_space<hbm>>
      %dma_start3A_658 = arith.constant 0 : i32
      %dma_start3A_659 = arith.constant 0 : i32
      %dma_start3A_660 = tpu.memref_slice %arg4[%add3A_650, %dma_start3A_658, %dma_start3A_659] : memref<16384x56x128xf32, #tpu.memory_space<hbm>> -> memref<1x50x64xf32, #tpu.memory_space<hbm>>
      %dma_start3A_661 = tpu.memref_squeeze %dma_start3A_660 : memref<1x50x64xf32, #tpu.memory_space<hbm>> -> memref<50x64xf32, #tpu.memory_space<hbm>>
      %dma_start3A_662 = arith.constant 0 : i32
      %dma_start3A_663 = arith.constant 0 : i32
      %dma_start3A_664 = tpu.memref_slice %arg6[%dma_start3A_662, %dma_start3A_663] : memref<200x64xf32, #tpu.memory_space<vmem>> -> memref<50x64xf32, #tpu.memory_space<vmem>>
      tpu.enqueue_dma source(%dma_start3A_664 : memref<50x64xf32, #tpu.memory_space<vmem>>) target(%dma_start3A_661 : memref<50x64xf32, #tpu.memory_space<hbm>>) target_semaphore(%arg22 : memref<!tpu.dma_semaphore, #tpu.memory_space<semaphore_mem>>)
      %mul3A_665 = arith.constant 4 : i32
      %mul3A_666 = arith.muli %add3A_639, %mul3A_665 : i32
      %add3A_667 = arith.addi %mul3A_2, %mul3A_666 : i32
      %add3A_668 = arith.constant 1 : i32
      %add3A_669 = arith.addi %add3A_667, %add3A_668 : i32
      %dma_start3A_670 = arith.constant 50 : i32
      %dma_start3A_671 = arith.constant 0 : i32
      %dma_start3A_672 = tpu.memref_slice %arg6[%dma_start3A_670, %dma_start3A_671] : memref<200x64xf32, #tpu.memory_space<vmem>> -> memref<50x64xf32, #tpu.memory_space<vmem>>
      %dma_start3A_673 = arith.constant 0 : i32
      %dma_start3A_674 = arith.constant 0 : i32
      %dma_start3A_675 = tpu.memref_slice %arg4[%add3A_669, %dma_start3A_673, %dma_start3A_674] : memref<16384x56x128xf32, #tpu.memory_space<hbm>> -> memref<1x50x64xf32, #tpu.memory_space<hbm>>
      %dma_start3A_676 = tpu.memref_squeeze %dma_start3A_675 : memref<1x50x64xf32, #tpu.memory_space<hbm>> -> memref<50x64xf32, #tpu.memory_space<hbm>>
      %dma_start3A_677 = arith.constant 0 : i32
      %dma_start3A_678 = arith.constant 0 : i32
      %dma_start3A_679 = tpu.memref_slice %arg4[%add3A_669, %dma_start3A_677, %dma_start3A_678] : memref<16384x56x128xf32, #tpu.memory_space<hbm>> -> memref<1x50x64xf32, #tpu.memory_space<hbm>>
      %dma_start3A_680 = tpu.memref_squeeze %dma_start3A_679 : memref<1x50x64xf32, #tpu.memory_space<hbm>> -> memref<50x64xf32, #tpu.memory_space<hbm>>
      %dma_start3A_681 = arith.constant 50 : i32
      %dma_start3A_682 = arith.constant 0 : i32
      %dma_start3A_683 = tpu.memref_slice %arg6[%dma_start3A_681, %dma_start3A_682] : memref<200x64xf32, #tpu.memory_space<vmem>> -> memref<50x64xf32, #tpu.memory_space<vmem>>
      tpu.enqueue_dma source(%dma_start3A_683 : memref<50x64xf32, #tpu.memory_space<vmem>>) target(%dma_start3A_680 : memref<50x64xf32, #tpu.memory_space<hbm>>) target_semaphore(%arg22 : memref<!tpu.dma_semaphore, #tpu.memory_space<semaphore_mem>>)
      %mul3A_684 = arith.constant 4 : i32
      %mul3A_685 = arith.muli %add3A_639, %mul3A_684 : i32
      %add3A_686 = arith.addi %mul3A_2, %mul3A_685 : i32
      %add3A_687 = arith.constant 2 : i32
      %add3A_688 = arith.addi %add3A_686, %add3A_687 : i32
      %dma_start3A_689 = arith.constant 100 : i32
      %dma_start3A_690 = arith.constant 0 : i32
      %dma_start3A_691 = tpu.memref_slice %arg6[%dma_start3A_689, %dma_start3A_690] : memref<200x64xf32, #tpu.memory_space<vmem>> -> memref<50x64xf32, #tpu.memory_space<vmem>>
      %dma_start3A_692 = arith.constant 0 : i32
      %dma_start3A_693 = arith.constant 0 : i32
      %dma_start3A_694 = tpu.memref_slice %arg4[%add3A_688, %dma_start3A_692, %dma_start3A_693] : memref<16384x56x128xf32, #tpu.memory_space<hbm>> -> memref<1x50x64xf32, #tpu.memory_space<hbm>>
      %dma_start3A_695 = tpu.memref_squeeze %dma_start3A_694 : memref<1x50x64xf32, #tpu.memory_space<hbm>> -> memref<50x64xf32, #tpu.memory_space<hbm>>
      %dma_start3A_696 = arith.constant 0 : i32
      %dma_start3A_697 = arith.constant 0 : i32
      %dma_start3A_698 = tpu.memref_slice %arg4[%add3A_688, %dma_start3A_696, %dma_start3A_697] : memref<16384x56x128xf32, #tpu.memory_space<hbm>> -> memref<1x50x64xf32, #tpu.memory_space<hbm>>
      %dma_start3A_699 = tpu.memref_squeeze %dma_start3A_698 : memref<1x50x64xf32, #tpu.memory_space<hbm>> -> memref<50x64xf32, #tpu.memory_space<hbm>>
      %dma_start3A_700 = arith.constant 100 : i32
      %dma_start3A_701 = arith.constant 0 : i32
      %dma_start3A_702 = tpu.memref_slice %arg6[%dma_start3A_700, %dma_start3A_701] : memref<200x64xf32, #tpu.memory_space<vmem>> -> memref<50x64xf32, #tpu.memory_space<vmem>>
      tpu.enqueue_dma source(%dma_start3A_702 : memref<50x64xf32, #tpu.memory_space<vmem>>) target(%dma_start3A_699 : memref<50x64xf32, #tpu.memory_space<hbm>>) target_semaphore(%arg22 : memref<!tpu.dma_semaphore, #tpu.memory_space<semaphore_mem>>)
      %mul3A_703 = arith.constant 4 : i32
      %mul3A_704 = arith.muli %add3A_639, %mul3A_703 : i32
      %add3A_705 = arith.addi %mul3A_2, %mul3A_704 : i32
      %add3A_706 = arith.constant 3 : i32
      %add3A_707 = arith.addi %add3A_705, %add3A_706 : i32
      %dma_start3A_708 = arith.constant 150 : i32
      %dma_start3A_709 = arith.constant 0 : i32
      %dma_start3A_710 = tpu.memref_slice %arg6[%dma_start3A_708, %dma_start3A_709] : memref<200x64xf32, #tpu.memory_space<vmem>> -> memref<50x64xf32, #tpu.memory_space<vmem>>
      %dma_start3A_711 = arith.constant 0 : i32
      %dma_start3A_712 = arith.constant 0 : i32
      %dma_start3A_713 = tpu.memref_slice %arg4[%add3A_707, %dma_start3A_711, %dma_start3A_712] : memref<16384x56x128xf32, #tpu.memory_space<hbm>> -> memref<1x50x64xf32, #tpu.memory_space<hbm>>
      %dma_start3A_714 = tpu.memref_squeeze %dma_start3A_713 : memref<1x50x64xf32, #tpu.memory_space<hbm>> -> memref<50x64xf32, #tpu.memory_space<hbm>>
      %dma_start3A_715 = arith.constant 0 : i32
      %dma_start3A_716 = arith.constant 0 : i32
      %dma_start3A_717 = tpu.memref_slice %arg4[%add3A_707, %dma_start3A_715, %dma_start3A_716] : memref<16384x56x128xf32, #tpu.memory_space<hbm>> -> memref<1x50x64xf32, #tpu.memory_space<hbm>>
      %dma_start3A_718 = tpu.memref_squeeze %dma_start3A_717 : memref<1x50x64xf32, #tpu.memory_space<hbm>> -> memref<50x64xf32, #tpu.memory_space<hbm>>
      %dma_start3A_719 = arith.constant 150 : i32
      %dma_start3A_720 = arith.constant 0 : i32
      %dma_start3A_721 = tpu.memref_slice %arg6[%dma_start3A_719, %dma_start3A_720] : memref<200x64xf32, #tpu.memory_space<vmem>> -> memref<50x64xf32, #tpu.memory_space<vmem>>
      tpu.enqueue_dma source(%dma_start3A_721 : memref<50x64xf32, #tpu.memory_space<vmem>>) target(%dma_start3A_718 : memref<50x64xf32, #tpu.memory_space<hbm>>) target_semaphore(%arg22 : memref<!tpu.dma_semaphore, #tpu.memory_space<semaphore_mem>>)
      %add3A_722 = arith.constant 8 : i32
      %add3A_723 = arith.addi %add3A_639, %add3A_722 : i32
      %sub3A = arith.constant 1 : i32
      %sub3A_724 = arith.subi %add3A_723, %sub3A : i32
      %lt3A = arith.constant 128 : i32
      %lt3A_725 = arith.cmpi slt, %sub3A_724, %lt3A : i32
      %convert_element_type3A = arith.extui %lt3A_725 : i1 to i32
      %cond3A = arith.constant 0 : i32
      %cond3A_726 = arith.cmpi ne, %convert_element_type3A, %cond3A : i32
      scf.if %cond3A_726 {
        %ge3A = arith.constant 8 : i32
        %ge3A_1393 = arith.cmpi sge, %sub3A_724, %ge3A : i32
        %convert_element_type3A_1394 = arith.extui %ge3A_1393 : i1 to i32
        %cond3A_1395 = arith.constant 0 : i32
        %cond3A_1396 = arith.cmpi ne, %convert_element_type3A_1394, %cond3A_1395 : i32
        scf.if %cond3A_1396 {
          %sub3A_1403 = arith.constant 8 : i32
          %sub3A_1404 = arith.subi %sub3A_724, %sub3A_1403 : i32
          %mul3A_1405 = arith.constant 4 : i32
          %mul3A_1406 = arith.muli %sub3A_1404, %mul3A_1405 : i32
          %add3A_1407 = arith.addi %mul3A_2, %mul3A_1406 : i32
          %add3A_1408 = arith.constant 0 : i32
          %add3A_1409 = arith.addi %add3A_1407, %add3A_1408 : i32
          %dma_wait3A_1410 = arith.constant 0 : i32
          %dma_wait3A_1411 = arith.constant 0 : i32
          %dma_wait3A_1412 = tpu.memref_slice %arg13[%dma_wait3A_1410, %dma_wait3A_1411] : memref<200x64xf32, #tpu.memory_space<vmem>> -> memref<50x64xf32, #tpu.memory_space<vmem>>
          %dma_wait3A_1413 = arith.constant 0 : i32
          %dma_wait3A_1414 = arith.constant 0 : i32
          %dma_wait3A_1415 = tpu.memref_slice %arg4[%add3A_1409, %dma_wait3A_1413, %dma_wait3A_1414] : memref<16384x56x128xf32, #tpu.memory_space<hbm>> -> memref<1x50x64xf32, #tpu.memory_space<hbm>>
          %dma_wait3A_1416 = tpu.memref_squeeze %dma_wait3A_1415 : memref<1x50x64xf32, #tpu.memory_space<hbm>> -> memref<50x64xf32, #tpu.memory_space<hbm>>
          %dma_wait3A_1417 = arith.constant 0 : i32
          %dma_wait3A_1418 = arith.constant 0 : i32
          %dma_wait3A_1419 = tpu.memref_slice %arg4[%add3A_1409, %dma_wait3A_1417, %dma_wait3A_1418] : memref<16384x56x128xf32, #tpu.memory_space<hbm>> -> memref<1x50x64xf32, #tpu.memory_space<hbm>>
          %dma_wait3A_1420 = tpu.memref_squeeze %dma_wait3A_1419 : memref<1x50x64xf32, #tpu.memory_space<hbm>> -> memref<50x64xf32, #tpu.memory_space<hbm>>
          %dma_wait3A_1421 = arith.constant 0 : i32
          %dma_wait3A_1422 = arith.constant 0 : i32
          %dma_wait3A_1423 = tpu.memref_slice %arg13[%dma_wait3A_1421, %dma_wait3A_1422] : memref<200x64xf32, #tpu.memory_space<vmem>> -> memref<50x64xf32, #tpu.memory_space<vmem>>
          tpu.wait_dma2 semaphore(%arg29 : memref<!tpu.dma_semaphore, #tpu.memory_space<semaphore_mem>>) src(%dma_wait3A_1423 : memref<50x64xf32, #tpu.memory_space<vmem>>) dst(%dma_wait3A_1420 : memref<50x64xf32, #tpu.memory_space<hbm>>)
          %mul3A_1424 = arith.constant 4 : i32
          %mul3A_1425 = arith.muli %sub3A_1404, %mul3A_1424 : i32
          %add3A_1426 = arith.addi %mul3A_2, %mul3A_1425 : i32
          %add3A_1427 = arith.constant 1 : i32
          %add3A_1428 = arith.addi %add3A_1426, %add3A_1427 : i32
          %dma_wait3A_1429 = arith.constant 50 : i32
          %dma_wait3A_1430 = arith.constant 0 : i32
          %dma_wait3A_1431 = tpu.memref_slice %arg13[%dma_wait3A_1429, %dma_wait3A_1430] : memref<200x64xf32, #tpu.memory_space<vmem>> -> memref<50x64xf32, #tpu.memory_space<vmem>>
          %dma_wait3A_1432 = arith.constant 0 : i32
          %dma_wait3A_1433 = arith.constant 0 : i32
          %dma_wait3A_1434 = tpu.memref_slice %arg4[%add3A_1428, %dma_wait3A_1432, %dma_wait3A_1433] : memref<16384x56x128xf32, #tpu.memory_space<hbm>> -> memref<1x50x64xf32, #tpu.memory_space<hbm>>
          %dma_wait3A_1435 = tpu.memref_squeeze %dma_wait3A_1434 : memref<1x50x64xf32, #tpu.memory_space<hbm>> -> memref<50x64xf32, #tpu.memory_space<hbm>>
          %dma_wait3A_1436 = arith.constant 0 : i32
          %dma_wait3A_1437 = arith.constant 0 : i32
          %dma_wait3A_1438 = tpu.memref_slice %arg4[%add3A_1428, %dma_wait3A_1436, %dma_wait3A_1437] : memref<16384x56x128xf32, #tpu.memory_space<hbm>> -> memref<1x50x64xf32, #tpu.memory_space<hbm>>
          %dma_wait3A_1439 = tpu.memref_squeeze %dma_wait3A_1438 : memref<1x50x64xf32, #tpu.memory_space<hbm>> -> memref<50x64xf32, #tpu.memory_space<hbm>>
          %dma_wait3A_1440 = arith.constant 50 : i32
          %dma_wait3A_1441 = arith.constant 0 : i32
          %dma_wait3A_1442 = tpu.memref_slice %arg13[%dma_wait3A_1440, %dma_wait3A_1441] : memref<200x64xf32, #tpu.memory_space<vmem>> -> memref<50x64xf32, #tpu.memory_space<vmem>>
          tpu.wait_dma2 semaphore(%arg29 : memref<!tpu.dma_semaphore, #tpu.memory_space<semaphore_mem>>) src(%dma_wait3A_1442 : memref<50x64xf32, #tpu.memory_space<vmem>>) dst(%dma_wait3A_1439 : memref<50x64xf32, #tpu.memory_space<hbm>>)
          %mul3A_1443 = arith.constant 4 : i32
          %mul3A_1444 = arith.muli %sub3A_1404, %mul3A_1443 : i32
          %add3A_1445 = arith.addi %mul3A_2, %mul3A_1444 : i32
          %add3A_1446 = arith.constant 2 : i32
          %add3A_1447 = arith.addi %add3A_1445, %add3A_1446 : i32
          %dma_wait3A_1448 = arith.constant 100 : i32
          %dma_wait3A_1449 = arith.constant 0 : i32
          %dma_wait3A_1450 = tpu.memref_slice %arg13[%dma_wait3A_1448, %dma_wait3A_1449] : memref<200x64xf32, #tpu.memory_space<vmem>> -> memref<50x64xf32, #tpu.memory_space<vmem>>
          %dma_wait3A_1451 = arith.constant 0 : i32
          %dma_wait3A_1452 = arith.constant 0 : i32
          %dma_wait3A_1453 = tpu.memref_slice %arg4[%add3A_1447, %dma_wait3A_1451, %dma_wait3A_1452] : memref<16384x56x128xf32, #tpu.memory_space<hbm>> -> memref<1x50x64xf32, #tpu.memory_space<hbm>>
          %dma_wait3A_1454 = tpu.memref_squeeze %dma_wait3A_1453 : memref<1x50x64xf32, #tpu.memory_space<hbm>> -> memref<50x64xf32, #tpu.memory_space<hbm>>
          %dma_wait3A_1455 = arith.constant 0 : i32
          %dma_wait3A_1456 = arith.constant 0 : i32
          %dma_wait3A_1457 = tpu.memref_slice %arg4[%add3A_1447, %dma_wait3A_1455, %dma_wait3A_1456] : memref<16384x56x128xf32, #tpu.memory_space<hbm>> -> memref<1x50x64xf32, #tpu.memory_space<hbm>>
          %dma_wait3A_1458 = tpu.memref_squeeze %dma_wait3A_1457 : memref<1x50x64xf32, #tpu.memory_space<hbm>> -> memref<50x64xf32, #tpu.memory_space<hbm>>
          %dma_wait3A_1459 = arith.constant 100 : i32
          %dma_wait3A_1460 = arith.constant 0 : i32
          %dma_wait3A_1461 = tpu.memref_slice %arg13[%dma_wait3A_1459, %dma_wait3A_1460] : memref<200x64xf32, #tpu.memory_space<vmem>> -> memref<50x64xf32, #tpu.memory_space<vmem>>
          tpu.wait_dma2 semaphore(%arg29 : memref<!tpu.dma_semaphore, #tpu.memory_space<semaphore_mem>>) src(%dma_wait3A_1461 : memref<50x64xf32, #tpu.memory_space<vmem>>) dst(%dma_wait3A_1458 : memref<50x64xf32, #tpu.memory_space<hbm>>)
          %mul3A_1462 = arith.constant 4 : i32
          %mul3A_1463 = arith.muli %sub3A_1404, %mul3A_1462 : i32
          %add3A_1464 = arith.addi %mul3A_2, %mul3A_1463 : i32
          %add3A_1465 = arith.constant 3 : i32
          %add3A_1466 = arith.addi %add3A_1464, %add3A_1465 : i32
          %dma_wait3A_1467 = arith.constant 150 : i32
          %dma_wait3A_1468 = arith.constant 0 : i32
          %dma_wait3A_1469 = tpu.memref_slice %arg13[%dma_wait3A_1467, %dma_wait3A_1468] : memref<200x64xf32, #tpu.memory_space<vmem>> -> memref<50x64xf32, #tpu.memory_space<vmem>>
          %dma_wait3A_1470 = arith.constant 0 : i32
          %dma_wait3A_1471 = arith.constant 0 : i32
          %dma_wait3A_1472 = tpu.memref_slice %arg4[%add3A_1466, %dma_wait3A_1470, %dma_wait3A_1471] : memref<16384x56x128xf32, #tpu.memory_space<hbm>> -> memref<1x50x64xf32, #tpu.memory_space<hbm>>
          %dma_wait3A_1473 = tpu.memref_squeeze %dma_wait3A_1472 : memref<1x50x64xf32, #tpu.memory_space<hbm>> -> memref<50x64xf32, #tpu.memory_space<hbm>>
          %dma_wait3A_1474 = arith.constant 0 : i32
          %dma_wait3A_1475 = arith.constant 0 : i32
          %dma_wait3A_1476 = tpu.memref_slice %arg4[%add3A_1466, %dma_wait3A_1474, %dma_wait3A_1475] : memref<16384x56x128xf32, #tpu.memory_space<hbm>> -> memref<1x50x64xf32, #tpu.memory_space<hbm>>
          %dma_wait3A_1477 = tpu.memref_squeeze %dma_wait3A_1476 : memref<1x50x64xf32, #tpu.memory_space<hbm>> -> memref<50x64xf32, #tpu.memory_space<hbm>>
          %dma_wait3A_1478 = arith.constant 150 : i32
          %dma_wait3A_1479 = arith.constant 0 : i32
          %dma_wait3A_1480 = tpu.memref_slice %arg13[%dma_wait3A_1478, %dma_wait3A_1479] : memref<200x64xf32, #tpu.memory_space<vmem>> -> memref<50x64xf32, #tpu.memory_space<vmem>>
          tpu.wait_dma2 semaphore(%arg29 : memref<!tpu.dma_semaphore, #tpu.memory_space<semaphore_mem>>) src(%dma_wait3A_1480 : memref<50x64xf32, #tpu.memory_space<vmem>>) dst(%dma_wait3A_1477 : memref<50x64xf32, #tpu.memory_space<hbm>>)
        } else {
        }
        %dma_start3A_1397 = arith.constant 0 : i32
        %dma_start3A_1398 = tpu.memref_slice %arg5[%sub3A_724, %dma_start3A_1397] : memref<128x200xi32, #tpu.memory_space<vmem>> -> memref<1x200xi32, #tpu.memory_space<vmem>>
        %dma_start3A_1399 = tpu.memref_squeeze %dma_start3A_1398 : memref<1x200xi32, #tpu.memory_space<vmem>> -> memref<200xi32, #tpu.memory_space<vmem>>
        %dma_start3A_1400 = arith.constant 0 : i32
        %dma_start3A_1401 = arith.constant 0 : i32
        %dma_start3A_1402 = tpu.memref_slice %arg3[%dma_start3A_1400, %dma_start3A_1401] : memref<1000000x64xf32, #tpu.memory_space<hbm>> -> memref<1000000x64xf32, #tpu.memory_space<hbm>>
        tpu.enqueue_indirect_dma source(%dma_start3A_1402 : memref<1000000x64xf32, #tpu.memory_space<hbm>>) target(%arg13 : memref<200x64xf32, #tpu.memory_space<vmem>>) offsets(%dma_start3A_1399 : memref<200xi32, #tpu.memory_space<vmem>>) semaphore(%arg21 : memref<!tpu.dma_semaphore, #tpu.memory_space<semaphore_mem>>)
      } else {
      }
      %mul3A_727 = arith.constant 8 : i32
      %mul3A_728 = arith.muli %scan3A_634, %mul3A_727 : i32
      %add3A_729 = arith.constant 1 : i32
      %add3A_730 = arith.addi %mul3A_728, %add3A_729 : i32
      %dma_wait3A_731 = arith.constant 0 : i32
      %dma_wait3A_732 = tpu.memref_slice %arg5[%add3A_730, %dma_wait3A_731] : memref<128x200xi32, #tpu.memory_space<vmem>> -> memref<1x200xi32, #tpu.memory_space<vmem>>
      %dma_wait3A_733 = tpu.memref_squeeze %dma_wait3A_732 : memref<1x200xi32, #tpu.memory_space<vmem>> -> memref<200xi32, #tpu.memory_space<vmem>>
      %dma_wait3A_734 = arith.constant 0 : i32
      %dma_wait3A_735 = arith.constant 0 : i32
      %dma_wait3A_736 = tpu.memref_slice %arg3[%dma_wait3A_734, %dma_wait3A_735] : memref<1000000x64xf32, #tpu.memory_space<hbm>> -> memref<1000000x64xf32, #tpu.memory_space<hbm>>
      tpu.wait_indirect_dma semaphore(%arg15 : memref<!tpu.dma_semaphore, #tpu.memory_space<semaphore_mem>>) src(%dma_wait3A_736 : memref<1000000x64xf32, #tpu.memory_space<hbm>>) dst(%arg7 : memref<200x64xf32, #tpu.memory_space<vmem>>)
      %mul3A_737 = arith.constant 4 : i32
      %mul3A_738 = arith.muli %add3A_730, %mul3A_737 : i32
      %add3A_739 = arith.addi %mul3A_2, %mul3A_738 : i32
      %add3A_740 = arith.constant 0 : i32
      %add3A_741 = arith.addi %add3A_739, %add3A_740 : i32
      %dma_start3A_742 = arith.constant 0 : i32
      %dma_start3A_743 = arith.constant 0 : i32
      %dma_start3A_744 = tpu.memref_slice %arg7[%dma_start3A_742, %dma_start3A_743] : memref<200x64xf32, #tpu.memory_space<vmem>> -> memref<50x64xf32, #tpu.memory_space<vmem>>
      %dma_start3A_745 = arith.constant 0 : i32
      %dma_start3A_746 = arith.constant 0 : i32
      %dma_start3A_747 = tpu.memref_slice %arg4[%add3A_741, %dma_start3A_745, %dma_start3A_746] : memref<16384x56x128xf32, #tpu.memory_space<hbm>> -> memref<1x50x64xf32, #tpu.memory_space<hbm>>
      %dma_start3A_748 = tpu.memref_squeeze %dma_start3A_747 : memref<1x50x64xf32, #tpu.memory_space<hbm>> -> memref<50x64xf32, #tpu.memory_space<hbm>>
      %dma_start3A_749 = arith.constant 0 : i32
      %dma_start3A_750 = arith.constant 0 : i32
      %dma_start3A_751 = tpu.memref_slice %arg4[%add3A_741, %dma_start3A_749, %dma_start3A_750] : memref<16384x56x128xf32, #tpu.memory_space<hbm>> -> memref<1x50x64xf32, #tpu.memory_space<hbm>>
      %dma_start3A_752 = tpu.memref_squeeze %dma_start3A_751 : memref<1x50x64xf32, #tpu.memory_space<hbm>> -> memref<50x64xf32, #tpu.memory_space<hbm>>
      %dma_start3A_753 = arith.constant 0 : i32
      %dma_start3A_754 = arith.constant 0 : i32
      %dma_start3A_755 = tpu.memref_slice %arg7[%dma_start3A_753, %dma_start3A_754] : memref<200x64xf32, #tpu.memory_space<vmem>> -> memref<50x64xf32, #tpu.memory_space<vmem>>
      tpu.enqueue_dma source(%dma_start3A_755 : memref<50x64xf32, #tpu.memory_space<vmem>>) target(%dma_start3A_752 : memref<50x64xf32, #tpu.memory_space<hbm>>) target_semaphore(%arg23 : memref<!tpu.dma_semaphore, #tpu.memory_space<semaphore_mem>>)
      %mul3A_756 = arith.constant 4 : i32
      %mul3A_757 = arith.muli %add3A_730, %mul3A_756 : i32
      %add3A_758 = arith.addi %mul3A_2, %mul3A_757 : i32
      %add3A_759 = arith.constant 1 : i32
      %add3A_760 = arith.addi %add3A_758, %add3A_759 : i32
      %dma_start3A_761 = arith.constant 50 : i32
      %dma_start3A_762 = arith.constant 0 : i32
      %dma_start3A_763 = tpu.memref_slice %arg7[%dma_start3A_761, %dma_start3A_762] : memref<200x64xf32, #tpu.memory_space<vmem>> -> memref<50x64xf32, #tpu.memory_space<vmem>>
      %dma_start3A_764 = arith.constant 0 : i32
      %dma_start3A_765 = arith.constant 0 : i32
      %dma_start3A_766 = tpu.memref_slice %arg4[%add3A_760, %dma_start3A_764, %dma_start3A_765] : memref<16384x56x128xf32, #tpu.memory_space<hbm>> -> memref<1x50x64xf32, #tpu.memory_space<hbm>>
      %dma_start3A_767 = tpu.memref_squeeze %dma_start3A_766 : memref<1x50x64xf32, #tpu.memory_space<hbm>> -> memref<50x64xf32, #tpu.memory_space<hbm>>
      %dma_start3A_768 = arith.constant 0 : i32
      %dma_start3A_769 = arith.constant 0 : i32
      %dma_start3A_770 = tpu.memref_slice %arg4[%add3A_760, %dma_start3A_768, %dma_start3A_769] : memref<16384x56x128xf32, #tpu.memory_space<hbm>> -> memref<1x50x64xf32, #tpu.memory_space<hbm>>
      %dma_start3A_771 = tpu.memref_squeeze %dma_start3A_770 : memref<1x50x64xf32, #tpu.memory_space<hbm>> -> memref<50x64xf32, #tpu.memory_space<hbm>>
      %dma_start3A_772 = arith.constant 50 : i32
      %dma_start3A_773 = arith.constant 0 : i32
      %dma_start3A_774 = tpu.memref_slice %arg7[%dma_start3A_772, %dma_start3A_773] : memref<200x64xf32, #tpu.memory_space<vmem>> -> memref<50x64xf32, #tpu.memory_space<vmem>>
      tpu.enqueue_dma source(%dma_start3A_774 : memref<50x64xf32, #tpu.memory_space<vmem>>) target(%dma_start3A_771 : memref<50x64xf32, #tpu.memory_space<hbm>>) target_semaphore(%arg23 : memref<!tpu.dma_semaphore, #tpu.memory_space<semaphore_mem>>)
      %mul3A_775 = arith.constant 4 : i32
      %mul3A_776 = arith.muli %add3A_730, %mul3A_775 : i32
      %add3A_777 = arith.addi %mul3A_2, %mul3A_776 : i32
      %add3A_778 = arith.constant 2 : i32
      %add3A_779 = arith.addi %add3A_777, %add3A_778 : i32
      %dma_start3A_780 = arith.constant 100 : i32
      %dma_start3A_781 = arith.constant 0 : i32
      %dma_start3A_782 = tpu.memref_slice %arg7[%dma_start3A_780, %dma_start3A_781] : memref<200x64xf32, #tpu.memory_space<vmem>> -> memref<50x64xf32, #tpu.memory_space<vmem>>
      %dma_start3A_783 = arith.constant 0 : i32
      %dma_start3A_784 = arith.constant 0 : i32
      %dma_start3A_785 = tpu.memref_slice %arg4[%add3A_779, %dma_start3A_783, %dma_start3A_784] : memref<16384x56x128xf32, #tpu.memory_space<hbm>> -> memref<1x50x64xf32, #tpu.memory_space<hbm>>
      %dma_start3A_786 = tpu.memref_squeeze %dma_start3A_785 : memref<1x50x64xf32, #tpu.memory_space<hbm>> -> memref<50x64xf32, #tpu.memory_space<hbm>>
      %dma_start3A_787 = arith.constant 0 : i32
      %dma_start3A_788 = arith.constant 0 : i32
      %dma_start3A_789 = tpu.memref_slice %arg4[%add3A_779, %dma_start3A_787, %dma_start3A_788] : memref<16384x56x128xf32, #tpu.memory_space<hbm>> -> memref<1x50x64xf32, #tpu.memory_space<hbm>>
      %dma_start3A_790 = tpu.memref_squeeze %dma_start3A_789 : memref<1x50x64xf32, #tpu.memory_space<hbm>> -> memref<50x64xf32, #tpu.memory_space<hbm>>
      %dma_start3A_791 = arith.constant 100 : i32
      %dma_start3A_792 = arith.constant 0 : i32
      %dma_start3A_793 = tpu.memref_slice %arg7[%dma_start3A_791, %dma_start3A_792] : memref<200x64xf32, #tpu.memory_space<vmem>> -> memref<50x64xf32, #tpu.memory_space<vmem>>
      tpu.enqueue_dma source(%dma_start3A_793 : memref<50x64xf32, #tpu.memory_space<vmem>>) target(%dma_start3A_790 : memref<50x64xf32, #tpu.memory_space<hbm>>) target_semaphore(%arg23 : memref<!tpu.dma_semaphore, #tpu.memory_space<semaphore_mem>>)
      %mul3A_794 = arith.constant 4 : i32
      %mul3A_795 = arith.muli %add3A_730, %mul3A_794 : i32
      %add3A_796 = arith.addi %mul3A_2, %mul3A_795 : i32
      %add3A_797 = arith.constant 3 : i32
      %add3A_798 = arith.addi %add3A_796, %add3A_797 : i32
      %dma_start3A_799 = arith.constant 150 : i32
      %dma_start3A_800 = arith.constant 0 : i32
      %dma_start3A_801 = tpu.memref_slice %arg7[%dma_start3A_799, %dma_start3A_800] : memref<200x64xf32, #tpu.memory_space<vmem>> -> memref<50x64xf32, #tpu.memory_space<vmem>>
      %dma_start3A_802 = arith.constant 0 : i32
      %dma_start3A_803 = arith.constant 0 : i32
      %dma_start3A_804 = tpu.memref_slice %arg4[%add3A_798, %dma_start3A_802, %dma_start3A_803] : memref<16384x56x128xf32, #tpu.memory_space<hbm>> -> memref<1x50x64xf32, #tpu.memory_space<hbm>>
      %dma_start3A_805 = tpu.memref_squeeze %dma_start3A_804 : memref<1x50x64xf32, #tpu.memory_space<hbm>> -> memref<50x64xf32, #tpu.memory_space<hbm>>
      %dma_start3A_806 = arith.constant 0 : i32
      %dma_start3A_807 = arith.constant 0 : i32
      %dma_start3A_808 = tpu.memref_slice %arg4[%add3A_798, %dma_start3A_806, %dma_start3A_807] : memref<16384x56x128xf32, #tpu.memory_space<hbm>> -> memref<1x50x64xf32, #tpu.memory_space<hbm>>
      %dma_start3A_809 = tpu.memref_squeeze %dma_start3A_808 : memref<1x50x64xf32, #tpu.memory_space<hbm>> -> memref<50x64xf32, #tpu.memory_space<hbm>>
      %dma_start3A_810 = arith.constant 150 : i32
      %dma_start3A_811 = arith.constant 0 : i32
      %dma_start3A_812 = tpu.memref_slice %arg7[%dma_start3A_810, %dma_start3A_811] : memref<200x64xf32, #tpu.memory_space<vmem>> -> memref<50x64xf32, #tpu.memory_space<vmem>>
      tpu.enqueue_dma source(%dma_start3A_812 : memref<50x64xf32, #tpu.memory_space<vmem>>) target(%dma_start3A_809 : memref<50x64xf32, #tpu.memory_space<hbm>>) target_semaphore(%arg23 : memref<!tpu.dma_semaphore, #tpu.memory_space<semaphore_mem>>)
      %add3A_813 = arith.constant 8 : i32
      %add3A_814 = arith.addi %add3A_730, %add3A_813 : i32
      %sub3A_815 = arith.constant 1 : i32
      %sub3A_816 = arith.subi %add3A_814, %sub3A_815 : i32
      %lt3A_817 = arith.constant 128 : i32
      %lt3A_818 = arith.cmpi slt, %sub3A_816, %lt3A_817 : i32
      %convert_element_type3A_819 = arith.extui %lt3A_818 : i1 to i32
      %cond3A_820 = arith.constant 0 : i32
      %cond3A_821 = arith.cmpi ne, %convert_element_type3A_819, %cond3A_820 : i32
      scf.if %cond3A_821 {
        %ge3A = arith.constant 8 : i32
        %ge3A_1393 = arith.cmpi sge, %sub3A_816, %ge3A : i32
        %convert_element_type3A_1394 = arith.extui %ge3A_1393 : i1 to i32
        %cond3A_1395 = arith.constant 0 : i32
        %cond3A_1396 = arith.cmpi ne, %convert_element_type3A_1394, %cond3A_1395 : i32
        scf.if %cond3A_1396 {
          %sub3A_1403 = arith.constant 8 : i32
          %sub3A_1404 = arith.subi %sub3A_816, %sub3A_1403 : i32
          %mul3A_1405 = arith.constant 4 : i32
          %mul3A_1406 = arith.muli %sub3A_1404, %mul3A_1405 : i32
          %add3A_1407 = arith.addi %mul3A_2, %mul3A_1406 : i32
          %add3A_1408 = arith.constant 0 : i32
          %add3A_1409 = arith.addi %add3A_1407, %add3A_1408 : i32
          %dma_wait3A_1410 = arith.constant 0 : i32
          %dma_wait3A_1411 = arith.constant 0 : i32
          %dma_wait3A_1412 = tpu.memref_slice %arg6[%dma_wait3A_1410, %dma_wait3A_1411] : memref<200x64xf32, #tpu.memory_space<vmem>> -> memref<50x64xf32, #tpu.memory_space<vmem>>
          %dma_wait3A_1413 = arith.constant 0 : i32
          %dma_wait3A_1414 = arith.constant 0 : i32
          %dma_wait3A_1415 = tpu.memref_slice %arg4[%add3A_1409, %dma_wait3A_1413, %dma_wait3A_1414] : memref<16384x56x128xf32, #tpu.memory_space<hbm>> -> memref<1x50x64xf32, #tpu.memory_space<hbm>>
          %dma_wait3A_1416 = tpu.memref_squeeze %dma_wait3A_1415 : memref<1x50x64xf32, #tpu.memory_space<hbm>> -> memref<50x64xf32, #tpu.memory_space<hbm>>
          %dma_wait3A_1417 = arith.constant 0 : i32
          %dma_wait3A_1418 = arith.constant 0 : i32
          %dma_wait3A_1419 = tpu.memref_slice %arg4[%add3A_1409, %dma_wait3A_1417, %dma_wait3A_1418] : memref<16384x56x128xf32, #tpu.memory_space<hbm>> -> memref<1x50x64xf32, #tpu.memory_space<hbm>>
          %dma_wait3A_1420 = tpu.memref_squeeze %dma_wait3A_1419 : memref<1x50x64xf32, #tpu.memory_space<hbm>> -> memref<50x64xf32, #tpu.memory_space<hbm>>
          %dma_wait3A_1421 = arith.constant 0 : i32
          %dma_wait3A_1422 = arith.constant 0 : i32
          %dma_wait3A_1423 = tpu.memref_slice %arg6[%dma_wait3A_1421, %dma_wait3A_1422] : memref<200x64xf32, #tpu.memory_space<vmem>> -> memref<50x64xf32, #tpu.memory_space<vmem>>
          tpu.wait_dma2 semaphore(%arg22 : memref<!tpu.dma_semaphore, #tpu.memory_space<semaphore_mem>>) src(%dma_wait3A_1423 : memref<50x64xf32, #tpu.memory_space<vmem>>) dst(%dma_wait3A_1420 : memref<50x64xf32, #tpu.memory_space<hbm>>)
          %mul3A_1424 = arith.constant 4 : i32
          %mul3A_1425 = arith.muli %sub3A_1404, %mul3A_1424 : i32
          %add3A_1426 = arith.addi %mul3A_2, %mul3A_1425 : i32
          %add3A_1427 = arith.constant 1 : i32
          %add3A_1428 = arith.addi %add3A_1426, %add3A_1427 : i32
          %dma_wait3A_1429 = arith.constant 50 : i32
          %dma_wait3A_1430 = arith.constant 0 : i32
          %dma_wait3A_1431 = tpu.memref_slice %arg6[%dma_wait3A_1429, %dma_wait3A_1430] : memref<200x64xf32, #tpu.memory_space<vmem>> -> memref<50x64xf32, #tpu.memory_space<vmem>>
          %dma_wait3A_1432 = arith.constant 0 : i32
          %dma_wait3A_1433 = arith.constant 0 : i32
          %dma_wait3A_1434 = tpu.memref_slice %arg4[%add3A_1428, %dma_wait3A_1432, %dma_wait3A_1433] : memref<16384x56x128xf32, #tpu.memory_space<hbm>> -> memref<1x50x64xf32, #tpu.memory_space<hbm>>
          %dma_wait3A_1435 = tpu.memref_squeeze %dma_wait3A_1434 : memref<1x50x64xf32, #tpu.memory_space<hbm>> -> memref<50x64xf32, #tpu.memory_space<hbm>>
          %dma_wait3A_1436 = arith.constant 0 : i32
          %dma_wait3A_1437 = arith.constant 0 : i32
          %dma_wait3A_1438 = tpu.memref_slice %arg4[%add3A_1428, %dma_wait3A_1436, %dma_wait3A_1437] : memref<16384x56x128xf32, #tpu.memory_space<hbm>> -> memref<1x50x64xf32, #tpu.memory_space<hbm>>
          %dma_wait3A_1439 = tpu.memref_squeeze %dma_wait3A_1438 : memref<1x50x64xf32, #tpu.memory_space<hbm>> -> memref<50x64xf32, #tpu.memory_space<hbm>>
          %dma_wait3A_1440 = arith.constant 50 : i32
          %dma_wait3A_1441 = arith.constant 0 : i32
          %dma_wait3A_1442 = tpu.memref_slice %arg6[%dma_wait3A_1440, %dma_wait3A_1441] : memref<200x64xf32, #tpu.memory_space<vmem>> -> memref<50x64xf32, #tpu.memory_space<vmem>>
          tpu.wait_dma2 semaphore(%arg22 : memref<!tpu.dma_semaphore, #tpu.memory_space<semaphore_mem>>) src(%dma_wait3A_1442 : memref<50x64xf32, #tpu.memory_space<vmem>>) dst(%dma_wait3A_1439 : memref<50x64xf32, #tpu.memory_space<hbm>>)
          %mul3A_1443 = arith.constant 4 : i32
          %mul3A_1444 = arith.muli %sub3A_1404, %mul3A_1443 : i32
          %add3A_1445 = arith.addi %mul3A_2, %mul3A_1444 : i32
          %add3A_1446 = arith.constant 2 : i32
          %add3A_1447 = arith.addi %add3A_1445, %add3A_1446 : i32
          %dma_wait3A_1448 = arith.constant 100 : i32
          %dma_wait3A_1449 = arith.constant 0 : i32
          %dma_wait3A_1450 = tpu.memref_slice %arg6[%dma_wait3A_1448, %dma_wait3A_1449] : memref<200x64xf32, #tpu.memory_space<vmem>> -> memref<50x64xf32, #tpu.memory_space<vmem>>
          %dma_wait3A_1451 = arith.constant 0 : i32
          %dma_wait3A_1452 = arith.constant 0 : i32
          %dma_wait3A_1453 = tpu.memref_slice %arg4[%add3A_1447, %dma_wait3A_1451, %dma_wait3A_1452] : memref<16384x56x128xf32, #tpu.memory_space<hbm>> -> memref<1x50x64xf32, #tpu.memory_space<hbm>>
          %dma_wait3A_1454 = tpu.memref_squeeze %dma_wait3A_1453 : memref<1x50x64xf32, #tpu.memory_space<hbm>> -> memref<50x64xf32, #tpu.memory_space<hbm>>
          %dma_wait3A_1455 = arith.constant 0 : i32
          %dma_wait3A_1456 = arith.constant 0 : i32
          %dma_wait3A_1457 = tpu.memref_slice %arg4[%add3A_1447, %dma_wait3A_1455, %dma_wait3A_1456] : memref<16384x56x128xf32, #tpu.memory_space<hbm>> -> memref<1x50x64xf32, #tpu.memory_space<hbm>>
          %dma_wait3A_1458 = tpu.memref_squeeze %dma_wait3A_1457 : memref<1x50x64xf32, #tpu.memory_space<hbm>> -> memref<50x64xf32, #tpu.memory_space<hbm>>
          %dma_wait3A_1459 = arith.constant 100 : i32
          %dma_wait3A_1460 = arith.constant 0 : i32
          %dma_wait3A_1461 = tpu.memref_slice %arg6[%dma_wait3A_1459, %dma_wait3A_1460] : memref<200x64xf32, #tpu.memory_space<vmem>> -> memref<50x64xf32, #tpu.memory_space<vmem>>
          tpu.wait_dma2 semaphore(%arg22 : memref<!tpu.dma_semaphore, #tpu.memory_space<semaphore_mem>>) src(%dma_wait3A_1461 : memref<50x64xf32, #tpu.memory_space<vmem>>) dst(%dma_wait3A_1458 : memref<50x64xf32, #tpu.memory_space<hbm>>)
          %mul3A_1462 = arith.constant 4 : i32
          %mul3A_1463 = arith.muli %sub3A_1404, %mul3A_1462 : i32
          %add3A_1464 = arith.addi %mul3A_2, %mul3A_1463 : i32
          %add3A_1465 = arith.constant 3 : i32
          %add3A_1466 = arith.addi %add3A_1464, %add3A_1465 : i32
          %dma_wait3A_1467 = arith.constant 150 : i32
          %dma_wait3A_1468 = arith.constant 0 : i32
          %dma_wait3A_1469 = tpu.memref_slice %arg6[%dma_wait3A_1467, %dma_wait3A_1468] : memref<200x64xf32, #tpu.memory_space<vmem>> -> memref<50x64xf32, #tpu.memory_space<vmem>>
          %dma_wait3A_1470 = arith.constant 0 : i32
          %dma_wait3A_1471 = arith.constant 0 : i32
          %dma_wait3A_1472 = tpu.memref_slice %arg4[%add3A_1466, %dma_wait3A_1470, %dma_wait3A_1471] : memref<16384x56x128xf32, #tpu.memory_space<hbm>> -> memref<1x50x64xf32, #tpu.memory_space<hbm>>
          %dma_wait3A_1473 = tpu.memref_squeeze %dma_wait3A_1472 : memref<1x50x64xf32, #tpu.memory_space<hbm>> -> memref<50x64xf32, #tpu.memory_space<hbm>>
          %dma_wait3A_1474 = arith.constant 0 : i32
          %dma_wait3A_1475 = arith.constant 0 : i32
          %dma_wait3A_1476 = tpu.memref_slice %arg4[%add3A_1466, %dma_wait3A_1474, %dma_wait3A_1475] : memref<16384x56x128xf32, #tpu.memory_space<hbm>> -> memref<1x50x64xf32, #tpu.memory_space<hbm>>
          %dma_wait3A_1477 = tpu.memref_squeeze %dma_wait3A_1476 : memref<1x50x64xf32, #tpu.memory_space<hbm>> -> memref<50x64xf32, #tpu.memory_space<hbm>>
          %dma_wait3A_1478 = arith.constant 150 : i32
          %dma_wait3A_1479 = arith.constant 0 : i32
          %dma_wait3A_1480 = tpu.memref_slice %arg6[%dma_wait3A_1478, %dma_wait3A_1479] : memref<200x64xf32, #tpu.memory_space<vmem>> -> memref<50x64xf32, #tpu.memory_space<vmem>>
          tpu.wait_dma2 semaphore(%arg22 : memref<!tpu.dma_semaphore, #tpu.memory_space<semaphore_mem>>) src(%dma_wait3A_1480 : memref<50x64xf32, #tpu.memory_space<vmem>>) dst(%dma_wait3A_1477 : memref<50x64xf32, #tpu.memory_space<hbm>>)
        } else {
        }
        %dma_start3A_1397 = arith.constant 0 : i32
        %dma_start3A_1398 = tpu.memref_slice %arg5[%sub3A_816, %dma_start3A_1397] : memref<128x200xi32, #tpu.memory_space<vmem>> -> memref<1x200xi32, #tpu.memory_space<vmem>>
        %dma_start3A_1399 = tpu.memref_squeeze %dma_start3A_1398 : memref<1x200xi32, #tpu.memory_space<vmem>> -> memref<200xi32, #tpu.memory_space<vmem>>
        %dma_start3A_1400 = arith.constant 0 : i32
        %dma_start3A_1401 = arith.constant 0 : i32
        %dma_start3A_1402 = tpu.memref_slice %arg3[%dma_start3A_1400, %dma_start3A_1401] : memref<1000000x64xf32, #tpu.memory_space<hbm>> -> memref<1000000x64xf32, #tpu.memory_space<hbm>>
        tpu.enqueue_indirect_dma source(%dma_start3A_1402 : memref<1000000x64xf32, #tpu.memory_space<hbm>>) target(%arg6 : memref<200x64xf32, #tpu.memory_space<vmem>>) offsets(%dma_start3A_1399 : memref<200xi32, #tpu.memory_space<vmem>>) semaphore(%arg14 : memref<!tpu.dma_semaphore, #tpu.memory_space<semaphore_mem>>)
      } else {
      }
      %mul3A_822 = arith.constant 8 : i32
      %mul3A_823 = arith.muli %scan3A_634, %mul3A_822 : i32
      %add3A_824 = arith.constant 2 : i32
      %add3A_825 = arith.addi %mul3A_823, %add3A_824 : i32
      %dma_wait3A_826 = arith.constant 0 : i32
      %dma_wait3A_827 = tpu.memref_slice %arg5[%add3A_825, %dma_wait3A_826] : memref<128x200xi32, #tpu.memory_space<vmem>> -> memref<1x200xi32, #tpu.memory_space<vmem>>
      %dma_wait3A_828 = tpu.memref_squeeze %dma_wait3A_827 : memref<1x200xi32, #tpu.memory_space<vmem>> -> memref<200xi32, #tpu.memory_space<vmem>>
      %dma_wait3A_829 = arith.constant 0 : i32
      %dma_wait3A_830 = arith.constant 0 : i32
      %dma_wait3A_831 = tpu.memref_slice %arg3[%dma_wait3A_829, %dma_wait3A_830] : memref<1000000x64xf32, #tpu.memory_space<hbm>> -> memref<1000000x64xf32, #tpu.memory_space<hbm>>
      tpu.wait_indirect_dma semaphore(%arg16 : memref<!tpu.dma_semaphore, #tpu.memory_space<semaphore_mem>>) src(%dma_wait3A_831 : memref<1000000x64xf32, #tpu.memory_space<hbm>>) dst(%arg8 : memref<200x64xf32, #tpu.memory_space<vmem>>)
      %mul3A_832 = arith.constant 4 : i32
      %mul3A_833 = arith.muli %add3A_825, %mul3A_832 : i32
      %add3A_834 = arith.addi %mul3A_2, %mul3A_833 : i32
      %add3A_835 = arith.constant 0 : i32
      %add3A_836 = arith.addi %add3A_834, %add3A_835 : i32
      %dma_start3A_837 = arith.constant 0 : i32
      %dma_start3A_838 = arith.constant 0 : i32
      %dma_start3A_839 = tpu.memref_slice %arg8[%dma_start3A_837, %dma_start3A_838] : memref<200x64xf32, #tpu.memory_space<vmem>> -> memref<50x64xf32, #tpu.memory_space<vmem>>
      %dma_start3A_840 = arith.constant 0 : i32
      %dma_start3A_841 = arith.constant 0 : i32
      %dma_start3A_842 = tpu.memref_slice %arg4[%add3A_836, %dma_start3A_840, %dma_start3A_841] : memref<16384x56x128xf32, #tpu.memory_space<hbm>> -> memref<1x50x64xf32, #tpu.memory_space<hbm>>
      %dma_start3A_843 = tpu.memref_squeeze %dma_start3A_842 : memref<1x50x64xf32, #tpu.memory_space<hbm>> -> memref<50x64xf32, #tpu.memory_space<hbm>>
      %dma_start3A_844 = arith.constant 0 : i32
      %dma_start3A_845 = arith.constant 0 : i32
      %dma_start3A_846 = tpu.memref_slice %arg4[%add3A_836, %dma_start3A_844, %dma_start3A_845] : memref<16384x56x128xf32, #tpu.memory_space<hbm>> -> memref<1x50x64xf32, #tpu.memory_space<hbm>>
      %dma_start3A_847 = tpu.memref_squeeze %dma_start3A_846 : memref<1x50x64xf32, #tpu.memory_space<hbm>> -> memref<50x64xf32, #tpu.memory_space<hbm>>
      %dma_start3A_848 = arith.constant 0 : i32
      %dma_start3A_849 = arith.constant 0 : i32
      %dma_start3A_850 = tpu.memref_slice %arg8[%dma_start3A_848, %dma_start3A_849] : memref<200x64xf32, #tpu.memory_space<vmem>> -> memref<50x64xf32, #tpu.memory_space<vmem>>
      tpu.enqueue_dma source(%dma_start3A_850 : memref<50x64xf32, #tpu.memory_space<vmem>>) target(%dma_start3A_847 : memref<50x64xf32, #tpu.memory_space<hbm>>) target_semaphore(%arg24 : memref<!tpu.dma_semaphore, #tpu.memory_space<semaphore_mem>>)
      %mul3A_851 = arith.constant 4 : i32
      %mul3A_852 = arith.muli %add3A_825, %mul3A_851 : i32
      %add3A_853 = arith.addi %mul3A_2, %mul3A_852 : i32
      %add3A_854 = arith.constant 1 : i32
      %add3A_855 = arith.addi %add3A_853, %add3A_854 : i32
      %dma_start3A_856 = arith.constant 50 : i32
      %dma_start3A_857 = arith.constant 0 : i32
      %dma_start3A_858 = tpu.memref_slice %arg8[%dma_start3A_856, %dma_start3A_857] : memref<200x64xf32, #tpu.memory_space<vmem>> -> memref<50x64xf32, #tpu.memory_space<vmem>>
      %dma_start3A_859 = arith.constant 0 : i32
      %dma_start3A_860 = arith.constant 0 : i32
      %dma_start3A_861 = tpu.memref_slice %arg4[%add3A_855, %dma_start3A_859, %dma_start3A_860] : memref<16384x56x128xf32, #tpu.memory_space<hbm>> -> memref<1x50x64xf32, #tpu.memory_space<hbm>>
      %dma_start3A_862 = tpu.memref_squeeze %dma_start3A_861 : memref<1x50x64xf32, #tpu.memory_space<hbm>> -> memref<50x64xf32, #tpu.memory_space<hbm>>
      %dma_start3A_863 = arith.constant 0 : i32
      %dma_start3A_864 = arith.constant 0 : i32
      %dma_start3A_865 = tpu.memref_slice %arg4[%add3A_855, %dma_start3A_863, %dma_start3A_864] : memref<16384x56x128xf32, #tpu.memory_space<hbm>> -> memref<1x50x64xf32, #tpu.memory_space<hbm>>
      %dma_start3A_866 = tpu.memref_squeeze %dma_start3A_865 : memref<1x50x64xf32, #tpu.memory_space<hbm>> -> memref<50x64xf32, #tpu.memory_space<hbm>>
      %dma_start3A_867 = arith.constant 50 : i32
      %dma_start3A_868 = arith.constant 0 : i32
      %dma_start3A_869 = tpu.memref_slice %arg8[%dma_start3A_867, %dma_start3A_868] : memref<200x64xf32, #tpu.memory_space<vmem>> -> memref<50x64xf32, #tpu.memory_space<vmem>>
      tpu.enqueue_dma source(%dma_start3A_869 : memref<50x64xf32, #tpu.memory_space<vmem>>) target(%dma_start3A_866 : memref<50x64xf32, #tpu.memory_space<hbm>>) target_semaphore(%arg24 : memref<!tpu.dma_semaphore, #tpu.memory_space<semaphore_mem>>)
      %mul3A_870 = arith.constant 4 : i32
      %mul3A_871 = arith.muli %add3A_825, %mul3A_870 : i32
      %add3A_872 = arith.addi %mul3A_2, %mul3A_871 : i32
      %add3A_873 = arith.constant 2 : i32
      %add3A_874 = arith.addi %add3A_872, %add3A_873 : i32
      %dma_start3A_875 = arith.constant 100 : i32
      %dma_start3A_876 = arith.constant 0 : i32
      %dma_start3A_877 = tpu.memref_slice %arg8[%dma_start3A_875, %dma_start3A_876] : memref<200x64xf32, #tpu.memory_space<vmem>> -> memref<50x64xf32, #tpu.memory_space<vmem>>
      %dma_start3A_878 = arith.constant 0 : i32
      %dma_start3A_879 = arith.constant 0 : i32
      %dma_start3A_880 = tpu.memref_slice %arg4[%add3A_874, %dma_start3A_878, %dma_start3A_879] : memref<16384x56x128xf32, #tpu.memory_space<hbm>> -> memref<1x50x64xf32, #tpu.memory_space<hbm>>
      %dma_start3A_881 = tpu.memref_squeeze %dma_start3A_880 : memref<1x50x64xf32, #tpu.memory_space<hbm>> -> memref<50x64xf32, #tpu.memory_space<hbm>>
      %dma_start3A_882 = arith.constant 0 : i32
      %dma_start3A_883 = arith.constant 0 : i32
      %dma_start3A_884 = tpu.memref_slice %arg4[%add3A_874, %dma_start3A_882, %dma_start3A_883] : memref<16384x56x128xf32, #tpu.memory_space<hbm>> -> memref<1x50x64xf32, #tpu.memory_space<hbm>>
      %dma_start3A_885 = tpu.memref_squeeze %dma_start3A_884 : memref<1x50x64xf32, #tpu.memory_space<hbm>> -> memref<50x64xf32, #tpu.memory_space<hbm>>
      %dma_start3A_886 = arith.constant 100 : i32
      %dma_start3A_887 = arith.constant 0 : i32
      %dma_start3A_888 = tpu.memref_slice %arg8[%dma_start3A_886, %dma_start3A_887] : memref<200x64xf32, #tpu.memory_space<vmem>> -> memref<50x64xf32, #tpu.memory_space<vmem>>
      tpu.enqueue_dma source(%dma_start3A_888 : memref<50x64xf32, #tpu.memory_space<vmem>>) target(%dma_start3A_885 : memref<50x64xf32, #tpu.memory_space<hbm>>) target_semaphore(%arg24 : memref<!tpu.dma_semaphore, #tpu.memory_space<semaphore_mem>>)
      %mul3A_889 = arith.constant 4 : i32
      %mul3A_890 = arith.muli %add3A_825, %mul3A_889 : i32
      %add3A_891 = arith.addi %mul3A_2, %mul3A_890 : i32
      %add3A_892 = arith.constant 3 : i32
      %add3A_893 = arith.addi %add3A_891, %add3A_892 : i32
      %dma_start3A_894 = arith.constant 150 : i32
      %dma_start3A_895 = arith.constant 0 : i32
      %dma_start3A_896 = tpu.memref_slice %arg8[%dma_start3A_894, %dma_start3A_895] : memref<200x64xf32, #tpu.memory_space<vmem>> -> memref<50x64xf32, #tpu.memory_space<vmem>>
      %dma_start3A_897 = arith.constant 0 : i32
      %dma_start3A_898 = arith.constant 0 : i32
      %dma_start3A_899 = tpu.memref_slice %arg4[%add3A_893, %dma_start3A_897, %dma_start3A_898] : memref<16384x56x128xf32, #tpu.memory_space<hbm>> -> memref<1x50x64xf32, #tpu.memory_space<hbm>>
      %dma_start3A_900 = tpu.memref_squeeze %dma_start3A_899 : memref<1x50x64xf32, #tpu.memory_space<hbm>> -> memref<50x64xf32, #tpu.memory_space<hbm>>
      %dma_start3A_901 = arith.constant 0 : i32
      %dma_start3A_902 = arith.constant 0 : i32
      %dma_start3A_903 = tpu.memref_slice %arg4[%add3A_893, %dma_start3A_901, %dma_start3A_902] : memref<16384x56x128xf32, #tpu.memory_space<hbm>> -> memref<1x50x64xf32, #tpu.memory_space<hbm>>
      %dma_start3A_904 = tpu.memref_squeeze %dma_start3A_903 : memref<1x50x64xf32, #tpu.memory_space<hbm>> -> memref<50x64xf32, #tpu.memory_space<hbm>>
      %dma_start3A_905 = arith.constant 150 : i32
      %dma_start3A_906 = arith.constant 0 : i32
      %dma_start3A_907 = tpu.memref_slice %arg8[%dma_start3A_905, %dma_start3A_906] : memref<200x64xf32, #tpu.memory_space<vmem>> -> memref<50x64xf32, #tpu.memory_space<vmem>>
      tpu.enqueue_dma source(%dma_start3A_907 : memref<50x64xf32, #tpu.memory_space<vmem>>) target(%dma_start3A_904 : memref<50x64xf32, #tpu.memory_space<hbm>>) target_semaphore(%arg24 : memref<!tpu.dma_semaphore, #tpu.memory_space<semaphore_mem>>)
      %add3A_908 = arith.constant 8 : i32
      %add3A_909 = arith.addi %add3A_825, %add3A_908 : i32
      %sub3A_910 = arith.constant 1 : i32
      %sub3A_911 = arith.subi %add3A_909, %sub3A_910 : i32
      %lt3A_912 = arith.constant 128 : i32
      %lt3A_913 = arith.cmpi slt, %sub3A_911, %lt3A_912 : i32
      %convert_element_type3A_914 = arith.extui %lt3A_913 : i1 to i32
      %cond3A_915 = arith.constant 0 : i32
      %cond3A_916 = arith.cmpi ne, %convert_element_type3A_914, %cond3A_915 : i32
      scf.if %cond3A_916 {
        %ge3A = arith.constant 8 : i32
        %ge3A_1393 = arith.cmpi sge, %sub3A_911, %ge3A : i32
        %convert_element_type3A_1394 = arith.extui %ge3A_1393 : i1 to i32
        %cond3A_1395 = arith.constant 0 : i32
        %cond3A_1396 = arith.cmpi ne, %convert_element_type3A_1394, %cond3A_1395 : i32
        scf.if %cond3A_1396 {
          %sub3A_1403 = arith.constant 8 : i32
          %sub3A_1404 = arith.subi %sub3A_911, %sub3A_1403 : i32
          %mul3A_1405 = arith.constant 4 : i32
          %mul3A_1406 = arith.muli %sub3A_1404, %mul3A_1405 : i32
          %add3A_1407 = arith.addi %mul3A_2, %mul3A_1406 : i32
          %add3A_1408 = arith.constant 0 : i32
          %add3A_1409 = arith.addi %add3A_1407, %add3A_1408 : i32
          %dma_wait3A_1410 = arith.constant 0 : i32
          %dma_wait3A_1411 = arith.constant 0 : i32
          %dma_wait3A_1412 = tpu.memref_slice %arg7[%dma_wait3A_1410, %dma_wait3A_1411] : memref<200x64xf32, #tpu.memory_space<vmem>> -> memref<50x64xf32, #tpu.memory_space<vmem>>
          %dma_wait3A_1413 = arith.constant 0 : i32
          %dma_wait3A_1414 = arith.constant 0 : i32
          %dma_wait3A_1415 = tpu.memref_slice %arg4[%add3A_1409, %dma_wait3A_1413, %dma_wait3A_1414] : memref<16384x56x128xf32, #tpu.memory_space<hbm>> -> memref<1x50x64xf32, #tpu.memory_space<hbm>>
          %dma_wait3A_1416 = tpu.memref_squeeze %dma_wait3A_1415 : memref<1x50x64xf32, #tpu.memory_space<hbm>> -> memref<50x64xf32, #tpu.memory_space<hbm>>
          %dma_wait3A_1417 = arith.constant 0 : i32
          %dma_wait3A_1418 = arith.constant 0 : i32
          %dma_wait3A_1419 = tpu.memref_slice %arg4[%add3A_1409, %dma_wait3A_1417, %dma_wait3A_1418] : memref<16384x56x128xf32, #tpu.memory_space<hbm>> -> memref<1x50x64xf32, #tpu.memory_space<hbm>>
          %dma_wait3A_1420 = tpu.memref_squeeze %dma_wait3A_1419 : memref<1x50x64xf32, #tpu.memory_space<hbm>> -> memref<50x64xf32, #tpu.memory_space<hbm>>
          %dma_wait3A_1421 = arith.constant 0 : i32
          %dma_wait3A_1422 = arith.constant 0 : i32
          %dma_wait3A_1423 = tpu.memref_slice %arg7[%dma_wait3A_1421, %dma_wait3A_1422] : memref<200x64xf32, #tpu.memory_space<vmem>> -> memref<50x64xf32, #tpu.memory_space<vmem>>
          tpu.wait_dma2 semaphore(%arg23 : memref<!tpu.dma_semaphore, #tpu.memory_space<semaphore_mem>>) src(%dma_wait3A_1423 : memref<50x64xf32, #tpu.memory_space<vmem>>) dst(%dma_wait3A_1420 : memref<50x64xf32, #tpu.memory_space<hbm>>)
          %mul3A_1424 = arith.constant 4 : i32
          %mul3A_1425 = arith.muli %sub3A_1404, %mul3A_1424 : i32
          %add3A_1426 = arith.addi %mul3A_2, %mul3A_1425 : i32
          %add3A_1427 = arith.constant 1 : i32
          %add3A_1428 = arith.addi %add3A_1426, %add3A_1427 : i32
          %dma_wait3A_1429 = arith.constant 50 : i32
          %dma_wait3A_1430 = arith.constant 0 : i32
          %dma_wait3A_1431 = tpu.memref_slice %arg7[%dma_wait3A_1429, %dma_wait3A_1430] : memref<200x64xf32, #tpu.memory_space<vmem>> -> memref<50x64xf32, #tpu.memory_space<vmem>>
          %dma_wait3A_1432 = arith.constant 0 : i32
          %dma_wait3A_1433 = arith.constant 0 : i32
          %dma_wait3A_1434 = tpu.memref_slice %arg4[%add3A_1428, %dma_wait3A_1432, %dma_wait3A_1433] : memref<16384x56x128xf32, #tpu.memory_space<hbm>> -> memref<1x50x64xf32, #tpu.memory_space<hbm>>
          %dma_wait3A_1435 = tpu.memref_squeeze %dma_wait3A_1434 : memref<1x50x64xf32, #tpu.memory_space<hbm>> -> memref<50x64xf32, #tpu.memory_space<hbm>>
          %dma_wait3A_1436 = arith.constant 0 : i32
          %dma_wait3A_1437 = arith.constant 0 : i32
          %dma_wait3A_1438 = tpu.memref_slice %arg4[%add3A_1428, %dma_wait3A_1436, %dma_wait3A_1437] : memref<16384x56x128xf32, #tpu.memory_space<hbm>> -> memref<1x50x64xf32, #tpu.memory_space<hbm>>
          %dma_wait3A_1439 = tpu.memref_squeeze %dma_wait3A_1438 : memref<1x50x64xf32, #tpu.memory_space<hbm>> -> memref<50x64xf32, #tpu.memory_space<hbm>>
          %dma_wait3A_1440 = arith.constant 50 : i32
          %dma_wait3A_1441 = arith.constant 0 : i32
          %dma_wait3A_1442 = tpu.memref_slice %arg7[%dma_wait3A_1440, %dma_wait3A_1441] : memref<200x64xf32, #tpu.memory_space<vmem>> -> memref<50x64xf32, #tpu.memory_space<vmem>>
          tpu.wait_dma2 semaphore(%arg23 : memref<!tpu.dma_semaphore, #tpu.memory_space<semaphore_mem>>) src(%dma_wait3A_1442 : memref<50x64xf32, #tpu.memory_space<vmem>>) dst(%dma_wait3A_1439 : memref<50x64xf32, #tpu.memory_space<hbm>>)
          %mul3A_1443 = arith.constant 4 : i32
          %mul3A_1444 = arith.muli %sub3A_1404, %mul3A_1443 : i32
          %add3A_1445 = arith.addi %mul3A_2, %mul3A_1444 : i32
          %add3A_1446 = arith.constant 2 : i32
          %add3A_1447 = arith.addi %add3A_1445, %add3A_1446 : i32
          %dma_wait3A_1448 = arith.constant 100 : i32
          %dma_wait3A_1449 = arith.constant 0 : i32
          %dma_wait3A_1450 = tpu.memref_slice %arg7[%dma_wait3A_1448, %dma_wait3A_1449] : memref<200x64xf32, #tpu.memory_space<vmem>> -> memref<50x64xf32, #tpu.memory_space<vmem>>
          %dma_wait3A_1451 = arith.constant 0 : i32
          %dma_wait3A_1452 = arith.constant 0 : i32
          %dma_wait3A_1453 = tpu.memref_slice %arg4[%add3A_1447, %dma_wait3A_1451, %dma_wait3A_1452] : memref<16384x56x128xf32, #tpu.memory_space<hbm>> -> memref<1x50x64xf32, #tpu.memory_space<hbm>>
          %dma_wait3A_1454 = tpu.memref_squeeze %dma_wait3A_1453 : memref<1x50x64xf32, #tpu.memory_space<hbm>> -> memref<50x64xf32, #tpu.memory_space<hbm>>
          %dma_wait3A_1455 = arith.constant 0 : i32
          %dma_wait3A_1456 = arith.constant 0 : i32
          %dma_wait3A_1457 = tpu.memref_slice %arg4[%add3A_1447, %dma_wait3A_1455, %dma_wait3A_1456] : memref<16384x56x128xf32, #tpu.memory_space<hbm>> -> memref<1x50x64xf32, #tpu.memory_space<hbm>>
          %dma_wait3A_1458 = tpu.memref_squeeze %dma_wait3A_1457 : memref<1x50x64xf32, #tpu.memory_space<hbm>> -> memref<50x64xf32, #tpu.memory_space<hbm>>
          %dma_wait3A_1459 = arith.constant 100 : i32
          %dma_wait3A_1460 = arith.constant 0 : i32
          %dma_wait3A_1461 = tpu.memref_slice %arg7[%dma_wait3A_1459, %dma_wait3A_1460] : memref<200x64xf32, #tpu.memory_space<vmem>> -> memref<50x64xf32, #tpu.memory_space<vmem>>
          tpu.wait_dma2 semaphore(%arg23 : memref<!tpu.dma_semaphore, #tpu.memory_space<semaphore_mem>>) src(%dma_wait3A_1461 : memref<50x64xf32, #tpu.memory_space<vmem>>) dst(%dma_wait3A_1458 : memref<50x64xf32, #tpu.memory_space<hbm>>)
          %mul3A_1462 = arith.constant 4 : i32
          %mul3A_1463 = arith.muli %sub3A_1404, %mul3A_1462 : i32
          %add3A_1464 = arith.addi %mul3A_2, %mul3A_1463 : i32
          %add3A_1465 = arith.constant 3 : i32
          %add3A_1466 = arith.addi %add3A_1464, %add3A_1465 : i32
          %dma_wait3A_1467 = arith.constant 150 : i32
          %dma_wait3A_1468 = arith.constant 0 : i32
          %dma_wait3A_1469 = tpu.memref_slice %arg7[%dma_wait3A_1467, %dma_wait3A_1468] : memref<200x64xf32, #tpu.memory_space<vmem>> -> memref<50x64xf32, #tpu.memory_space<vmem>>
          %dma_wait3A_1470 = arith.constant 0 : i32
          %dma_wait3A_1471 = arith.constant 0 : i32
          %dma_wait3A_1472 = tpu.memref_slice %arg4[%add3A_1466, %dma_wait3A_1470, %dma_wait3A_1471] : memref<16384x56x128xf32, #tpu.memory_space<hbm>> -> memref<1x50x64xf32, #tpu.memory_space<hbm>>
          %dma_wait3A_1473 = tpu.memref_squeeze %dma_wait3A_1472 : memref<1x50x64xf32, #tpu.memory_space<hbm>> -> memref<50x64xf32, #tpu.memory_space<hbm>>
          %dma_wait3A_1474 = arith.constant 0 : i32
          %dma_wait3A_1475 = arith.constant 0 : i32
          %dma_wait3A_1476 = tpu.memref_slice %arg4[%add3A_1466, %dma_wait3A_1474, %dma_wait3A_1475] : memref<16384x56x128xf32, #tpu.memory_space<hbm>> -> memref<1x50x64xf32, #tpu.memory_space<hbm>>
          %dma_wait3A_1477 = tpu.memref_squeeze %dma_wait3A_1476 : memref<1x50x64xf32, #tpu.memory_space<hbm>> -> memref<50x64xf32, #tpu.memory_space<hbm>>
          %dma_wait3A_1478 = arith.constant 150 : i32
          %dma_wait3A_1479 = arith.constant 0 : i32
          %dma_wait3A_1480 = tpu.memref_slice %arg7[%dma_wait3A_1478, %dma_wait3A_1479] : memref<200x64xf32, #tpu.memory_space<vmem>> -> memref<50x64xf32, #tpu.memory_space<vmem>>
          tpu.wait_dma2 semaphore(%arg23 : memref<!tpu.dma_semaphore, #tpu.memory_space<semaphore_mem>>) src(%dma_wait3A_1480 : memref<50x64xf32, #tpu.memory_space<vmem>>) dst(%dma_wait3A_1477 : memref<50x64xf32, #tpu.memory_space<hbm>>)
        } else {
        }
        %dma_start3A_1397 = arith.constant 0 : i32
        %dma_start3A_1398 = tpu.memref_slice %arg5[%sub3A_911, %dma_start3A_1397] : memref<128x200xi32, #tpu.memory_space<vmem>> -> memref<1x200xi32, #tpu.memory_space<vmem>>
        %dma_start3A_1399 = tpu.memref_squeeze %dma_start3A_1398 : memref<1x200xi32, #tpu.memory_space<vmem>> -> memref<200xi32, #tpu.memory_space<vmem>>
        %dma_start3A_1400 = arith.constant 0 : i32
        %dma_start3A_1401 = arith.constant 0 : i32
        %dma_start3A_1402 = tpu.memref_slice %arg3[%dma_start3A_1400, %dma_start3A_1401] : memref<1000000x64xf32, #tpu.memory_space<hbm>> -> memref<1000000x64xf32, #tpu.memory_space<hbm>>
        tpu.enqueue_indirect_dma source(%dma_start3A_1402 : memref<1000000x64xf32, #tpu.memory_space<hbm>>) target(%arg7 : memref<200x64xf32, #tpu.memory_space<vmem>>) offsets(%dma_start3A_1399 : memref<200xi32, #tpu.memory_space<vmem>>) semaphore(%arg15 : memref<!tpu.dma_semaphore, #tpu.memory_space<semaphore_mem>>)
      } else {
      }
      %mul3A_917 = arith.constant 8 : i32
      %mul3A_918 = arith.muli %scan3A_634, %mul3A_917 : i32
      %add3A_919 = arith.constant 3 : i32
      %add3A_920 = arith.addi %mul3A_918, %add3A_919 : i32
      %dma_wait3A_921 = arith.constant 0 : i32
      %dma_wait3A_922 = tpu.memref_slice %arg5[%add3A_920, %dma_wait3A_921] : memref<128x200xi32, #tpu.memory_space<vmem>> -> memref<1x200xi32, #tpu.memory_space<vmem>>
      %dma_wait3A_923 = tpu.memref_squeeze %dma_wait3A_922 : memref<1x200xi32, #tpu.memory_space<vmem>> -> memref<200xi32, #tpu.memory_space<vmem>>
      %dma_wait3A_924 = arith.constant 0 : i32
      %dma_wait3A_925 = arith.constant 0 : i32
      %dma_wait3A_926 = tpu.memref_slice %arg3[%dma_wait3A_924, %dma_wait3A_925] : memref<1000000x64xf32, #tpu.memory_space<hbm>> -> memref<1000000x64xf32, #tpu.memory_space<hbm>>
      tpu.wait_indirect_dma semaphore(%arg17 : memref<!tpu.dma_semaphore, #tpu.memory_space<semaphore_mem>>) src(%dma_wait3A_926 : memref<1000000x64xf32, #tpu.memory_space<hbm>>) dst(%arg9 : memref<200x64xf32, #tpu.memory_space<vmem>>)
      %mul3A_927 = arith.constant 4 : i32
      %mul3A_928 = arith.muli %add3A_920, %mul3A_927 : i32
      %add3A_929 = arith.addi %mul3A_2, %mul3A_928 : i32
      %add3A_930 = arith.constant 0 : i32
      %add3A_931 = arith.addi %add3A_929, %add3A_930 : i32
      %dma_start3A_932 = arith.constant 0 : i32
      %dma_start3A_933 = arith.constant 0 : i32
      %dma_start3A_934 = tpu.memref_slice %arg9[%dma_start3A_932, %dma_start3A_933] : memref<200x64xf32, #tpu.memory_space<vmem>> -> memref<50x64xf32, #tpu.memory_space<vmem>>
      %dma_start3A_935 = arith.constant 0 : i32
      %dma_start3A_936 = arith.constant 0 : i32
      %dma_start3A_937 = tpu.memref_slice %arg4[%add3A_931, %dma_start3A_935, %dma_start3A_936] : memref<16384x56x128xf32, #tpu.memory_space<hbm>> -> memref<1x50x64xf32, #tpu.memory_space<hbm>>
      %dma_start3A_938 = tpu.memref_squeeze %dma_start3A_937 : memref<1x50x64xf32, #tpu.memory_space<hbm>> -> memref<50x64xf32, #tpu.memory_space<hbm>>
      %dma_start3A_939 = arith.constant 0 : i32
      %dma_start3A_940 = arith.constant 0 : i32
      %dma_start3A_941 = tpu.memref_slice %arg4[%add3A_931, %dma_start3A_939, %dma_start3A_940] : memref<16384x56x128xf32, #tpu.memory_space<hbm>> -> memref<1x50x64xf32, #tpu.memory_space<hbm>>
      %dma_start3A_942 = tpu.memref_squeeze %dma_start3A_941 : memref<1x50x64xf32, #tpu.memory_space<hbm>> -> memref<50x64xf32, #tpu.memory_space<hbm>>
      %dma_start3A_943 = arith.constant 0 : i32
      %dma_start3A_944 = arith.constant 0 : i32
      %dma_start3A_945 = tpu.memref_slice %arg9[%dma_start3A_943, %dma_start3A_944] : memref<200x64xf32, #tpu.memory_space<vmem>> -> memref<50x64xf32, #tpu.memory_space<vmem>>
      tpu.enqueue_dma source(%dma_start3A_945 : memref<50x64xf32, #tpu.memory_space<vmem>>) target(%dma_start3A_942 : memref<50x64xf32, #tpu.memory_space<hbm>>) target_semaphore(%arg25 : memref<!tpu.dma_semaphore, #tpu.memory_space<semaphore_mem>>)
      %mul3A_946 = arith.constant 4 : i32
      %mul3A_947 = arith.muli %add3A_920, %mul3A_946 : i32
      %add3A_948 = arith.addi %mul3A_2, %mul3A_947 : i32
      %add3A_949 = arith.constant 1 : i32
      %add3A_950 = arith.addi %add3A_948, %add3A_949 : i32
      %dma_start3A_951 = arith.constant 50 : i32
      %dma_start3A_952 = arith.constant 0 : i32
      %dma_start3A_953 = tpu.memref_slice %arg9[%dma_start3A_951, %dma_start3A_952] : memref<200x64xf32, #tpu.memory_space<vmem>> -> memref<50x64xf32, #tpu.memory_space<vmem>>
      %dma_start3A_954 = arith.constant 0 : i32
      %dma_start3A_955 = arith.constant 0 : i32
      %dma_start3A_956 = tpu.memref_slice %arg4[%add3A_950, %dma_start3A_954, %dma_start3A_955] : memref<16384x56x128xf32, #tpu.memory_space<hbm>> -> memref<1x50x64xf32, #tpu.memory_space<hbm>>
      %dma_start3A_957 = tpu.memref_squeeze %dma_start3A_956 : memref<1x50x64xf32, #tpu.memory_space<hbm>> -> memref<50x64xf32, #tpu.memory_space<hbm>>
      %dma_start3A_958 = arith.constant 0 : i32
      %dma_start3A_959 = arith.constant 0 : i32
      %dma_start3A_960 = tpu.memref_slice %arg4[%add3A_950, %dma_start3A_958, %dma_start3A_959] : memref<16384x56x128xf32, #tpu.memory_space<hbm>> -> memref<1x50x64xf32, #tpu.memory_space<hbm>>
      %dma_start3A_961 = tpu.memref_squeeze %dma_start3A_960 : memref<1x50x64xf32, #tpu.memory_space<hbm>> -> memref<50x64xf32, #tpu.memory_space<hbm>>
      %dma_start3A_962 = arith.constant 50 : i32
      %dma_start3A_963 = arith.constant 0 : i32
      %dma_start3A_964 = tpu.memref_slice %arg9[%dma_start3A_962, %dma_start3A_963] : memref<200x64xf32, #tpu.memory_space<vmem>> -> memref<50x64xf32, #tpu.memory_space<vmem>>
      tpu.enqueue_dma source(%dma_start3A_964 : memref<50x64xf32, #tpu.memory_space<vmem>>) target(%dma_start3A_961 : memref<50x64xf32, #tpu.memory_space<hbm>>) target_semaphore(%arg25 : memref<!tpu.dma_semaphore, #tpu.memory_space<semaphore_mem>>)
      %mul3A_965 = arith.constant 4 : i32
      %mul3A_966 = arith.muli %add3A_920, %mul3A_965 : i32
      %add3A_967 = arith.addi %mul3A_2, %mul3A_966 : i32
      %add3A_968 = arith.constant 2 : i32
      %add3A_969 = arith.addi %add3A_967, %add3A_968 : i32
      %dma_start3A_970 = arith.constant 100 : i32
      %dma_start3A_971 = arith.constant 0 : i32
      %dma_start3A_972 = tpu.memref_slice %arg9[%dma_start3A_970, %dma_start3A_971] : memref<200x64xf32, #tpu.memory_space<vmem>> -> memref<50x64xf32, #tpu.memory_space<vmem>>
      %dma_start3A_973 = arith.constant 0 : i32
      %dma_start3A_974 = arith.constant 0 : i32
      %dma_start3A_975 = tpu.memref_slice %arg4[%add3A_969, %dma_start3A_973, %dma_start3A_974] : memref<16384x56x128xf32, #tpu.memory_space<hbm>> -> memref<1x50x64xf32, #tpu.memory_space<hbm>>
      %dma_start3A_976 = tpu.memref_squeeze %dma_start3A_975 : memref<1x50x64xf32, #tpu.memory_space<hbm>> -> memref<50x64xf32, #tpu.memory_space<hbm>>
      %dma_start3A_977 = arith.constant 0 : i32
      %dma_start3A_978 = arith.constant 0 : i32
      %dma_start3A_979 = tpu.memref_slice %arg4[%add3A_969, %dma_start3A_977, %dma_start3A_978] : memref<16384x56x128xf32, #tpu.memory_space<hbm>> -> memref<1x50x64xf32, #tpu.memory_space<hbm>>
      %dma_start3A_980 = tpu.memref_squeeze %dma_start3A_979 : memref<1x50x64xf32, #tpu.memory_space<hbm>> -> memref<50x64xf32, #tpu.memory_space<hbm>>
      %dma_start3A_981 = arith.constant 100 : i32
      %dma_start3A_982 = arith.constant 0 : i32
      %dma_start3A_983 = tpu.memref_slice %arg9[%dma_start3A_981, %dma_start3A_982] : memref<200x64xf32, #tpu.memory_space<vmem>> -> memref<50x64xf32, #tpu.memory_space<vmem>>
      tpu.enqueue_dma source(%dma_start3A_983 : memref<50x64xf32, #tpu.memory_space<vmem>>) target(%dma_start3A_980 : memref<50x64xf32, #tpu.memory_space<hbm>>) target_semaphore(%arg25 : memref<!tpu.dma_semaphore, #tpu.memory_space<semaphore_mem>>)
      %mul3A_984 = arith.constant 4 : i32
      %mul3A_985 = arith.muli %add3A_920, %mul3A_984 : i32
      %add3A_986 = arith.addi %mul3A_2, %mul3A_985 : i32
      %add3A_987 = arith.constant 3 : i32
      %add3A_988 = arith.addi %add3A_986, %add3A_987 : i32
      %dma_start3A_989 = arith.constant 150 : i32
      %dma_start3A_990 = arith.constant 0 : i32
      %dma_start3A_991 = tpu.memref_slice %arg9[%dma_start3A_989, %dma_start3A_990] : memref<200x64xf32, #tpu.memory_space<vmem>> -> memref<50x64xf32, #tpu.memory_space<vmem>>
      %dma_start3A_992 = arith.constant 0 : i32
      %dma_start3A_993 = arith.constant 0 : i32
      %dma_start3A_994 = tpu.memref_slice %arg4[%add3A_988, %dma_start3A_992, %dma_start3A_993] : memref<16384x56x128xf32, #tpu.memory_space<hbm>> -> memref<1x50x64xf32, #tpu.memory_space<hbm>>
      %dma_start3A_995 = tpu.memref_squeeze %dma_start3A_994 : memref<1x50x64xf32, #tpu.memory_space<hbm>> -> memref<50x64xf32, #tpu.memory_space<hbm>>
      %dma_start3A_996 = arith.constant 0 : i32
      %dma_start3A_997 = arith.constant 0 : i32
      %dma_start3A_998 = tpu.memref_slice %arg4[%add3A_988, %dma_start3A_996, %dma_start3A_997] : memref<16384x56x128xf32, #tpu.memory_space<hbm>> -> memref<1x50x64xf32, #tpu.memory_space<hbm>>
      %dma_start3A_999 = tpu.memref_squeeze %dma_start3A_998 : memref<1x50x64xf32, #tpu.memory_space<hbm>> -> memref<50x64xf32, #tpu.memory_space<hbm>>
      %dma_start3A_1000 = arith.constant 150 : i32
      %dma_start3A_1001 = arith.constant 0 : i32
      %dma_start3A_1002 = tpu.memref_slice %arg9[%dma_start3A_1000, %dma_start3A_1001] : memref<200x64xf32, #tpu.memory_space<vmem>> -> memref<50x64xf32, #tpu.memory_space<vmem>>
      tpu.enqueue_dma source(%dma_start3A_1002 : memref<50x64xf32, #tpu.memory_space<vmem>>) target(%dma_start3A_999 : memref<50x64xf32, #tpu.memory_space<hbm>>) target_semaphore(%arg25 : memref<!tpu.dma_semaphore, #tpu.memory_space<semaphore_mem>>)
      %add3A_1003 = arith.constant 8 : i32
      %add3A_1004 = arith.addi %add3A_920, %add3A_1003 : i32
      %sub3A_1005 = arith.constant 1 : i32
      %sub3A_1006 = arith.subi %add3A_1004, %sub3A_1005 : i32
      %lt3A_1007 = arith.constant 128 : i32
      %lt3A_1008 = arith.cmpi slt, %sub3A_1006, %lt3A_1007 : i32
      %convert_element_type3A_1009 = arith.extui %lt3A_1008 : i1 to i32
      %cond3A_1010 = arith.constant 0 : i32
      %cond3A_1011 = arith.cmpi ne, %convert_element_type3A_1009, %cond3A_1010 : i32
      scf.if %cond3A_1011 {
        %ge3A = arith.constant 8 : i32
        %ge3A_1393 = arith.cmpi sge, %sub3A_1006, %ge3A : i32
        %convert_element_type3A_1394 = arith.extui %ge3A_1393 : i1 to i32
        %cond3A_1395 = arith.constant 0 : i32
        %cond3A_1396 = arith.cmpi ne, %convert_element_type3A_1394, %cond3A_1395 : i32
        scf.if %cond3A_1396 {
          %sub3A_1403 = arith.constant 8 : i32
          %sub3A_1404 = arith.subi %sub3A_1006, %sub3A_1403 : i32
          %mul3A_1405 = arith.constant 4 : i32
          %mul3A_1406 = arith.muli %sub3A_1404, %mul3A_1405 : i32
          %add3A_1407 = arith.addi %mul3A_2, %mul3A_1406 : i32
          %add3A_1408 = arith.constant 0 : i32
          %add3A_1409 = arith.addi %add3A_1407, %add3A_1408 : i32
          %dma_wait3A_1410 = arith.constant 0 : i32
          %dma_wait3A_1411 = arith.constant 0 : i32
          %dma_wait3A_1412 = tpu.memref_slice %arg8[%dma_wait3A_1410, %dma_wait3A_1411] : memref<200x64xf32, #tpu.memory_space<vmem>> -> memref<50x64xf32, #tpu.memory_space<vmem>>
          %dma_wait3A_1413 = arith.constant 0 : i32
          %dma_wait3A_1414 = arith.constant 0 : i32
          %dma_wait3A_1415 = tpu.memref_slice %arg4[%add3A_1409, %dma_wait3A_1413, %dma_wait3A_1414] : memref<16384x56x128xf32, #tpu.memory_space<hbm>> -> memref<1x50x64xf32, #tpu.memory_space<hbm>>
          %dma_wait3A_1416 = tpu.memref_squeeze %dma_wait3A_1415 : memref<1x50x64xf32, #tpu.memory_space<hbm>> -> memref<50x64xf32, #tpu.memory_space<hbm>>
          %dma_wait3A_1417 = arith.constant 0 : i32
          %dma_wait3A_1418 = arith.constant 0 : i32
          %dma_wait3A_1419 = tpu.memref_slice %arg4[%add3A_1409, %dma_wait3A_1417, %dma_wait3A_1418] : memref<16384x56x128xf32, #tpu.memory_space<hbm>> -> memref<1x50x64xf32, #tpu.memory_space<hbm>>
          %dma_wait3A_1420 = tpu.memref_squeeze %dma_wait3A_1419 : memref<1x50x64xf32, #tpu.memory_space<hbm>> -> memref<50x64xf32, #tpu.memory_space<hbm>>
          %dma_wait3A_1421 = arith.constant 0 : i32
          %dma_wait3A_1422 = arith.constant 0 : i32
          %dma_wait3A_1423 = tpu.memref_slice %arg8[%dma_wait3A_1421, %dma_wait3A_1422] : memref<200x64xf32, #tpu.memory_space<vmem>> -> memref<50x64xf32, #tpu.memory_space<vmem>>
          tpu.wait_dma2 semaphore(%arg24 : memref<!tpu.dma_semaphore, #tpu.memory_space<semaphore_mem>>) src(%dma_wait3A_1423 : memref<50x64xf32, #tpu.memory_space<vmem>>) dst(%dma_wait3A_1420 : memref<50x64xf32, #tpu.memory_space<hbm>>)
          %mul3A_1424 = arith.constant 4 : i32
          %mul3A_1425 = arith.muli %sub3A_1404, %mul3A_1424 : i32
          %add3A_1426 = arith.addi %mul3A_2, %mul3A_1425 : i32
          %add3A_1427 = arith.constant 1 : i32
          %add3A_1428 = arith.addi %add3A_1426, %add3A_1427 : i32
          %dma_wait3A_1429 = arith.constant 50 : i32
          %dma_wait3A_1430 = arith.constant 0 : i32
          %dma_wait3A_1431 = tpu.memref_slice %arg8[%dma_wait3A_1429, %dma_wait3A_1430] : memref<200x64xf32, #tpu.memory_space<vmem>> -> memref<50x64xf32, #tpu.memory_space<vmem>>
          %dma_wait3A_1432 = arith.constant 0 : i32
          %dma_wait3A_1433 = arith.constant 0 : i32
          %dma_wait3A_1434 = tpu.memref_slice %arg4[%add3A_1428, %dma_wait3A_1432, %dma_wait3A_1433] : memref<16384x56x128xf32, #tpu.memory_space<hbm>> -> memref<1x50x64xf32, #tpu.memory_space<hbm>>
          %dma_wait3A_1435 = tpu.memref_squeeze %dma_wait3A_1434 : memref<1x50x64xf32, #tpu.memory_space<hbm>> -> memref<50x64xf32, #tpu.memory_space<hbm>>
          %dma_wait3A_1436 = arith.constant 0 : i32
          %dma_wait3A_1437 = arith.constant 0 : i32
          %dma_wait3A_1438 = tpu.memref_slice %arg4[%add3A_1428, %dma_wait3A_1436, %dma_wait3A_1437] : memref<16384x56x128xf32, #tpu.memory_space<hbm>> -> memref<1x50x64xf32, #tpu.memory_space<hbm>>
          %dma_wait3A_1439 = tpu.memref_squeeze %dma_wait3A_1438 : memref<1x50x64xf32, #tpu.memory_space<hbm>> -> memref<50x64xf32, #tpu.memory_space<hbm>>
          %dma_wait3A_1440 = arith.constant 50 : i32
          %dma_wait3A_1441 = arith.constant 0 : i32
          %dma_wait3A_1442 = tpu.memref_slice %arg8[%dma_wait3A_1440, %dma_wait3A_1441] : memref<200x64xf32, #tpu.memory_space<vmem>> -> memref<50x64xf32, #tpu.memory_space<vmem>>
          tpu.wait_dma2 semaphore(%arg24 : memref<!tpu.dma_semaphore, #tpu.memory_space<semaphore_mem>>) src(%dma_wait3A_1442 : memref<50x64xf32, #tpu.memory_space<vmem>>) dst(%dma_wait3A_1439 : memref<50x64xf32, #tpu.memory_space<hbm>>)
          %mul3A_1443 = arith.constant 4 : i32
          %mul3A_1444 = arith.muli %sub3A_1404, %mul3A_1443 : i32
          %add3A_1445 = arith.addi %mul3A_2, %mul3A_1444 : i32
          %add3A_1446 = arith.constant 2 : i32
          %add3A_1447 = arith.addi %add3A_1445, %add3A_1446 : i32
          %dma_wait3A_1448 = arith.constant 100 : i32
          %dma_wait3A_1449 = arith.constant 0 : i32
          %dma_wait3A_1450 = tpu.memref_slice %arg8[%dma_wait3A_1448, %dma_wait3A_1449] : memref<200x64xf32, #tpu.memory_space<vmem>> -> memref<50x64xf32, #tpu.memory_space<vmem>>
          %dma_wait3A_1451 = arith.constant 0 : i32
          %dma_wait3A_1452 = arith.constant 0 : i32
          %dma_wait3A_1453 = tpu.memref_slice %arg4[%add3A_1447, %dma_wait3A_1451, %dma_wait3A_1452] : memref<16384x56x128xf32, #tpu.memory_space<hbm>> -> memref<1x50x64xf32, #tpu.memory_space<hbm>>
          %dma_wait3A_1454 = tpu.memref_squeeze %dma_wait3A_1453 : memref<1x50x64xf32, #tpu.memory_space<hbm>> -> memref<50x64xf32, #tpu.memory_space<hbm>>
          %dma_wait3A_1455 = arith.constant 0 : i32
          %dma_wait3A_1456 = arith.constant 0 : i32
          %dma_wait3A_1457 = tpu.memref_slice %arg4[%add3A_1447, %dma_wait3A_1455, %dma_wait3A_1456] : memref<16384x56x128xf32, #tpu.memory_space<hbm>> -> memref<1x50x64xf32, #tpu.memory_space<hbm>>
          %dma_wait3A_1458 = tpu.memref_squeeze %dma_wait3A_1457 : memref<1x50x64xf32, #tpu.memory_space<hbm>> -> memref<50x64xf32, #tpu.memory_space<hbm>>
          %dma_wait3A_1459 = arith.constant 100 : i32
          %dma_wait3A_1460 = arith.constant 0 : i32
          %dma_wait3A_1461 = tpu.memref_slice %arg8[%dma_wait3A_1459, %dma_wait3A_1460] : memref<200x64xf32, #tpu.memory_space<vmem>> -> memref<50x64xf32, #tpu.memory_space<vmem>>
          tpu.wait_dma2 semaphore(%arg24 : memref<!tpu.dma_semaphore, #tpu.memory_space<semaphore_mem>>) src(%dma_wait3A_1461 : memref<50x64xf32, #tpu.memory_space<vmem>>) dst(%dma_wait3A_1458 : memref<50x64xf32, #tpu.memory_space<hbm>>)
          %mul3A_1462 = arith.constant 4 : i32
          %mul3A_1463 = arith.muli %sub3A_1404, %mul3A_1462 : i32
          %add3A_1464 = arith.addi %mul3A_2, %mul3A_1463 : i32
          %add3A_1465 = arith.constant 3 : i32
          %add3A_1466 = arith.addi %add3A_1464, %add3A_1465 : i32
          %dma_wait3A_1467 = arith.constant 150 : i32
          %dma_wait3A_1468 = arith.constant 0 : i32
          %dma_wait3A_1469 = tpu.memref_slice %arg8[%dma_wait3A_1467, %dma_wait3A_1468] : memref<200x64xf32, #tpu.memory_space<vmem>> -> memref<50x64xf32, #tpu.memory_space<vmem>>
          %dma_wait3A_1470 = arith.constant 0 : i32
          %dma_wait3A_1471 = arith.constant 0 : i32
          %dma_wait3A_1472 = tpu.memref_slice %arg4[%add3A_1466, %dma_wait3A_1470, %dma_wait3A_1471] : memref<16384x56x128xf32, #tpu.memory_space<hbm>> -> memref<1x50x64xf32, #tpu.memory_space<hbm>>
          %dma_wait3A_1473 = tpu.memref_squeeze %dma_wait3A_1472 : memref<1x50x64xf32, #tpu.memory_space<hbm>> -> memref<50x64xf32, #tpu.memory_space<hbm>>
          %dma_wait3A_1474 = arith.constant 0 : i32
          %dma_wait3A_1475 = arith.constant 0 : i32
          %dma_wait3A_1476 = tpu.memref_slice %arg4[%add3A_1466, %dma_wait3A_1474, %dma_wait3A_1475] : memref<16384x56x128xf32, #tpu.memory_space<hbm>> -> memref<1x50x64xf32, #tpu.memory_space<hbm>>
          %dma_wait3A_1477 = tpu.memref_squeeze %dma_wait3A_1476 : memref<1x50x64xf32, #tpu.memory_space<hbm>> -> memref<50x64xf32, #tpu.memory_space<hbm>>
          %dma_wait3A_1478 = arith.constant 150 : i32
          %dma_wait3A_1479 = arith.constant 0 : i32
          %dma_wait3A_1480 = tpu.memref_slice %arg8[%dma_wait3A_1478, %dma_wait3A_1479] : memref<200x64xf32, #tpu.memory_space<vmem>> -> memref<50x64xf32, #tpu.memory_space<vmem>>
          tpu.wait_dma2 semaphore(%arg24 : memref<!tpu.dma_semaphore, #tpu.memory_space<semaphore_mem>>) src(%dma_wait3A_1480 : memref<50x64xf32, #tpu.memory_space<vmem>>) dst(%dma_wait3A_1477 : memref<50x64xf32, #tpu.memory_space<hbm>>)
        } else {
        }
        %dma_start3A_1397 = arith.constant 0 : i32
        %dma_start3A_1398 = tpu.memref_slice %arg5[%sub3A_1006, %dma_start3A_1397] : memref<128x200xi32, #tpu.memory_space<vmem>> -> memref<1x200xi32, #tpu.memory_space<vmem>>
        %dma_start3A_1399 = tpu.memref_squeeze %dma_start3A_1398 : memref<1x200xi32, #tpu.memory_space<vmem>> -> memref<200xi32, #tpu.memory_space<vmem>>
        %dma_start3A_1400 = arith.constant 0 : i32
        %dma_start3A_1401 = arith.constant 0 : i32
        %dma_start3A_1402 = tpu.memref_slice %arg3[%dma_start3A_1400, %dma_start3A_1401] : memref<1000000x64xf32, #tpu.memory_space<hbm>> -> memref<1000000x64xf32, #tpu.memory_space<hbm>>
        tpu.enqueue_indirect_dma source(%dma_start3A_1402 : memref<1000000x64xf32, #tpu.memory_space<hbm>>) target(%arg8 : memref<200x64xf32, #tpu.memory_space<vmem>>) offsets(%dma_start3A_1399 : memref<200xi32, #tpu.memory_space<vmem>>) semaphore(%arg16 : memref<!tpu.dma_semaphore, #tpu.memory_space<semaphore_mem>>)
      } else {
      }
      %mul3A_1012 = arith.constant 8 : i32
      %mul3A_1013 = arith.muli %scan3A_634, %mul3A_1012 : i32
      %add3A_1014 = arith.constant 4 : i32
      %add3A_1015 = arith.addi %mul3A_1013, %add3A_1014 : i32
      %dma_wait3A_1016 = arith.constant 0 : i32
      %dma_wait3A_1017 = tpu.memref_slice %arg5[%add3A_1015, %dma_wait3A_1016] : memref<128x200xi32, #tpu.memory_space<vmem>> -> memref<1x200xi32, #tpu.memory_space<vmem>>
      %dma_wait3A_1018 = tpu.memref_squeeze %dma_wait3A_1017 : memref<1x200xi32, #tpu.memory_space<vmem>> -> memref<200xi32, #tpu.memory_space<vmem>>
      %dma_wait3A_1019 = arith.constant 0 : i32
      %dma_wait3A_1020 = arith.constant 0 : i32
      %dma_wait3A_1021 = tpu.memref_slice %arg3[%dma_wait3A_1019, %dma_wait3A_1020] : memref<1000000x64xf32, #tpu.memory_space<hbm>> -> memref<1000000x64xf32, #tpu.memory_space<hbm>>
      tpu.wait_indirect_dma semaphore(%arg18 : memref<!tpu.dma_semaphore, #tpu.memory_space<semaphore_mem>>) src(%dma_wait3A_1021 : memref<1000000x64xf32, #tpu.memory_space<hbm>>) dst(%arg10 : memref<200x64xf32, #tpu.memory_space<vmem>>)
      %mul3A_1022 = arith.constant 4 : i32
      %mul3A_1023 = arith.muli %add3A_1015, %mul3A_1022 : i32
      %add3A_1024 = arith.addi %mul3A_2, %mul3A_1023 : i32
      %add3A_1025 = arith.constant 0 : i32
      %add3A_1026 = arith.addi %add3A_1024, %add3A_1025 : i32
      %dma_start3A_1027 = arith.constant 0 : i32
      %dma_start3A_1028 = arith.constant 0 : i32
      %dma_start3A_1029 = tpu.memref_slice %arg10[%dma_start3A_1027, %dma_start3A_1028] : memref<200x64xf32, #tpu.memory_space<vmem>> -> memref<50x64xf32, #tpu.memory_space<vmem>>
      %dma_start3A_1030 = arith.constant 0 : i32
      %dma_start3A_1031 = arith.constant 0 : i32
      %dma_start3A_1032 = tpu.memref_slice %arg4[%add3A_1026, %dma_start3A_1030, %dma_start3A_1031] : memref<16384x56x128xf32, #tpu.memory_space<hbm>> -> memref<1x50x64xf32, #tpu.memory_space<hbm>>
      %dma_start3A_1033 = tpu.memref_squeeze %dma_start3A_1032 : memref<1x50x64xf32, #tpu.memory_space<hbm>> -> memref<50x64xf32, #tpu.memory_space<hbm>>
      %dma_start3A_1034 = arith.constant 0 : i32
      %dma_start3A_1035 = arith.constant 0 : i32
      %dma_start3A_1036 = tpu.memref_slice %arg4[%add3A_1026, %dma_start3A_1034, %dma_start3A_1035] : memref<16384x56x128xf32, #tpu.memory_space<hbm>> -> memref<1x50x64xf32, #tpu.memory_space<hbm>>
      %dma_start3A_1037 = tpu.memref_squeeze %dma_start3A_1036 : memref<1x50x64xf32, #tpu.memory_space<hbm>> -> memref<50x64xf32, #tpu.memory_space<hbm>>
      %dma_start3A_1038 = arith.constant 0 : i32
      %dma_start3A_1039 = arith.constant 0 : i32
      %dma_start3A_1040 = tpu.memref_slice %arg10[%dma_start3A_1038, %dma_start3A_1039] : memref<200x64xf32, #tpu.memory_space<vmem>> -> memref<50x64xf32, #tpu.memory_space<vmem>>
      tpu.enqueue_dma source(%dma_start3A_1040 : memref<50x64xf32, #tpu.memory_space<vmem>>) target(%dma_start3A_1037 : memref<50x64xf32, #tpu.memory_space<hbm>>) target_semaphore(%arg26 : memref<!tpu.dma_semaphore, #tpu.memory_space<semaphore_mem>>)
      %mul3A_1041 = arith.constant 4 : i32
      %mul3A_1042 = arith.muli %add3A_1015, %mul3A_1041 : i32
      %add3A_1043 = arith.addi %mul3A_2, %mul3A_1042 : i32
      %add3A_1044 = arith.constant 1 : i32
      %add3A_1045 = arith.addi %add3A_1043, %add3A_1044 : i32
      %dma_start3A_1046 = arith.constant 50 : i32
      %dma_start3A_1047 = arith.constant 0 : i32
      %dma_start3A_1048 = tpu.memref_slice %arg10[%dma_start3A_1046, %dma_start3A_1047] : memref<200x64xf32, #tpu.memory_space<vmem>> -> memref<50x64xf32, #tpu.memory_space<vmem>>
      %dma_start3A_1049 = arith.constant 0 : i32
      %dma_start3A_1050 = arith.constant 0 : i32
      %dma_start3A_1051 = tpu.memref_slice %arg4[%add3A_1045, %dma_start3A_1049, %dma_start3A_1050] : memref<16384x56x128xf32, #tpu.memory_space<hbm>> -> memref<1x50x64xf32, #tpu.memory_space<hbm>>
      %dma_start3A_1052 = tpu.memref_squeeze %dma_start3A_1051 : memref<1x50x64xf32, #tpu.memory_space<hbm>> -> memref<50x64xf32, #tpu.memory_space<hbm>>
      %dma_start3A_1053 = arith.constant 0 : i32
      %dma_start3A_1054 = arith.constant 0 : i32
      %dma_start3A_1055 = tpu.memref_slice %arg4[%add3A_1045, %dma_start3A_1053, %dma_start3A_1054] : memref<16384x56x128xf32, #tpu.memory_space<hbm>> -> memref<1x50x64xf32, #tpu.memory_space<hbm>>
      %dma_start3A_1056 = tpu.memref_squeeze %dma_start3A_1055 : memref<1x50x64xf32, #tpu.memory_space<hbm>> -> memref<50x64xf32, #tpu.memory_space<hbm>>
      %dma_start3A_1057 = arith.constant 50 : i32
      %dma_start3A_1058 = arith.constant 0 : i32
      %dma_start3A_1059 = tpu.memref_slice %arg10[%dma_start3A_1057, %dma_start3A_1058] : memref<200x64xf32, #tpu.memory_space<vmem>> -> memref<50x64xf32, #tpu.memory_space<vmem>>
      tpu.enqueue_dma source(%dma_start3A_1059 : memref<50x64xf32, #tpu.memory_space<vmem>>) target(%dma_start3A_1056 : memref<50x64xf32, #tpu.memory_space<hbm>>) target_semaphore(%arg26 : memref<!tpu.dma_semaphore, #tpu.memory_space<semaphore_mem>>)
      %mul3A_1060 = arith.constant 4 : i32
      %mul3A_1061 = arith.muli %add3A_1015, %mul3A_1060 : i32
      %add3A_1062 = arith.addi %mul3A_2, %mul3A_1061 : i32
      %add3A_1063 = arith.constant 2 : i32
      %add3A_1064 = arith.addi %add3A_1062, %add3A_1063 : i32
      %dma_start3A_1065 = arith.constant 100 : i32
      %dma_start3A_1066 = arith.constant 0 : i32
      %dma_start3A_1067 = tpu.memref_slice %arg10[%dma_start3A_1065, %dma_start3A_1066] : memref<200x64xf32, #tpu.memory_space<vmem>> -> memref<50x64xf32, #tpu.memory_space<vmem>>
      %dma_start3A_1068 = arith.constant 0 : i32
      %dma_start3A_1069 = arith.constant 0 : i32
      %dma_start3A_1070 = tpu.memref_slice %arg4[%add3A_1064, %dma_start3A_1068, %dma_start3A_1069] : memref<16384x56x128xf32, #tpu.memory_space<hbm>> -> memref<1x50x64xf32, #tpu.memory_space<hbm>>
      %dma_start3A_1071 = tpu.memref_squeeze %dma_start3A_1070 : memref<1x50x64xf32, #tpu.memory_space<hbm>> -> memref<50x64xf32, #tpu.memory_space<hbm>>
      %dma_start3A_1072 = arith.constant 0 : i32
      %dma_start3A_1073 = arith.constant 0 : i32
      %dma_start3A_1074 = tpu.memref_slice %arg4[%add3A_1064, %dma_start3A_1072, %dma_start3A_1073] : memref<16384x56x128xf32, #tpu.memory_space<hbm>> -> memref<1x50x64xf32, #tpu.memory_space<hbm>>
      %dma_start3A_1075 = tpu.memref_squeeze %dma_start3A_1074 : memref<1x50x64xf32, #tpu.memory_space<hbm>> -> memref<50x64xf32, #tpu.memory_space<hbm>>
      %dma_start3A_1076 = arith.constant 100 : i32
      %dma_start3A_1077 = arith.constant 0 : i32
      %dma_start3A_1078 = tpu.memref_slice %arg10[%dma_start3A_1076, %dma_start3A_1077] : memref<200x64xf32, #tpu.memory_space<vmem>> -> memref<50x64xf32, #tpu.memory_space<vmem>>
      tpu.enqueue_dma source(%dma_start3A_1078 : memref<50x64xf32, #tpu.memory_space<vmem>>) target(%dma_start3A_1075 : memref<50x64xf32, #tpu.memory_space<hbm>>) target_semaphore(%arg26 : memref<!tpu.dma_semaphore, #tpu.memory_space<semaphore_mem>>)
      %mul3A_1079 = arith.constant 4 : i32
      %mul3A_1080 = arith.muli %add3A_1015, %mul3A_1079 : i32
      %add3A_1081 = arith.addi %mul3A_2, %mul3A_1080 : i32
      %add3A_1082 = arith.constant 3 : i32
      %add3A_1083 = arith.addi %add3A_1081, %add3A_1082 : i32
      %dma_start3A_1084 = arith.constant 150 : i32
      %dma_start3A_1085 = arith.constant 0 : i32
      %dma_start3A_1086 = tpu.memref_slice %arg10[%dma_start3A_1084, %dma_start3A_1085] : memref<200x64xf32, #tpu.memory_space<vmem>> -> memref<50x64xf32, #tpu.memory_space<vmem>>
      %dma_start3A_1087 = arith.constant 0 : i32
      %dma_start3A_1088 = arith.constant 0 : i32
      %dma_start3A_1089 = tpu.memref_slice %arg4[%add3A_1083, %dma_start3A_1087, %dma_start3A_1088] : memref<16384x56x128xf32, #tpu.memory_space<hbm>> -> memref<1x50x64xf32, #tpu.memory_space<hbm>>
      %dma_start3A_1090 = tpu.memref_squeeze %dma_start3A_1089 : memref<1x50x64xf32, #tpu.memory_space<hbm>> -> memref<50x64xf32, #tpu.memory_space<hbm>>
      %dma_start3A_1091 = arith.constant 0 : i32
      %dma_start3A_1092 = arith.constant 0 : i32
      %dma_start3A_1093 = tpu.memref_slice %arg4[%add3A_1083, %dma_start3A_1091, %dma_start3A_1092] : memref<16384x56x128xf32, #tpu.memory_space<hbm>> -> memref<1x50x64xf32, #tpu.memory_space<hbm>>
      %dma_start3A_1094 = tpu.memref_squeeze %dma_start3A_1093 : memref<1x50x64xf32, #tpu.memory_space<hbm>> -> memref<50x64xf32, #tpu.memory_space<hbm>>
      %dma_start3A_1095 = arith.constant 150 : i32
      %dma_start3A_1096 = arith.constant 0 : i32
      %dma_start3A_1097 = tpu.memref_slice %arg10[%dma_start3A_1095, %dma_start3A_1096] : memref<200x64xf32, #tpu.memory_space<vmem>> -> memref<50x64xf32, #tpu.memory_space<vmem>>
      tpu.enqueue_dma source(%dma_start3A_1097 : memref<50x64xf32, #tpu.memory_space<vmem>>) target(%dma_start3A_1094 : memref<50x64xf32, #tpu.memory_space<hbm>>) target_semaphore(%arg26 : memref<!tpu.dma_semaphore, #tpu.memory_space<semaphore_mem>>)
      %add3A_1098 = arith.constant 8 : i32
      %add3A_1099 = arith.addi %add3A_1015, %add3A_1098 : i32
      %sub3A_1100 = arith.constant 1 : i32
      %sub3A_1101 = arith.subi %add3A_1099, %sub3A_1100 : i32
      %lt3A_1102 = arith.constant 128 : i32
      %lt3A_1103 = arith.cmpi slt, %sub3A_1101, %lt3A_1102 : i32
      %convert_element_type3A_1104 = arith.extui %lt3A_1103 : i1 to i32
      %cond3A_1105 = arith.constant 0 : i32
      %cond3A_1106 = arith.cmpi ne, %convert_element_type3A_1104, %cond3A_1105 : i32
      scf.if %cond3A_1106 {
        %ge3A = arith.constant 8 : i32
        %ge3A_1393 = arith.cmpi sge, %sub3A_1101, %ge3A : i32
        %convert_element_type3A_1394 = arith.extui %ge3A_1393 : i1 to i32
        %cond3A_1395 = arith.constant 0 : i32
        %cond3A_1396 = arith.cmpi ne, %convert_element_type3A_1394, %cond3A_1395 : i32
        scf.if %cond3A_1396 {
          %sub3A_1403 = arith.constant 8 : i32
          %sub3A_1404 = arith.subi %sub3A_1101, %sub3A_1403 : i32
          %mul3A_1405 = arith.constant 4 : i32
          %mul3A_1406 = arith.muli %sub3A_1404, %mul3A_1405 : i32
          %add3A_1407 = arith.addi %mul3A_2, %mul3A_1406 : i32
          %add3A_1408 = arith.constant 0 : i32
          %add3A_1409 = arith.addi %add3A_1407, %add3A_1408 : i32
          %dma_wait3A_1410 = arith.constant 0 : i32
          %dma_wait3A_1411 = arith.constant 0 : i32
          %dma_wait3A_1412 = tpu.memref_slice %arg9[%dma_wait3A_1410, %dma_wait3A_1411] : memref<200x64xf32, #tpu.memory_space<vmem>> -> memref<50x64xf32, #tpu.memory_space<vmem>>
          %dma_wait3A_1413 = arith.constant 0 : i32
          %dma_wait3A_1414 = arith.constant 0 : i32
          %dma_wait3A_1415 = tpu.memref_slice %arg4[%add3A_1409, %dma_wait3A_1413, %dma_wait3A_1414] : memref<16384x56x128xf32, #tpu.memory_space<hbm>> -> memref<1x50x64xf32, #tpu.memory_space<hbm>>
          %dma_wait3A_1416 = tpu.memref_squeeze %dma_wait3A_1415 : memref<1x50x64xf32, #tpu.memory_space<hbm>> -> memref<50x64xf32, #tpu.memory_space<hbm>>
          %dma_wait3A_1417 = arith.constant 0 : i32
          %dma_wait3A_1418 = arith.constant 0 : i32
          %dma_wait3A_1419 = tpu.memref_slice %arg4[%add3A_1409, %dma_wait3A_1417, %dma_wait3A_1418] : memref<16384x56x128xf32, #tpu.memory_space<hbm>> -> memref<1x50x64xf32, #tpu.memory_space<hbm>>
          %dma_wait3A_1420 = tpu.memref_squeeze %dma_wait3A_1419 : memref<1x50x64xf32, #tpu.memory_space<hbm>> -> memref<50x64xf32, #tpu.memory_space<hbm>>
          %dma_wait3A_1421 = arith.constant 0 : i32
          %dma_wait3A_1422 = arith.constant 0 : i32
          %dma_wait3A_1423 = tpu.memref_slice %arg9[%dma_wait3A_1421, %dma_wait3A_1422] : memref<200x64xf32, #tpu.memory_space<vmem>> -> memref<50x64xf32, #tpu.memory_space<vmem>>
          tpu.wait_dma2 semaphore(%arg25 : memref<!tpu.dma_semaphore, #tpu.memory_space<semaphore_mem>>) src(%dma_wait3A_1423 : memref<50x64xf32, #tpu.memory_space<vmem>>) dst(%dma_wait3A_1420 : memref<50x64xf32, #tpu.memory_space<hbm>>)
          %mul3A_1424 = arith.constant 4 : i32
          %mul3A_1425 = arith.muli %sub3A_1404, %mul3A_1424 : i32
          %add3A_1426 = arith.addi %mul3A_2, %mul3A_1425 : i32
          %add3A_1427 = arith.constant 1 : i32
          %add3A_1428 = arith.addi %add3A_1426, %add3A_1427 : i32
          %dma_wait3A_1429 = arith.constant 50 : i32
          %dma_wait3A_1430 = arith.constant 0 : i32
          %dma_wait3A_1431 = tpu.memref_slice %arg9[%dma_wait3A_1429, %dma_wait3A_1430] : memref<200x64xf32, #tpu.memory_space<vmem>> -> memref<50x64xf32, #tpu.memory_space<vmem>>
          %dma_wait3A_1432 = arith.constant 0 : i32
          %dma_wait3A_1433 = arith.constant 0 : i32
          %dma_wait3A_1434 = tpu.memref_slice %arg4[%add3A_1428, %dma_wait3A_1432, %dma_wait3A_1433] : memref<16384x56x128xf32, #tpu.memory_space<hbm>> -> memref<1x50x64xf32, #tpu.memory_space<hbm>>
          %dma_wait3A_1435 = tpu.memref_squeeze %dma_wait3A_1434 : memref<1x50x64xf32, #tpu.memory_space<hbm>> -> memref<50x64xf32, #tpu.memory_space<hbm>>
          %dma_wait3A_1436 = arith.constant 0 : i32
          %dma_wait3A_1437 = arith.constant 0 : i32
          %dma_wait3A_1438 = tpu.memref_slice %arg4[%add3A_1428, %dma_wait3A_1436, %dma_wait3A_1437] : memref<16384x56x128xf32, #tpu.memory_space<hbm>> -> memref<1x50x64xf32, #tpu.memory_space<hbm>>
          %dma_wait3A_1439 = tpu.memref_squeeze %dma_wait3A_1438 : memref<1x50x64xf32, #tpu.memory_space<hbm>> -> memref<50x64xf32, #tpu.memory_space<hbm>>
          %dma_wait3A_1440 = arith.constant 50 : i32
          %dma_wait3A_1441 = arith.constant 0 : i32
          %dma_wait3A_1442 = tpu.memref_slice %arg9[%dma_wait3A_1440, %dma_wait3A_1441] : memref<200x64xf32, #tpu.memory_space<vmem>> -> memref<50x64xf32, #tpu.memory_space<vmem>>
          tpu.wait_dma2 semaphore(%arg25 : memref<!tpu.dma_semaphore, #tpu.memory_space<semaphore_mem>>) src(%dma_wait3A_1442 : memref<50x64xf32, #tpu.memory_space<vmem>>) dst(%dma_wait3A_1439 : memref<50x64xf32, #tpu.memory_space<hbm>>)
          %mul3A_1443 = arith.constant 4 : i32
          %mul3A_1444 = arith.muli %sub3A_1404, %mul3A_1443 : i32
          %add3A_1445 = arith.addi %mul3A_2, %mul3A_1444 : i32
          %add3A_1446 = arith.constant 2 : i32
          %add3A_1447 = arith.addi %add3A_1445, %add3A_1446 : i32
          %dma_wait3A_1448 = arith.constant 100 : i32
          %dma_wait3A_1449 = arith.constant 0 : i32
          %dma_wait3A_1450 = tpu.memref_slice %arg9[%dma_wait3A_1448, %dma_wait3A_1449] : memref<200x64xf32, #tpu.memory_space<vmem>> -> memref<50x64xf32, #tpu.memory_space<vmem>>
          %dma_wait3A_1451 = arith.constant 0 : i32
          %dma_wait3A_1452 = arith.constant 0 : i32
          %dma_wait3A_1453 = tpu.memref_slice %arg4[%add3A_1447, %dma_wait3A_1451, %dma_wait3A_1452] : memref<16384x56x128xf32, #tpu.memory_space<hbm>> -> memref<1x50x64xf32, #tpu.memory_space<hbm>>
          %dma_wait3A_1454 = tpu.memref_squeeze %dma_wait3A_1453 : memref<1x50x64xf32, #tpu.memory_space<hbm>> -> memref<50x64xf32, #tpu.memory_space<hbm>>
          %dma_wait3A_1455 = arith.constant 0 : i32
          %dma_wait3A_1456 = arith.constant 0 : i32
          %dma_wait3A_1457 = tpu.memref_slice %arg4[%add3A_1447, %dma_wait3A_1455, %dma_wait3A_1456] : memref<16384x56x128xf32, #tpu.memory_space<hbm>> -> memref<1x50x64xf32, #tpu.memory_space<hbm>>
          %dma_wait3A_1458 = tpu.memref_squeeze %dma_wait3A_1457 : memref<1x50x64xf32, #tpu.memory_space<hbm>> -> memref<50x64xf32, #tpu.memory_space<hbm>>
          %dma_wait3A_1459 = arith.constant 100 : i32
          %dma_wait3A_1460 = arith.constant 0 : i32
          %dma_wait3A_1461 = tpu.memref_slice %arg9[%dma_wait3A_1459, %dma_wait3A_1460] : memref<200x64xf32, #tpu.memory_space<vmem>> -> memref<50x64xf32, #tpu.memory_space<vmem>>
          tpu.wait_dma2 semaphore(%arg25 : memref<!tpu.dma_semaphore, #tpu.memory_space<semaphore_mem>>) src(%dma_wait3A_1461 : memref<50x64xf32, #tpu.memory_space<vmem>>) dst(%dma_wait3A_1458 : memref<50x64xf32, #tpu.memory_space<hbm>>)
          %mul3A_1462 = arith.constant 4 : i32
          %mul3A_1463 = arith.muli %sub3A_1404, %mul3A_1462 : i32
          %add3A_1464 = arith.addi %mul3A_2, %mul3A_1463 : i32
          %add3A_1465 = arith.constant 3 : i32
          %add3A_1466 = arith.addi %add3A_1464, %add3A_1465 : i32
          %dma_wait3A_1467 = arith.constant 150 : i32
          %dma_wait3A_1468 = arith.constant 0 : i32
          %dma_wait3A_1469 = tpu.memref_slice %arg9[%dma_wait3A_1467, %dma_wait3A_1468] : memref<200x64xf32, #tpu.memory_space<vmem>> -> memref<50x64xf32, #tpu.memory_space<vmem>>
          %dma_wait3A_1470 = arith.constant 0 : i32
          %dma_wait3A_1471 = arith.constant 0 : i32
          %dma_wait3A_1472 = tpu.memref_slice %arg4[%add3A_1466, %dma_wait3A_1470, %dma_wait3A_1471] : memref<16384x56x128xf32, #tpu.memory_space<hbm>> -> memref<1x50x64xf32, #tpu.memory_space<hbm>>
          %dma_wait3A_1473 = tpu.memref_squeeze %dma_wait3A_1472 : memref<1x50x64xf32, #tpu.memory_space<hbm>> -> memref<50x64xf32, #tpu.memory_space<hbm>>
          %dma_wait3A_1474 = arith.constant 0 : i32
          %dma_wait3A_1475 = arith.constant 0 : i32
          %dma_wait3A_1476 = tpu.memref_slice %arg4[%add3A_1466, %dma_wait3A_1474, %dma_wait3A_1475] : memref<16384x56x128xf32, #tpu.memory_space<hbm>> -> memref<1x50x64xf32, #tpu.memory_space<hbm>>
          %dma_wait3A_1477 = tpu.memref_squeeze %dma_wait3A_1476 : memref<1x50x64xf32, #tpu.memory_space<hbm>> -> memref<50x64xf32, #tpu.memory_space<hbm>>
          %dma_wait3A_1478 = arith.constant 150 : i32
          %dma_wait3A_1479 = arith.constant 0 : i32
          %dma_wait3A_1480 = tpu.memref_slice %arg9[%dma_wait3A_1478, %dma_wait3A_1479] : memref<200x64xf32, #tpu.memory_space<vmem>> -> memref<50x64xf32, #tpu.memory_space<vmem>>
          tpu.wait_dma2 semaphore(%arg25 : memref<!tpu.dma_semaphore, #tpu.memory_space<semaphore_mem>>) src(%dma_wait3A_1480 : memref<50x64xf32, #tpu.memory_space<vmem>>) dst(%dma_wait3A_1477 : memref<50x64xf32, #tpu.memory_space<hbm>>)
        } else {
        }
        %dma_start3A_1397 = arith.constant 0 : i32
        %dma_start3A_1398 = tpu.memref_slice %arg5[%sub3A_1101, %dma_start3A_1397] : memref<128x200xi32, #tpu.memory_space<vmem>> -> memref<1x200xi32, #tpu.memory_space<vmem>>
        %dma_start3A_1399 = tpu.memref_squeeze %dma_start3A_1398 : memref<1x200xi32, #tpu.memory_space<vmem>> -> memref<200xi32, #tpu.memory_space<vmem>>
        %dma_start3A_1400 = arith.constant 0 : i32
        %dma_start3A_1401 = arith.constant 0 : i32
        %dma_start3A_1402 = tpu.memref_slice %arg3[%dma_start3A_1400, %dma_start3A_1401] : memref<1000000x64xf32, #tpu.memory_space<hbm>> -> memref<1000000x64xf32, #tpu.memory_space<hbm>>
        tpu.enqueue_indirect_dma source(%dma_start3A_1402 : memref<1000000x64xf32, #tpu.memory_space<hbm>>) target(%arg9 : memref<200x64xf32, #tpu.memory_space<vmem>>) offsets(%dma_start3A_1399 : memref<200xi32, #tpu.memory_space<vmem>>) semaphore(%arg17 : memref<!tpu.dma_semaphore, #tpu.memory_space<semaphore_mem>>)
      } else {
      }
      %mul3A_1107 = arith.constant 8 : i32
      %mul3A_1108 = arith.muli %scan3A_634, %mul3A_1107 : i32
      %add3A_1109 = arith.constant 5 : i32
      %add3A_1110 = arith.addi %mul3A_1108, %add3A_1109 : i32
      %dma_wait3A_1111 = arith.constant 0 : i32
      %dma_wait3A_1112 = tpu.memref_slice %arg5[%add3A_1110, %dma_wait3A_1111] : memref<128x200xi32, #tpu.memory_space<vmem>> -> memref<1x200xi32, #tpu.memory_space<vmem>>
      %dma_wait3A_1113 = tpu.memref_squeeze %dma_wait3A_1112 : memref<1x200xi32, #tpu.memory_space<vmem>> -> memref<200xi32, #tpu.memory_space<vmem>>
      %dma_wait3A_1114 = arith.constant 0 : i32
      %dma_wait3A_1115 = arith.constant 0 : i32
      %dma_wait3A_1116 = tpu.memref_slice %arg3[%dma_wait3A_1114, %dma_wait3A_1115] : memref<1000000x64xf32, #tpu.memory_space<hbm>> -> memref<1000000x64xf32, #tpu.memory_space<hbm>>
      tpu.wait_indirect_dma semaphore(%arg19 : memref<!tpu.dma_semaphore, #tpu.memory_space<semaphore_mem>>) src(%dma_wait3A_1116 : memref<1000000x64xf32, #tpu.memory_space<hbm>>) dst(%arg11 : memref<200x64xf32, #tpu.memory_space<vmem>>)
      %mul3A_1117 = arith.constant 4 : i32
      %mul3A_1118 = arith.muli %add3A_1110, %mul3A_1117 : i32
      %add3A_1119 = arith.addi %mul3A_2, %mul3A_1118 : i32
      %add3A_1120 = arith.constant 0 : i32
      %add3A_1121 = arith.addi %add3A_1119, %add3A_1120 : i32
      %dma_start3A_1122 = arith.constant 0 : i32
      %dma_start3A_1123 = arith.constant 0 : i32
      %dma_start3A_1124 = tpu.memref_slice %arg11[%dma_start3A_1122, %dma_start3A_1123] : memref<200x64xf32, #tpu.memory_space<vmem>> -> memref<50x64xf32, #tpu.memory_space<vmem>>
      %dma_start3A_1125 = arith.constant 0 : i32
      %dma_start3A_1126 = arith.constant 0 : i32
      %dma_start3A_1127 = tpu.memref_slice %arg4[%add3A_1121, %dma_start3A_1125, %dma_start3A_1126] : memref<16384x56x128xf32, #tpu.memory_space<hbm>> -> memref<1x50x64xf32, #tpu.memory_space<hbm>>
      %dma_start3A_1128 = tpu.memref_squeeze %dma_start3A_1127 : memref<1x50x64xf32, #tpu.memory_space<hbm>> -> memref<50x64xf32, #tpu.memory_space<hbm>>
      %dma_start3A_1129 = arith.constant 0 : i32
      %dma_start3A_1130 = arith.constant 0 : i32
      %dma_start3A_1131 = tpu.memref_slice %arg4[%add3A_1121, %dma_start3A_1129, %dma_start3A_1130] : memref<16384x56x128xf32, #tpu.memory_space<hbm>> -> memref<1x50x64xf32, #tpu.memory_space<hbm>>
      %dma_start3A_1132 = tpu.memref_squeeze %dma_start3A_1131 : memref<1x50x64xf32, #tpu.memory_space<hbm>> -> memref<50x64xf32, #tpu.memory_space<hbm>>
      %dma_start3A_1133 = arith.constant 0 : i32
      %dma_start3A_1134 = arith.constant 0 : i32
      %dma_start3A_1135 = tpu.memref_slice %arg11[%dma_start3A_1133, %dma_start3A_1134] : memref<200x64xf32, #tpu.memory_space<vmem>> -> memref<50x64xf32, #tpu.memory_space<vmem>>
      tpu.enqueue_dma source(%dma_start3A_1135 : memref<50x64xf32, #tpu.memory_space<vmem>>) target(%dma_start3A_1132 : memref<50x64xf32, #tpu.memory_space<hbm>>) target_semaphore(%arg27 : memref<!tpu.dma_semaphore, #tpu.memory_space<semaphore_mem>>)
      %mul3A_1136 = arith.constant 4 : i32
      %mul3A_1137 = arith.muli %add3A_1110, %mul3A_1136 : i32
      %add3A_1138 = arith.addi %mul3A_2, %mul3A_1137 : i32
      %add3A_1139 = arith.constant 1 : i32
      %add3A_1140 = arith.addi %add3A_1138, %add3A_1139 : i32
      %dma_start3A_1141 = arith.constant 50 : i32
      %dma_start3A_1142 = arith.constant 0 : i32
      %dma_start3A_1143 = tpu.memref_slice %arg11[%dma_start3A_1141, %dma_start3A_1142] : memref<200x64xf32, #tpu.memory_space<vmem>> -> memref<50x64xf32, #tpu.memory_space<vmem>>
      %dma_start3A_1144 = arith.constant 0 : i32
      %dma_start3A_1145 = arith.constant 0 : i32
      %dma_start3A_1146 = tpu.memref_slice %arg4[%add3A_1140, %dma_start3A_1144, %dma_start3A_1145] : memref<16384x56x128xf32, #tpu.memory_space<hbm>> -> memref<1x50x64xf32, #tpu.memory_space<hbm>>
      %dma_start3A_1147 = tpu.memref_squeeze %dma_start3A_1146 : memref<1x50x64xf32, #tpu.memory_space<hbm>> -> memref<50x64xf32, #tpu.memory_space<hbm>>
      %dma_start3A_1148 = arith.constant 0 : i32
      %dma_start3A_1149 = arith.constant 0 : i32
      %dma_start3A_1150 = tpu.memref_slice %arg4[%add3A_1140, %dma_start3A_1148, %dma_start3A_1149] : memref<16384x56x128xf32, #tpu.memory_space<hbm>> -> memref<1x50x64xf32, #tpu.memory_space<hbm>>
      %dma_start3A_1151 = tpu.memref_squeeze %dma_start3A_1150 : memref<1x50x64xf32, #tpu.memory_space<hbm>> -> memref<50x64xf32, #tpu.memory_space<hbm>>
      %dma_start3A_1152 = arith.constant 50 : i32
      %dma_start3A_1153 = arith.constant 0 : i32
      %dma_start3A_1154 = tpu.memref_slice %arg11[%dma_start3A_1152, %dma_start3A_1153] : memref<200x64xf32, #tpu.memory_space<vmem>> -> memref<50x64xf32, #tpu.memory_space<vmem>>
      tpu.enqueue_dma source(%dma_start3A_1154 : memref<50x64xf32, #tpu.memory_space<vmem>>) target(%dma_start3A_1151 : memref<50x64xf32, #tpu.memory_space<hbm>>) target_semaphore(%arg27 : memref<!tpu.dma_semaphore, #tpu.memory_space<semaphore_mem>>)
      %mul3A_1155 = arith.constant 4 : i32
      %mul3A_1156 = arith.muli %add3A_1110, %mul3A_1155 : i32
      %add3A_1157 = arith.addi %mul3A_2, %mul3A_1156 : i32
      %add3A_1158 = arith.constant 2 : i32
      %add3A_1159 = arith.addi %add3A_1157, %add3A_1158 : i32
      %dma_start3A_1160 = arith.constant 100 : i32
      %dma_start3A_1161 = arith.constant 0 : i32
      %dma_start3A_1162 = tpu.memref_slice %arg11[%dma_start3A_1160, %dma_start3A_1161] : memref<200x64xf32, #tpu.memory_space<vmem>> -> memref<50x64xf32, #tpu.memory_space<vmem>>
      %dma_start3A_1163 = arith.constant 0 : i32
      %dma_start3A_1164 = arith.constant 0 : i32
      %dma_start3A_1165 = tpu.memref_slice %arg4[%add3A_1159, %dma_start3A_1163, %dma_start3A_1164] : memref<16384x56x128xf32, #tpu.memory_space<hbm>> -> memref<1x50x64xf32, #tpu.memory_space<hbm>>
      %dma_start3A_1166 = tpu.memref_squeeze %dma_start3A_1165 : memref<1x50x64xf32, #tpu.memory_space<hbm>> -> memref<50x64xf32, #tpu.memory_space<hbm>>
      %dma_start3A_1167 = arith.constant 0 : i32
      %dma_start3A_1168 = arith.constant 0 : i32
      %dma_start3A_1169 = tpu.memref_slice %arg4[%add3A_1159, %dma_start3A_1167, %dma_start3A_1168] : memref<16384x56x128xf32, #tpu.memory_space<hbm>> -> memref<1x50x64xf32, #tpu.memory_space<hbm>>
      %dma_start3A_1170 = tpu.memref_squeeze %dma_start3A_1169 : memref<1x50x64xf32, #tpu.memory_space<hbm>> -> memref<50x64xf32, #tpu.memory_space<hbm>>
      %dma_start3A_1171 = arith.constant 100 : i32
      %dma_start3A_1172 = arith.constant 0 : i32
      %dma_start3A_1173 = tpu.memref_slice %arg11[%dma_start3A_1171, %dma_start3A_1172] : memref<200x64xf32, #tpu.memory_space<vmem>> -> memref<50x64xf32, #tpu.memory_space<vmem>>
      tpu.enqueue_dma source(%dma_start3A_1173 : memref<50x64xf32, #tpu.memory_space<vmem>>) target(%dma_start3A_1170 : memref<50x64xf32, #tpu.memory_space<hbm>>) target_semaphore(%arg27 : memref<!tpu.dma_semaphore, #tpu.memory_space<semaphore_mem>>)
      %mul3A_1174 = arith.constant 4 : i32
      %mul3A_1175 = arith.muli %add3A_1110, %mul3A_1174 : i32
      %add3A_1176 = arith.addi %mul3A_2, %mul3A_1175 : i32
      %add3A_1177 = arith.constant 3 : i32
      %add3A_1178 = arith.addi %add3A_1176, %add3A_1177 : i32
      %dma_start3A_1179 = arith.constant 150 : i32
      %dma_start3A_1180 = arith.constant 0 : i32
      %dma_start3A_1181 = tpu.memref_slice %arg11[%dma_start3A_1179, %dma_start3A_1180] : memref<200x64xf32, #tpu.memory_space<vmem>> -> memref<50x64xf32, #tpu.memory_space<vmem>>
      %dma_start3A_1182 = arith.constant 0 : i32
      %dma_start3A_1183 = arith.constant 0 : i32
      %dma_start3A_1184 = tpu.memref_slice %arg4[%add3A_1178, %dma_start3A_1182, %dma_start3A_1183] : memref<16384x56x128xf32, #tpu.memory_space<hbm>> -> memref<1x50x64xf32, #tpu.memory_space<hbm>>
      %dma_start3A_1185 = tpu.memref_squeeze %dma_start3A_1184 : memref<1x50x64xf32, #tpu.memory_space<hbm>> -> memref<50x64xf32, #tpu.memory_space<hbm>>
      %dma_start3A_1186 = arith.constant 0 : i32
      %dma_start3A_1187 = arith.constant 0 : i32
      %dma_start3A_1188 = tpu.memref_slice %arg4[%add3A_1178, %dma_start3A_1186, %dma_start3A_1187] : memref<16384x56x128xf32, #tpu.memory_space<hbm>> -> memref<1x50x64xf32, #tpu.memory_space<hbm>>
      %dma_start3A_1189 = tpu.memref_squeeze %dma_start3A_1188 : memref<1x50x64xf32, #tpu.memory_space<hbm>> -> memref<50x64xf32, #tpu.memory_space<hbm>>
      %dma_start3A_1190 = arith.constant 150 : i32
      %dma_start3A_1191 = arith.constant 0 : i32
      %dma_start3A_1192 = tpu.memref_slice %arg11[%dma_start3A_1190, %dma_start3A_1191] : memref<200x64xf32, #tpu.memory_space<vmem>> -> memref<50x64xf32, #tpu.memory_space<vmem>>
      tpu.enqueue_dma source(%dma_start3A_1192 : memref<50x64xf32, #tpu.memory_space<vmem>>) target(%dma_start3A_1189 : memref<50x64xf32, #tpu.memory_space<hbm>>) target_semaphore(%arg27 : memref<!tpu.dma_semaphore, #tpu.memory_space<semaphore_mem>>)
      %add3A_1193 = arith.constant 8 : i32
      %add3A_1194 = arith.addi %add3A_1110, %add3A_1193 : i32
      %sub3A_1195 = arith.constant 1 : i32
      %sub3A_1196 = arith.subi %add3A_1194, %sub3A_1195 : i32
      %lt3A_1197 = arith.constant 128 : i32
      %lt3A_1198 = arith.cmpi slt, %sub3A_1196, %lt3A_1197 : i32
      %convert_element_type3A_1199 = arith.extui %lt3A_1198 : i1 to i32
      %cond3A_1200 = arith.constant 0 : i32
      %cond3A_1201 = arith.cmpi ne, %convert_element_type3A_1199, %cond3A_1200 : i32
      scf.if %cond3A_1201 {
        %ge3A = arith.constant 8 : i32
        %ge3A_1393 = arith.cmpi sge, %sub3A_1196, %ge3A : i32
        %convert_element_type3A_1394 = arith.extui %ge3A_1393 : i1 to i32
        %cond3A_1395 = arith.constant 0 : i32
        %cond3A_1396 = arith.cmpi ne, %convert_element_type3A_1394, %cond3A_1395 : i32
        scf.if %cond3A_1396 {
          %sub3A_1403 = arith.constant 8 : i32
          %sub3A_1404 = arith.subi %sub3A_1196, %sub3A_1403 : i32
          %mul3A_1405 = arith.constant 4 : i32
          %mul3A_1406 = arith.muli %sub3A_1404, %mul3A_1405 : i32
          %add3A_1407 = arith.addi %mul3A_2, %mul3A_1406 : i32
          %add3A_1408 = arith.constant 0 : i32
          %add3A_1409 = arith.addi %add3A_1407, %add3A_1408 : i32
          %dma_wait3A_1410 = arith.constant 0 : i32
          %dma_wait3A_1411 = arith.constant 0 : i32
          %dma_wait3A_1412 = tpu.memref_slice %arg10[%dma_wait3A_1410, %dma_wait3A_1411] : memref<200x64xf32, #tpu.memory_space<vmem>> -> memref<50x64xf32, #tpu.memory_space<vmem>>
          %dma_wait3A_1413 = arith.constant 0 : i32
          %dma_wait3A_1414 = arith.constant 0 : i32
          %dma_wait3A_1415 = tpu.memref_slice %arg4[%add3A_1409, %dma_wait3A_1413, %dma_wait3A_1414] : memref<16384x56x128xf32, #tpu.memory_space<hbm>> -> memref<1x50x64xf32, #tpu.memory_space<hbm>>
          %dma_wait3A_1416 = tpu.memref_squeeze %dma_wait3A_1415 : memref<1x50x64xf32, #tpu.memory_space<hbm>> -> memref<50x64xf32, #tpu.memory_space<hbm>>
          %dma_wait3A_1417 = arith.constant 0 : i32
          %dma_wait3A_1418 = arith.constant 0 : i32
          %dma_wait3A_1419 = tpu.memref_slice %arg4[%add3A_1409, %dma_wait3A_1417, %dma_wait3A_1418] : memref<16384x56x128xf32, #tpu.memory_space<hbm>> -> memref<1x50x64xf32, #tpu.memory_space<hbm>>
          %dma_wait3A_1420 = tpu.memref_squeeze %dma_wait3A_1419 : memref<1x50x64xf32, #tpu.memory_space<hbm>> -> memref<50x64xf32, #tpu.memory_space<hbm>>
          %dma_wait3A_1421 = arith.constant 0 : i32
          %dma_wait3A_1422 = arith.constant 0 : i32
          %dma_wait3A_1423 = tpu.memref_slice %arg10[%dma_wait3A_1421, %dma_wait3A_1422] : memref<200x64xf32, #tpu.memory_space<vmem>> -> memref<50x64xf32, #tpu.memory_space<vmem>>
          tpu.wait_dma2 semaphore(%arg26 : memref<!tpu.dma_semaphore, #tpu.memory_space<semaphore_mem>>) src(%dma_wait3A_1423 : memref<50x64xf32, #tpu.memory_space<vmem>>) dst(%dma_wait3A_1420 : memref<50x64xf32, #tpu.memory_space<hbm>>)
          %mul3A_1424 = arith.constant 4 : i32
          %mul3A_1425 = arith.muli %sub3A_1404, %mul3A_1424 : i32
          %add3A_1426 = arith.addi %mul3A_2, %mul3A_1425 : i32
          %add3A_1427 = arith.constant 1 : i32
          %add3A_1428 = arith.addi %add3A_1426, %add3A_1427 : i32
          %dma_wait3A_1429 = arith.constant 50 : i32
          %dma_wait3A_1430 = arith.constant 0 : i32
          %dma_wait3A_1431 = tpu.memref_slice %arg10[%dma_wait3A_1429, %dma_wait3A_1430] : memref<200x64xf32, #tpu.memory_space<vmem>> -> memref<50x64xf32, #tpu.memory_space<vmem>>
          %dma_wait3A_1432 = arith.constant 0 : i32
          %dma_wait3A_1433 = arith.constant 0 : i32
          %dma_wait3A_1434 = tpu.memref_slice %arg4[%add3A_1428, %dma_wait3A_1432, %dma_wait3A_1433] : memref<16384x56x128xf32, #tpu.memory_space<hbm>> -> memref<1x50x64xf32, #tpu.memory_space<hbm>>
          %dma_wait3A_1435 = tpu.memref_squeeze %dma_wait3A_1434 : memref<1x50x64xf32, #tpu.memory_space<hbm>> -> memref<50x64xf32, #tpu.memory_space<hbm>>
          %dma_wait3A_1436 = arith.constant 0 : i32
          %dma_wait3A_1437 = arith.constant 0 : i32
          %dma_wait3A_1438 = tpu.memref_slice %arg4[%add3A_1428, %dma_wait3A_1436, %dma_wait3A_1437] : memref<16384x56x128xf32, #tpu.memory_space<hbm>> -> memref<1x50x64xf32, #tpu.memory_space<hbm>>
          %dma_wait3A_1439 = tpu.memref_squeeze %dma_wait3A_1438 : memref<1x50x64xf32, #tpu.memory_space<hbm>> -> memref<50x64xf32, #tpu.memory_space<hbm>>
          %dma_wait3A_1440 = arith.constant 50 : i32
          %dma_wait3A_1441 = arith.constant 0 : i32
          %dma_wait3A_1442 = tpu.memref_slice %arg10[%dma_wait3A_1440, %dma_wait3A_1441] : memref<200x64xf32, #tpu.memory_space<vmem>> -> memref<50x64xf32, #tpu.memory_space<vmem>>
          tpu.wait_dma2 semaphore(%arg26 : memref<!tpu.dma_semaphore, #tpu.memory_space<semaphore_mem>>) src(%dma_wait3A_1442 : memref<50x64xf32, #tpu.memory_space<vmem>>) dst(%dma_wait3A_1439 : memref<50x64xf32, #tpu.memory_space<hbm>>)
          %mul3A_1443 = arith.constant 4 : i32
          %mul3A_1444 = arith.muli %sub3A_1404, %mul3A_1443 : i32
          %add3A_1445 = arith.addi %mul3A_2, %mul3A_1444 : i32
          %add3A_1446 = arith.constant 2 : i32
          %add3A_1447 = arith.addi %add3A_1445, %add3A_1446 : i32
          %dma_wait3A_1448 = arith.constant 100 : i32
          %dma_wait3A_1449 = arith.constant 0 : i32
          %dma_wait3A_1450 = tpu.memref_slice %arg10[%dma_wait3A_1448, %dma_wait3A_1449] : memref<200x64xf32, #tpu.memory_space<vmem>> -> memref<50x64xf32, #tpu.memory_space<vmem>>
          %dma_wait3A_1451 = arith.constant 0 : i32
          %dma_wait3A_1452 = arith.constant 0 : i32
          %dma_wait3A_1453 = tpu.memref_slice %arg4[%add3A_1447, %dma_wait3A_1451, %dma_wait3A_1452] : memref<16384x56x128xf32, #tpu.memory_space<hbm>> -> memref<1x50x64xf32, #tpu.memory_space<hbm>>
          %dma_wait3A_1454 = tpu.memref_squeeze %dma_wait3A_1453 : memref<1x50x64xf32, #tpu.memory_space<hbm>> -> memref<50x64xf32, #tpu.memory_space<hbm>>
          %dma_wait3A_1455 = arith.constant 0 : i32
          %dma_wait3A_1456 = arith.constant 0 : i32
          %dma_wait3A_1457 = tpu.memref_slice %arg4[%add3A_1447, %dma_wait3A_1455, %dma_wait3A_1456] : memref<16384x56x128xf32, #tpu.memory_space<hbm>> -> memref<1x50x64xf32, #tpu.memory_space<hbm>>
          %dma_wait3A_1458 = tpu.memref_squeeze %dma_wait3A_1457 : memref<1x50x64xf32, #tpu.memory_space<hbm>> -> memref<50x64xf32, #tpu.memory_space<hbm>>
          %dma_wait3A_1459 = arith.constant 100 : i32
          %dma_wait3A_1460 = arith.constant 0 : i32
          %dma_wait3A_1461 = tpu.memref_slice %arg10[%dma_wait3A_1459, %dma_wait3A_1460] : memref<200x64xf32, #tpu.memory_space<vmem>> -> memref<50x64xf32, #tpu.memory_space<vmem>>
          tpu.wait_dma2 semaphore(%arg26 : memref<!tpu.dma_semaphore, #tpu.memory_space<semaphore_mem>>) src(%dma_wait3A_1461 : memref<50x64xf32, #tpu.memory_space<vmem>>) dst(%dma_wait3A_1458 : memref<50x64xf32, #tpu.memory_space<hbm>>)
          %mul3A_1462 = arith.constant 4 : i32
          %mul3A_1463 = arith.muli %sub3A_1404, %mul3A_1462 : i32
          %add3A_1464 = arith.addi %mul3A_2, %mul3A_1463 : i32
          %add3A_1465 = arith.constant 3 : i32
          %add3A_1466 = arith.addi %add3A_1464, %add3A_1465 : i32
          %dma_wait3A_1467 = arith.constant 150 : i32
          %dma_wait3A_1468 = arith.constant 0 : i32
          %dma_wait3A_1469 = tpu.memref_slice %arg10[%dma_wait3A_1467, %dma_wait3A_1468] : memref<200x64xf32, #tpu.memory_space<vmem>> -> memref<50x64xf32, #tpu.memory_space<vmem>>
          %dma_wait3A_1470 = arith.constant 0 : i32
          %dma_wait3A_1471 = arith.constant 0 : i32
          %dma_wait3A_1472 = tpu.memref_slice %arg4[%add3A_1466, %dma_wait3A_1470, %dma_wait3A_1471] : memref<16384x56x128xf32, #tpu.memory_space<hbm>> -> memref<1x50x64xf32, #tpu.memory_space<hbm>>
          %dma_wait3A_1473 = tpu.memref_squeeze %dma_wait3A_1472 : memref<1x50x64xf32, #tpu.memory_space<hbm>> -> memref<50x64xf32, #tpu.memory_space<hbm>>
          %dma_wait3A_1474 = arith.constant 0 : i32
          %dma_wait3A_1475 = arith.constant 0 : i32
          %dma_wait3A_1476 = tpu.memref_slice %arg4[%add3A_1466, %dma_wait3A_1474, %dma_wait3A_1475] : memref<16384x56x128xf32, #tpu.memory_space<hbm>> -> memref<1x50x64xf32, #tpu.memory_space<hbm>>
          %dma_wait3A_1477 = tpu.memref_squeeze %dma_wait3A_1476 : memref<1x50x64xf32, #tpu.memory_space<hbm>> -> memref<50x64xf32, #tpu.memory_space<hbm>>
          %dma_wait3A_1478 = arith.constant 150 : i32
          %dma_wait3A_1479 = arith.constant 0 : i32
          %dma_wait3A_1480 = tpu.memref_slice %arg10[%dma_wait3A_1478, %dma_wait3A_1479] : memref<200x64xf32, #tpu.memory_space<vmem>> -> memref<50x64xf32, #tpu.memory_space<vmem>>
          tpu.wait_dma2 semaphore(%arg26 : memref<!tpu.dma_semaphore, #tpu.memory_space<semaphore_mem>>) src(%dma_wait3A_1480 : memref<50x64xf32, #tpu.memory_space<vmem>>) dst(%dma_wait3A_1477 : memref<50x64xf32, #tpu.memory_space<hbm>>)
        } else {
        }
        %dma_start3A_1397 = arith.constant 0 : i32
        %dma_start3A_1398 = tpu.memref_slice %arg5[%sub3A_1196, %dma_start3A_1397] : memref<128x200xi32, #tpu.memory_space<vmem>> -> memref<1x200xi32, #tpu.memory_space<vmem>>
        %dma_start3A_1399 = tpu.memref_squeeze %dma_start3A_1398 : memref<1x200xi32, #tpu.memory_space<vmem>> -> memref<200xi32, #tpu.memory_space<vmem>>
        %dma_start3A_1400 = arith.constant 0 : i32
        %dma_start3A_1401 = arith.constant 0 : i32
        %dma_start3A_1402 = tpu.memref_slice %arg3[%dma_start3A_1400, %dma_start3A_1401] : memref<1000000x64xf32, #tpu.memory_space<hbm>> -> memref<1000000x64xf32, #tpu.memory_space<hbm>>
        tpu.enqueue_indirect_dma source(%dma_start3A_1402 : memref<1000000x64xf32, #tpu.memory_space<hbm>>) target(%arg10 : memref<200x64xf32, #tpu.memory_space<vmem>>) offsets(%dma_start3A_1399 : memref<200xi32, #tpu.memory_space<vmem>>) semaphore(%arg18 : memref<!tpu.dma_semaphore, #tpu.memory_space<semaphore_mem>>)
      } else {
      }
      %mul3A_1202 = arith.constant 8 : i32
      %mul3A_1203 = arith.muli %scan3A_634, %mul3A_1202 : i32
      %add3A_1204 = arith.constant 6 : i32
      %add3A_1205 = arith.addi %mul3A_1203, %add3A_1204 : i32
      %dma_wait3A_1206 = arith.constant 0 : i32
      %dma_wait3A_1207 = tpu.memref_slice %arg5[%add3A_1205, %dma_wait3A_1206] : memref<128x200xi32, #tpu.memory_space<vmem>> -> memref<1x200xi32, #tpu.memory_space<vmem>>
      %dma_wait3A_1208 = tpu.memref_squeeze %dma_wait3A_1207 : memref<1x200xi32, #tpu.memory_space<vmem>> -> memref<200xi32, #tpu.memory_space<vmem>>
      %dma_wait3A_1209 = arith.constant 0 : i32
      %dma_wait3A_1210 = arith.constant 0 : i32
      %dma_wait3A_1211 = tpu.memref_slice %arg3[%dma_wait3A_1209, %dma_wait3A_1210] : memref<1000000x64xf32, #tpu.memory_space<hbm>> -> memref<1000000x64xf32, #tpu.memory_space<hbm>>
      tpu.wait_indirect_dma semaphore(%arg20 : memref<!tpu.dma_semaphore, #tpu.memory_space<semaphore_mem>>) src(%dma_wait3A_1211 : memref<1000000x64xf32, #tpu.memory_space<hbm>>) dst(%arg12 : memref<200x64xf32, #tpu.memory_space<vmem>>)
      %mul3A_1212 = arith.constant 4 : i32
      %mul3A_1213 = arith.muli %add3A_1205, %mul3A_1212 : i32
      %add3A_1214 = arith.addi %mul3A_2, %mul3A_1213 : i32
      %add3A_1215 = arith.constant 0 : i32
      %add3A_1216 = arith.addi %add3A_1214, %add3A_1215 : i32
      %dma_start3A_1217 = arith.constant 0 : i32
      %dma_start3A_1218 = arith.constant 0 : i32
      %dma_start3A_1219 = tpu.memref_slice %arg12[%dma_start3A_1217, %dma_start3A_1218] : memref<200x64xf32, #tpu.memory_space<vmem>> -> memref<50x64xf32, #tpu.memory_space<vmem>>
      %dma_start3A_1220 = arith.constant 0 : i32
      %dma_start3A_1221 = arith.constant 0 : i32
      %dma_start3A_1222 = tpu.memref_slice %arg4[%add3A_1216, %dma_start3A_1220, %dma_start3A_1221] : memref<16384x56x128xf32, #tpu.memory_space<hbm>> -> memref<1x50x64xf32, #tpu.memory_space<hbm>>
      %dma_start3A_1223 = tpu.memref_squeeze %dma_start3A_1222 : memref<1x50x64xf32, #tpu.memory_space<hbm>> -> memref<50x64xf32, #tpu.memory_space<hbm>>
      %dma_start3A_1224 = arith.constant 0 : i32
      %dma_start3A_1225 = arith.constant 0 : i32
      %dma_start3A_1226 = tpu.memref_slice %arg4[%add3A_1216, %dma_start3A_1224, %dma_start3A_1225] : memref<16384x56x128xf32, #tpu.memory_space<hbm>> -> memref<1x50x64xf32, #tpu.memory_space<hbm>>
      %dma_start3A_1227 = tpu.memref_squeeze %dma_start3A_1226 : memref<1x50x64xf32, #tpu.memory_space<hbm>> -> memref<50x64xf32, #tpu.memory_space<hbm>>
      %dma_start3A_1228 = arith.constant 0 : i32
      %dma_start3A_1229 = arith.constant 0 : i32
      %dma_start3A_1230 = tpu.memref_slice %arg12[%dma_start3A_1228, %dma_start3A_1229] : memref<200x64xf32, #tpu.memory_space<vmem>> -> memref<50x64xf32, #tpu.memory_space<vmem>>
      tpu.enqueue_dma source(%dma_start3A_1230 : memref<50x64xf32, #tpu.memory_space<vmem>>) target(%dma_start3A_1227 : memref<50x64xf32, #tpu.memory_space<hbm>>) target_semaphore(%arg28 : memref<!tpu.dma_semaphore, #tpu.memory_space<semaphore_mem>>)
      %mul3A_1231 = arith.constant 4 : i32
      %mul3A_1232 = arith.muli %add3A_1205, %mul3A_1231 : i32
      %add3A_1233 = arith.addi %mul3A_2, %mul3A_1232 : i32
      %add3A_1234 = arith.constant 1 : i32
      %add3A_1235 = arith.addi %add3A_1233, %add3A_1234 : i32
      %dma_start3A_1236 = arith.constant 50 : i32
      %dma_start3A_1237 = arith.constant 0 : i32
      %dma_start3A_1238 = tpu.memref_slice %arg12[%dma_start3A_1236, %dma_start3A_1237] : memref<200x64xf32, #tpu.memory_space<vmem>> -> memref<50x64xf32, #tpu.memory_space<vmem>>
      %dma_start3A_1239 = arith.constant 0 : i32
      %dma_start3A_1240 = arith.constant 0 : i32
      %dma_start3A_1241 = tpu.memref_slice %arg4[%add3A_1235, %dma_start3A_1239, %dma_start3A_1240] : memref<16384x56x128xf32, #tpu.memory_space<hbm>> -> memref<1x50x64xf32, #tpu.memory_space<hbm>>
      %dma_start3A_1242 = tpu.memref_squeeze %dma_start3A_1241 : memref<1x50x64xf32, #tpu.memory_space<hbm>> -> memref<50x64xf32, #tpu.memory_space<hbm>>
      %dma_start3A_1243 = arith.constant 0 : i32
      %dma_start3A_1244 = arith.constant 0 : i32
      %dma_start3A_1245 = tpu.memref_slice %arg4[%add3A_1235, %dma_start3A_1243, %dma_start3A_1244] : memref<16384x56x128xf32, #tpu.memory_space<hbm>> -> memref<1x50x64xf32, #tpu.memory_space<hbm>>
      %dma_start3A_1246 = tpu.memref_squeeze %dma_start3A_1245 : memref<1x50x64xf32, #tpu.memory_space<hbm>> -> memref<50x64xf32, #tpu.memory_space<hbm>>
      %dma_start3A_1247 = arith.constant 50 : i32
      %dma_start3A_1248 = arith.constant 0 : i32
      %dma_start3A_1249 = tpu.memref_slice %arg12[%dma_start3A_1247, %dma_start3A_1248] : memref<200x64xf32, #tpu.memory_space<vmem>> -> memref<50x64xf32, #tpu.memory_space<vmem>>
      tpu.enqueue_dma source(%dma_start3A_1249 : memref<50x64xf32, #tpu.memory_space<vmem>>) target(%dma_start3A_1246 : memref<50x64xf32, #tpu.memory_space<hbm>>) target_semaphore(%arg28 : memref<!tpu.dma_semaphore, #tpu.memory_space<semaphore_mem>>)
      %mul3A_1250 = arith.constant 4 : i32
      %mul3A_1251 = arith.muli %add3A_1205, %mul3A_1250 : i32
      %add3A_1252 = arith.addi %mul3A_2, %mul3A_1251 : i32
      %add3A_1253 = arith.constant 2 : i32
      %add3A_1254 = arith.addi %add3A_1252, %add3A_1253 : i32
      %dma_start3A_1255 = arith.constant 100 : i32
      %dma_start3A_1256 = arith.constant 0 : i32
      %dma_start3A_1257 = tpu.memref_slice %arg12[%dma_start3A_1255, %dma_start3A_1256] : memref<200x64xf32, #tpu.memory_space<vmem>> -> memref<50x64xf32, #tpu.memory_space<vmem>>
      %dma_start3A_1258 = arith.constant 0 : i32
      %dma_start3A_1259 = arith.constant 0 : i32
      %dma_start3A_1260 = tpu.memref_slice %arg4[%add3A_1254, %dma_start3A_1258, %dma_start3A_1259] : memref<16384x56x128xf32, #tpu.memory_space<hbm>> -> memref<1x50x64xf32, #tpu.memory_space<hbm>>
      %dma_start3A_1261 = tpu.memref_squeeze %dma_start3A_1260 : memref<1x50x64xf32, #tpu.memory_space<hbm>> -> memref<50x64xf32, #tpu.memory_space<hbm>>
      %dma_start3A_1262 = arith.constant 0 : i32
      %dma_start3A_1263 = arith.constant 0 : i32
      %dma_start3A_1264 = tpu.memref_slice %arg4[%add3A_1254, %dma_start3A_1262, %dma_start3A_1263] : memref<16384x56x128xf32, #tpu.memory_space<hbm>> -> memref<1x50x64xf32, #tpu.memory_space<hbm>>
      %dma_start3A_1265 = tpu.memref_squeeze %dma_start3A_1264 : memref<1x50x64xf32, #tpu.memory_space<hbm>> -> memref<50x64xf32, #tpu.memory_space<hbm>>
      %dma_start3A_1266 = arith.constant 100 : i32
      %dma_start3A_1267 = arith.constant 0 : i32
      %dma_start3A_1268 = tpu.memref_slice %arg12[%dma_start3A_1266, %dma_start3A_1267] : memref<200x64xf32, #tpu.memory_space<vmem>> -> memref<50x64xf32, #tpu.memory_space<vmem>>
      tpu.enqueue_dma source(%dma_start3A_1268 : memref<50x64xf32, #tpu.memory_space<vmem>>) target(%dma_start3A_1265 : memref<50x64xf32, #tpu.memory_space<hbm>>) target_semaphore(%arg28 : memref<!tpu.dma_semaphore, #tpu.memory_space<semaphore_mem>>)
      %mul3A_1269 = arith.constant 4 : i32
      %mul3A_1270 = arith.muli %add3A_1205, %mul3A_1269 : i32
      %add3A_1271 = arith.addi %mul3A_2, %mul3A_1270 : i32
      %add3A_1272 = arith.constant 3 : i32
      %add3A_1273 = arith.addi %add3A_1271, %add3A_1272 : i32
      %dma_start3A_1274 = arith.constant 150 : i32
      %dma_start3A_1275 = arith.constant 0 : i32
      %dma_start3A_1276 = tpu.memref_slice %arg12[%dma_start3A_1274, %dma_start3A_1275] : memref<200x64xf32, #tpu.memory_space<vmem>> -> memref<50x64xf32, #tpu.memory_space<vmem>>
      %dma_start3A_1277 = arith.constant 0 : i32
      %dma_start3A_1278 = arith.constant 0 : i32
      %dma_start3A_1279 = tpu.memref_slice %arg4[%add3A_1273, %dma_start3A_1277, %dma_start3A_1278] : memref<16384x56x128xf32, #tpu.memory_space<hbm>> -> memref<1x50x64xf32, #tpu.memory_space<hbm>>
      %dma_start3A_1280 = tpu.memref_squeeze %dma_start3A_1279 : memref<1x50x64xf32, #tpu.memory_space<hbm>> -> memref<50x64xf32, #tpu.memory_space<hbm>>
      %dma_start3A_1281 = arith.constant 0 : i32
      %dma_start3A_1282 = arith.constant 0 : i32
      %dma_start3A_1283 = tpu.memref_slice %arg4[%add3A_1273, %dma_start3A_1281, %dma_start3A_1282] : memref<16384x56x128xf32, #tpu.memory_space<hbm>> -> memref<1x50x64xf32, #tpu.memory_space<hbm>>
      %dma_start3A_1284 = tpu.memref_squeeze %dma_start3A_1283 : memref<1x50x64xf32, #tpu.memory_space<hbm>> -> memref<50x64xf32, #tpu.memory_space<hbm>>
      %dma_start3A_1285 = arith.constant 150 : i32
      %dma_start3A_1286 = arith.constant 0 : i32
      %dma_start3A_1287 = tpu.memref_slice %arg12[%dma_start3A_1285, %dma_start3A_1286] : memref<200x64xf32, #tpu.memory_space<vmem>> -> memref<50x64xf32, #tpu.memory_space<vmem>>
      tpu.enqueue_dma source(%dma_start3A_1287 : memref<50x64xf32, #tpu.memory_space<vmem>>) target(%dma_start3A_1284 : memref<50x64xf32, #tpu.memory_space<hbm>>) target_semaphore(%arg28 : memref<!tpu.dma_semaphore, #tpu.memory_space<semaphore_mem>>)
      %add3A_1288 = arith.constant 8 : i32
      %add3A_1289 = arith.addi %add3A_1205, %add3A_1288 : i32
      %sub3A_1290 = arith.constant 1 : i32
      %sub3A_1291 = arith.subi %add3A_1289, %sub3A_1290 : i32
      %lt3A_1292 = arith.constant 128 : i32
      %lt3A_1293 = arith.cmpi slt, %sub3A_1291, %lt3A_1292 : i32
      %convert_element_type3A_1294 = arith.extui %lt3A_1293 : i1 to i32
      %cond3A_1295 = arith.constant 0 : i32
      %cond3A_1296 = arith.cmpi ne, %convert_element_type3A_1294, %cond3A_1295 : i32
      scf.if %cond3A_1296 {
        %ge3A = arith.constant 8 : i32
        %ge3A_1393 = arith.cmpi sge, %sub3A_1291, %ge3A : i32
        %convert_element_type3A_1394 = arith.extui %ge3A_1393 : i1 to i32
        %cond3A_1395 = arith.constant 0 : i32
        %cond3A_1396 = arith.cmpi ne, %convert_element_type3A_1394, %cond3A_1395 : i32
        scf.if %cond3A_1396 {
          %sub3A_1403 = arith.constant 8 : i32
          %sub3A_1404 = arith.subi %sub3A_1291, %sub3A_1403 : i32
          %mul3A_1405 = arith.constant 4 : i32
          %mul3A_1406 = arith.muli %sub3A_1404, %mul3A_1405 : i32
          %add3A_1407 = arith.addi %mul3A_2, %mul3A_1406 : i32
          %add3A_1408 = arith.constant 0 : i32
          %add3A_1409 = arith.addi %add3A_1407, %add3A_1408 : i32
          %dma_wait3A_1410 = arith.constant 0 : i32
          %dma_wait3A_1411 = arith.constant 0 : i32
          %dma_wait3A_1412 = tpu.memref_slice %arg11[%dma_wait3A_1410, %dma_wait3A_1411] : memref<200x64xf32, #tpu.memory_space<vmem>> -> memref<50x64xf32, #tpu.memory_space<vmem>>
          %dma_wait3A_1413 = arith.constant 0 : i32
          %dma_wait3A_1414 = arith.constant 0 : i32
          %dma_wait3A_1415 = tpu.memref_slice %arg4[%add3A_1409, %dma_wait3A_1413, %dma_wait3A_1414] : memref<16384x56x128xf32, #tpu.memory_space<hbm>> -> memref<1x50x64xf32, #tpu.memory_space<hbm>>
          %dma_wait3A_1416 = tpu.memref_squeeze %dma_wait3A_1415 : memref<1x50x64xf32, #tpu.memory_space<hbm>> -> memref<50x64xf32, #tpu.memory_space<hbm>>
          %dma_wait3A_1417 = arith.constant 0 : i32
          %dma_wait3A_1418 = arith.constant 0 : i32
          %dma_wait3A_1419 = tpu.memref_slice %arg4[%add3A_1409, %dma_wait3A_1417, %dma_wait3A_1418] : memref<16384x56x128xf32, #tpu.memory_space<hbm>> -> memref<1x50x64xf32, #tpu.memory_space<hbm>>
          %dma_wait3A_1420 = tpu.memref_squeeze %dma_wait3A_1419 : memref<1x50x64xf32, #tpu.memory_space<hbm>> -> memref<50x64xf32, #tpu.memory_space<hbm>>
          %dma_wait3A_1421 = arith.constant 0 : i32
          %dma_wait3A_1422 = arith.constant 0 : i32
          %dma_wait3A_1423 = tpu.memref_slice %arg11[%dma_wait3A_1421, %dma_wait3A_1422] : memref<200x64xf32, #tpu.memory_space<vmem>> -> memref<50x64xf32, #tpu.memory_space<vmem>>
          tpu.wait_dma2 semaphore(%arg27 : memref<!tpu.dma_semaphore, #tpu.memory_space<semaphore_mem>>) src(%dma_wait3A_1423 : memref<50x64xf32, #tpu.memory_space<vmem>>) dst(%dma_wait3A_1420 : memref<50x64xf32, #tpu.memory_space<hbm>>)
          %mul3A_1424 = arith.constant 4 : i32
          %mul3A_1425 = arith.muli %sub3A_1404, %mul3A_1424 : i32
          %add3A_1426 = arith.addi %mul3A_2, %mul3A_1425 : i32
          %add3A_1427 = arith.constant 1 : i32
          %add3A_1428 = arith.addi %add3A_1426, %add3A_1427 : i32
          %dma_wait3A_1429 = arith.constant 50 : i32
          %dma_wait3A_1430 = arith.constant 0 : i32
          %dma_wait3A_1431 = tpu.memref_slice %arg11[%dma_wait3A_1429, %dma_wait3A_1430] : memref<200x64xf32, #tpu.memory_space<vmem>> -> memref<50x64xf32, #tpu.memory_space<vmem>>
          %dma_wait3A_1432 = arith.constant 0 : i32
          %dma_wait3A_1433 = arith.constant 0 : i32
          %dma_wait3A_1434 = tpu.memref_slice %arg4[%add3A_1428, %dma_wait3A_1432, %dma_wait3A_1433] : memref<16384x56x128xf32, #tpu.memory_space<hbm>> -> memref<1x50x64xf32, #tpu.memory_space<hbm>>
          %dma_wait3A_1435 = tpu.memref_squeeze %dma_wait3A_1434 : memref<1x50x64xf32, #tpu.memory_space<hbm>> -> memref<50x64xf32, #tpu.memory_space<hbm>>
          %dma_wait3A_1436 = arith.constant 0 : i32
          %dma_wait3A_1437 = arith.constant 0 : i32
          %dma_wait3A_1438 = tpu.memref_slice %arg4[%add3A_1428, %dma_wait3A_1436, %dma_wait3A_1437] : memref<16384x56x128xf32, #tpu.memory_space<hbm>> -> memref<1x50x64xf32, #tpu.memory_space<hbm>>
          %dma_wait3A_1439 = tpu.memref_squeeze %dma_wait3A_1438 : memref<1x50x64xf32, #tpu.memory_space<hbm>> -> memref<50x64xf32, #tpu.memory_space<hbm>>
          %dma_wait3A_1440 = arith.constant 50 : i32
          %dma_wait3A_1441 = arith.constant 0 : i32
          %dma_wait3A_1442 = tpu.memref_slice %arg11[%dma_wait3A_1440, %dma_wait3A_1441] : memref<200x64xf32, #tpu.memory_space<vmem>> -> memref<50x64xf32, #tpu.memory_space<vmem>>
          tpu.wait_dma2 semaphore(%arg27 : memref<!tpu.dma_semaphore, #tpu.memory_space<semaphore_mem>>) src(%dma_wait3A_1442 : memref<50x64xf32, #tpu.memory_space<vmem>>) dst(%dma_wait3A_1439 : memref<50x64xf32, #tpu.memory_space<hbm>>)
          %mul3A_1443 = arith.constant 4 : i32
          %mul3A_1444 = arith.muli %sub3A_1404, %mul3A_1443 : i32
          %add3A_1445 = arith.addi %mul3A_2, %mul3A_1444 : i32
          %add3A_1446 = arith.constant 2 : i32
          %add3A_1447 = arith.addi %add3A_1445, %add3A_1446 : i32
          %dma_wait3A_1448 = arith.constant 100 : i32
          %dma_wait3A_1449 = arith.constant 0 : i32
          %dma_wait3A_1450 = tpu.memref_slice %arg11[%dma_wait3A_1448, %dma_wait3A_1449] : memref<200x64xf32, #tpu.memory_space<vmem>> -> memref<50x64xf32, #tpu.memory_space<vmem>>
          %dma_wait3A_1451 = arith.constant 0 : i32
          %dma_wait3A_1452 = arith.constant 0 : i32
          %dma_wait3A_1453 = tpu.memref_slice %arg4[%add3A_1447, %dma_wait3A_1451, %dma_wait3A_1452] : memref<16384x56x128xf32, #tpu.memory_space<hbm>> -> memref<1x50x64xf32, #tpu.memory_space<hbm>>
          %dma_wait3A_1454 = tpu.memref_squeeze %dma_wait3A_1453 : memref<1x50x64xf32, #tpu.memory_space<hbm>> -> memref<50x64xf32, #tpu.memory_space<hbm>>
          %dma_wait3A_1455 = arith.constant 0 : i32
          %dma_wait3A_1456 = arith.constant 0 : i32
          %dma_wait3A_1457 = tpu.memref_slice %arg4[%add3A_1447, %dma_wait3A_1455, %dma_wait3A_1456] : memref<16384x56x128xf32, #tpu.memory_space<hbm>> -> memref<1x50x64xf32, #tpu.memory_space<hbm>>
          %dma_wait3A_1458 = tpu.memref_squeeze %dma_wait3A_1457 : memref<1x50x64xf32, #tpu.memory_space<hbm>> -> memref<50x64xf32, #tpu.memory_space<hbm>>
          %dma_wait3A_1459 = arith.constant 100 : i32
          %dma_wait3A_1460 = arith.constant 0 : i32
          %dma_wait3A_1461 = tpu.memref_slice %arg11[%dma_wait3A_1459, %dma_wait3A_1460] : memref<200x64xf32, #tpu.memory_space<vmem>> -> memref<50x64xf32, #tpu.memory_space<vmem>>
          tpu.wait_dma2 semaphore(%arg27 : memref<!tpu.dma_semaphore, #tpu.memory_space<semaphore_mem>>) src(%dma_wait3A_1461 : memref<50x64xf32, #tpu.memory_space<vmem>>) dst(%dma_wait3A_1458 : memref<50x64xf32, #tpu.memory_space<hbm>>)
          %mul3A_1462 = arith.constant 4 : i32
          %mul3A_1463 = arith.muli %sub3A_1404, %mul3A_1462 : i32
          %add3A_1464 = arith.addi %mul3A_2, %mul3A_1463 : i32
          %add3A_1465 = arith.constant 3 : i32
          %add3A_1466 = arith.addi %add3A_1464, %add3A_1465 : i32
          %dma_wait3A_1467 = arith.constant 150 : i32
          %dma_wait3A_1468 = arith.constant 0 : i32
          %dma_wait3A_1469 = tpu.memref_slice %arg11[%dma_wait3A_1467, %dma_wait3A_1468] : memref<200x64xf32, #tpu.memory_space<vmem>> -> memref<50x64xf32, #tpu.memory_space<vmem>>
          %dma_wait3A_1470 = arith.constant 0 : i32
          %dma_wait3A_1471 = arith.constant 0 : i32
          %dma_wait3A_1472 = tpu.memref_slice %arg4[%add3A_1466, %dma_wait3A_1470, %dma_wait3A_1471] : memref<16384x56x128xf32, #tpu.memory_space<hbm>> -> memref<1x50x64xf32, #tpu.memory_space<hbm>>
          %dma_wait3A_1473 = tpu.memref_squeeze %dma_wait3A_1472 : memref<1x50x64xf32, #tpu.memory_space<hbm>> -> memref<50x64xf32, #tpu.memory_space<hbm>>
          %dma_wait3A_1474 = arith.constant 0 : i32
          %dma_wait3A_1475 = arith.constant 0 : i32
          %dma_wait3A_1476 = tpu.memref_slice %arg4[%add3A_1466, %dma_wait3A_1474, %dma_wait3A_1475] : memref<16384x56x128xf32, #tpu.memory_space<hbm>> -> memref<1x50x64xf32, #tpu.memory_space<hbm>>
          %dma_wait3A_1477 = tpu.memref_squeeze %dma_wait3A_1476 : memref<1x50x64xf32, #tpu.memory_space<hbm>> -> memref<50x64xf32, #tpu.memory_space<hbm>>
          %dma_wait3A_1478 = arith.constant 150 : i32
          %dma_wait3A_1479 = arith.constant 0 : i32
          %dma_wait3A_1480 = tpu.memref_slice %arg11[%dma_wait3A_1478, %dma_wait3A_1479] : memref<200x64xf32, #tpu.memory_space<vmem>> -> memref<50x64xf32, #tpu.memory_space<vmem>>
          tpu.wait_dma2 semaphore(%arg27 : memref<!tpu.dma_semaphore, #tpu.memory_space<semaphore_mem>>) src(%dma_wait3A_1480 : memref<50x64xf32, #tpu.memory_space<vmem>>) dst(%dma_wait3A_1477 : memref<50x64xf32, #tpu.memory_space<hbm>>)
        } else {
        }
        %dma_start3A_1397 = arith.constant 0 : i32
        %dma_start3A_1398 = tpu.memref_slice %arg5[%sub3A_1291, %dma_start3A_1397] : memref<128x200xi32, #tpu.memory_space<vmem>> -> memref<1x200xi32, #tpu.memory_space<vmem>>
        %dma_start3A_1399 = tpu.memref_squeeze %dma_start3A_1398 : memref<1x200xi32, #tpu.memory_space<vmem>> -> memref<200xi32, #tpu.memory_space<vmem>>
        %dma_start3A_1400 = arith.constant 0 : i32
        %dma_start3A_1401 = arith.constant 0 : i32
        %dma_start3A_1402 = tpu.memref_slice %arg3[%dma_start3A_1400, %dma_start3A_1401] : memref<1000000x64xf32, #tpu.memory_space<hbm>> -> memref<1000000x64xf32, #tpu.memory_space<hbm>>
        tpu.enqueue_indirect_dma source(%dma_start3A_1402 : memref<1000000x64xf32, #tpu.memory_space<hbm>>) target(%arg11 : memref<200x64xf32, #tpu.memory_space<vmem>>) offsets(%dma_start3A_1399 : memref<200xi32, #tpu.memory_space<vmem>>) semaphore(%arg19 : memref<!tpu.dma_semaphore, #tpu.memory_space<semaphore_mem>>)
      } else {
      }
      %mul3A_1297 = arith.constant 8 : i32
      %mul3A_1298 = arith.muli %scan3A_634, %mul3A_1297 : i32
      %add3A_1299 = arith.constant 7 : i32
      %add3A_1300 = arith.addi %mul3A_1298, %add3A_1299 : i32
      %dma_wait3A_1301 = arith.constant 0 : i32
      %dma_wait3A_1302 = tpu.memref_slice %arg5[%add3A_1300, %dma_wait3A_1301] : memref<128x200xi32, #tpu.memory_space<vmem>> -> memref<1x200xi32, #tpu.memory_space<vmem>>
      %dma_wait3A_1303 = tpu.memref_squeeze %dma_wait3A_1302 : memref<1x200xi32, #tpu.memory_space<vmem>> -> memref<200xi32, #tpu.memory_space<vmem>>
      %dma_wait3A_1304 = arith.constant 0 : i32
      %dma_wait3A_1305 = arith.constant 0 : i32
      %dma_wait3A_1306 = tpu.memref_slice %arg3[%dma_wait3A_1304, %dma_wait3A_1305] : memref<1000000x64xf32, #tpu.memory_space<hbm>> -> memref<1000000x64xf32, #tpu.memory_space<hbm>>
      tpu.wait_indirect_dma semaphore(%arg21 : memref<!tpu.dma_semaphore, #tpu.memory_space<semaphore_mem>>) src(%dma_wait3A_1306 : memref<1000000x64xf32, #tpu.memory_space<hbm>>) dst(%arg13 : memref<200x64xf32, #tpu.memory_space<vmem>>)
      %mul3A_1307 = arith.constant 4 : i32
      %mul3A_1308 = arith.muli %add3A_1300, %mul3A_1307 : i32
      %add3A_1309 = arith.addi %mul3A_2, %mul3A_1308 : i32
      %add3A_1310 = arith.constant 0 : i32
      %add3A_1311 = arith.addi %add3A_1309, %add3A_1310 : i32
      %dma_start3A_1312 = arith.constant 0 : i32
      %dma_start3A_1313 = arith.constant 0 : i32
      %dma_start3A_1314 = tpu.memref_slice %arg13[%dma_start3A_1312, %dma_start3A_1313] : memref<200x64xf32, #tpu.memory_space<vmem>> -> memref<50x64xf32, #tpu.memory_space<vmem>>
      %dma_start3A_1315 = arith.constant 0 : i32
      %dma_start3A_1316 = arith.constant 0 : i32
      %dma_start3A_1317 = tpu.memref_slice %arg4[%add3A_1311, %dma_start3A_1315, %dma_start3A_1316] : memref<16384x56x128xf32, #tpu.memory_space<hbm>> -> memref<1x50x64xf32, #tpu.memory_space<hbm>>
      %dma_start3A_1318 = tpu.memref_squeeze %dma_start3A_1317 : memref<1x50x64xf32, #tpu.memory_space<hbm>> -> memref<50x64xf32, #tpu.memory_space<hbm>>
      %dma_start3A_1319 = arith.constant 0 : i32
      %dma_start3A_1320 = arith.constant 0 : i32
      %dma_start3A_1321 = tpu.memref_slice %arg4[%add3A_1311, %dma_start3A_1319, %dma_start3A_1320] : memref<16384x56x128xf32, #tpu.memory_space<hbm>> -> memref<1x50x64xf32, #tpu.memory_space<hbm>>
      %dma_start3A_1322 = tpu.memref_squeeze %dma_start3A_1321 : memref<1x50x64xf32, #tpu.memory_space<hbm>> -> memref<50x64xf32, #tpu.memory_space<hbm>>
      %dma_start3A_1323 = arith.constant 0 : i32
      %dma_start3A_1324 = arith.constant 0 : i32
      %dma_start3A_1325 = tpu.memref_slice %arg13[%dma_start3A_1323, %dma_start3A_1324] : memref<200x64xf32, #tpu.memory_space<vmem>> -> memref<50x64xf32, #tpu.memory_space<vmem>>
      tpu.enqueue_dma source(%dma_start3A_1325 : memref<50x64xf32, #tpu.memory_space<vmem>>) target(%dma_start3A_1322 : memref<50x64xf32, #tpu.memory_space<hbm>>) target_semaphore(%arg29 : memref<!tpu.dma_semaphore, #tpu.memory_space<semaphore_mem>>)
      %mul3A_1326 = arith.constant 4 : i32
      %mul3A_1327 = arith.muli %add3A_1300, %mul3A_1326 : i32
      %add3A_1328 = arith.addi %mul3A_2, %mul3A_1327 : i32
      %add3A_1329 = arith.constant 1 : i32
      %add3A_1330 = arith.addi %add3A_1328, %add3A_1329 : i32
      %dma_start3A_1331 = arith.constant 50 : i32
      %dma_start3A_1332 = arith.constant 0 : i32
      %dma_start3A_1333 = tpu.memref_slice %arg13[%dma_start3A_1331, %dma_start3A_1332] : memref<200x64xf32, #tpu.memory_space<vmem>> -> memref<50x64xf32, #tpu.memory_space<vmem>>
      %dma_start3A_1334 = arith.constant 0 : i32
      %dma_start3A_1335 = arith.constant 0 : i32
      %dma_start3A_1336 = tpu.memref_slice %arg4[%add3A_1330, %dma_start3A_1334, %dma_start3A_1335] : memref<16384x56x128xf32, #tpu.memory_space<hbm>> -> memref<1x50x64xf32, #tpu.memory_space<hbm>>
      %dma_start3A_1337 = tpu.memref_squeeze %dma_start3A_1336 : memref<1x50x64xf32, #tpu.memory_space<hbm>> -> memref<50x64xf32, #tpu.memory_space<hbm>>
      %dma_start3A_1338 = arith.constant 0 : i32
      %dma_start3A_1339 = arith.constant 0 : i32
      %dma_start3A_1340 = tpu.memref_slice %arg4[%add3A_1330, %dma_start3A_1338, %dma_start3A_1339] : memref<16384x56x128xf32, #tpu.memory_space<hbm>> -> memref<1x50x64xf32, #tpu.memory_space<hbm>>
      %dma_start3A_1341 = tpu.memref_squeeze %dma_start3A_1340 : memref<1x50x64xf32, #tpu.memory_space<hbm>> -> memref<50x64xf32, #tpu.memory_space<hbm>>
      %dma_start3A_1342 = arith.constant 50 : i32
      %dma_start3A_1343 = arith.constant 0 : i32
      %dma_start3A_1344 = tpu.memref_slice %arg13[%dma_start3A_1342, %dma_start3A_1343] : memref<200x64xf32, #tpu.memory_space<vmem>> -> memref<50x64xf32, #tpu.memory_space<vmem>>
      tpu.enqueue_dma source(%dma_start3A_1344 : memref<50x64xf32, #tpu.memory_space<vmem>>) target(%dma_start3A_1341 : memref<50x64xf32, #tpu.memory_space<hbm>>) target_semaphore(%arg29 : memref<!tpu.dma_semaphore, #tpu.memory_space<semaphore_mem>>)
      %mul3A_1345 = arith.constant 4 : i32
      %mul3A_1346 = arith.muli %add3A_1300, %mul3A_1345 : i32
      %add3A_1347 = arith.addi %mul3A_2, %mul3A_1346 : i32
      %add3A_1348 = arith.constant 2 : i32
      %add3A_1349 = arith.addi %add3A_1347, %add3A_1348 : i32
      %dma_start3A_1350 = arith.constant 100 : i32
      %dma_start3A_1351 = arith.constant 0 : i32
      %dma_start3A_1352 = tpu.memref_slice %arg13[%dma_start3A_1350, %dma_start3A_1351] : memref<200x64xf32, #tpu.memory_space<vmem>> -> memref<50x64xf32, #tpu.memory_space<vmem>>
      %dma_start3A_1353 = arith.constant 0 : i32
      %dma_start3A_1354 = arith.constant 0 : i32
      %dma_start3A_1355 = tpu.memref_slice %arg4[%add3A_1349, %dma_start3A_1353, %dma_start3A_1354] : memref<16384x56x128xf32, #tpu.memory_space<hbm>> -> memref<1x50x64xf32, #tpu.memory_space<hbm>>
      %dma_start3A_1356 = tpu.memref_squeeze %dma_start3A_1355 : memref<1x50x64xf32, #tpu.memory_space<hbm>> -> memref<50x64xf32, #tpu.memory_space<hbm>>
      %dma_start3A_1357 = arith.constant 0 : i32
      %dma_start3A_1358 = arith.constant 0 : i32
      %dma_start3A_1359 = tpu.memref_slice %arg4[%add3A_1349, %dma_start3A_1357, %dma_start3A_1358] : memref<16384x56x128xf32, #tpu.memory_space<hbm>> -> memref<1x50x64xf32, #tpu.memory_space<hbm>>
      %dma_start3A_1360 = tpu.memref_squeeze %dma_start3A_1359 : memref<1x50x64xf32, #tpu.memory_space<hbm>> -> memref<50x64xf32, #tpu.memory_space<hbm>>
      %dma_start3A_1361 = arith.constant 100 : i32
      %dma_start3A_1362 = arith.constant 0 : i32
      %dma_start3A_1363 = tpu.memref_slice %arg13[%dma_start3A_1361, %dma_start3A_1362] : memref<200x64xf32, #tpu.memory_space<vmem>> -> memref<50x64xf32, #tpu.memory_space<vmem>>
      tpu.enqueue_dma source(%dma_start3A_1363 : memref<50x64xf32, #tpu.memory_space<vmem>>) target(%dma_start3A_1360 : memref<50x64xf32, #tpu.memory_space<hbm>>) target_semaphore(%arg29 : memref<!tpu.dma_semaphore, #tpu.memory_space<semaphore_mem>>)
      %mul3A_1364 = arith.constant 4 : i32
      %mul3A_1365 = arith.muli %add3A_1300, %mul3A_1364 : i32
      %add3A_1366 = arith.addi %mul3A_2, %mul3A_1365 : i32
      %add3A_1367 = arith.constant 3 : i32
      %add3A_1368 = arith.addi %add3A_1366, %add3A_1367 : i32
      %dma_start3A_1369 = arith.constant 150 : i32
      %dma_start3A_1370 = arith.constant 0 : i32
      %dma_start3A_1371 = tpu.memref_slice %arg13[%dma_start3A_1369, %dma_start3A_1370] : memref<200x64xf32, #tpu.memory_space<vmem>> -> memref<50x64xf32, #tpu.memory_space<vmem>>
      %dma_start3A_1372 = arith.constant 0 : i32
      %dma_start3A_1373 = arith.constant 0 : i32
      %dma_start3A_1374 = tpu.memref_slice %arg4[%add3A_1368, %dma_start3A_1372, %dma_start3A_1373] : memref<16384x56x128xf32, #tpu.memory_space<hbm>> -> memref<1x50x64xf32, #tpu.memory_space<hbm>>
      %dma_start3A_1375 = tpu.memref_squeeze %dma_start3A_1374 : memref<1x50x64xf32, #tpu.memory_space<hbm>> -> memref<50x64xf32, #tpu.memory_space<hbm>>
      %dma_start3A_1376 = arith.constant 0 : i32
      %dma_start3A_1377 = arith.constant 0 : i32
      %dma_start3A_1378 = tpu.memref_slice %arg4[%add3A_1368, %dma_start3A_1376, %dma_start3A_1377] : memref<16384x56x128xf32, #tpu.memory_space<hbm>> -> memref<1x50x64xf32, #tpu.memory_space<hbm>>
      %dma_start3A_1379 = tpu.memref_squeeze %dma_start3A_1378 : memref<1x50x64xf32, #tpu.memory_space<hbm>> -> memref<50x64xf32, #tpu.memory_space<hbm>>
      %dma_start3A_1380 = arith.constant 150 : i32
      %dma_start3A_1381 = arith.constant 0 : i32
      %dma_start3A_1382 = tpu.memref_slice %arg13[%dma_start3A_1380, %dma_start3A_1381] : memref<200x64xf32, #tpu.memory_space<vmem>> -> memref<50x64xf32, #tpu.memory_space<vmem>>
      tpu.enqueue_dma source(%dma_start3A_1382 : memref<50x64xf32, #tpu.memory_space<vmem>>) target(%dma_start3A_1379 : memref<50x64xf32, #tpu.memory_space<hbm>>) target_semaphore(%arg29 : memref<!tpu.dma_semaphore, #tpu.memory_space<semaphore_mem>>)
      %add3A_1383 = arith.constant 8 : i32
      %add3A_1384 = arith.addi %add3A_1300, %add3A_1383 : i32
      %sub3A_1385 = arith.constant 1 : i32
      %sub3A_1386 = arith.subi %add3A_1384, %sub3A_1385 : i32
      %lt3A_1387 = arith.constant 128 : i32
      %lt3A_1388 = arith.cmpi slt, %sub3A_1386, %lt3A_1387 : i32
      %convert_element_type3A_1389 = arith.extui %lt3A_1388 : i1 to i32
      %cond3A_1390 = arith.constant 0 : i32
      %cond3A_1391 = arith.cmpi ne, %convert_element_type3A_1389, %cond3A_1390 : i32
      scf.if %cond3A_1391 {
        %ge3A = arith.constant 8 : i32
        %ge3A_1393 = arith.cmpi sge, %sub3A_1386, %ge3A : i32
        %convert_element_type3A_1394 = arith.extui %ge3A_1393 : i1 to i32
        %cond3A_1395 = arith.constant 0 : i32
        %cond3A_1396 = arith.cmpi ne, %convert_element_type3A_1394, %cond3A_1395 : i32
        scf.if %cond3A_1396 {
          %sub3A_1403 = arith.constant 8 : i32
          %sub3A_1404 = arith.subi %sub3A_1386, %sub3A_1403 : i32
          %mul3A_1405 = arith.constant 4 : i32
          %mul3A_1406 = arith.muli %sub3A_1404, %mul3A_1405 : i32
          %add3A_1407 = arith.addi %mul3A_2, %mul3A_1406 : i32
          %add3A_1408 = arith.constant 0 : i32
          %add3A_1409 = arith.addi %add3A_1407, %add3A_1408 : i32
          %dma_wait3A_1410 = arith.constant 0 : i32
          %dma_wait3A_1411 = arith.constant 0 : i32
          %dma_wait3A_1412 = tpu.memref_slice %arg12[%dma_wait3A_1410, %dma_wait3A_1411] : memref<200x64xf32, #tpu.memory_space<vmem>> -> memref<50x64xf32, #tpu.memory_space<vmem>>
          %dma_wait3A_1413 = arith.constant 0 : i32
          %dma_wait3A_1414 = arith.constant 0 : i32
          %dma_wait3A_1415 = tpu.memref_slice %arg4[%add3A_1409, %dma_wait3A_1413, %dma_wait3A_1414] : memref<16384x56x128xf32, #tpu.memory_space<hbm>> -> memref<1x50x64xf32, #tpu.memory_space<hbm>>
          %dma_wait3A_1416 = tpu.memref_squeeze %dma_wait3A_1415 : memref<1x50x64xf32, #tpu.memory_space<hbm>> -> memref<50x64xf32, #tpu.memory_space<hbm>>
          %dma_wait3A_1417 = arith.constant 0 : i32
          %dma_wait3A_1418 = arith.constant 0 : i32
          %dma_wait3A_1419 = tpu.memref_slice %arg4[%add3A_1409, %dma_wait3A_1417, %dma_wait3A_1418] : memref<16384x56x128xf32, #tpu.memory_space<hbm>> -> memref<1x50x64xf32, #tpu.memory_space<hbm>>
          %dma_wait3A_1420 = tpu.memref_squeeze %dma_wait3A_1419 : memref<1x50x64xf32, #tpu.memory_space<hbm>> -> memref<50x64xf32, #tpu.memory_space<hbm>>
          %dma_wait3A_1421 = arith.constant 0 : i32
          %dma_wait3A_1422 = arith.constant 0 : i32
          %dma_wait3A_1423 = tpu.memref_slice %arg12[%dma_wait3A_1421, %dma_wait3A_1422] : memref<200x64xf32, #tpu.memory_space<vmem>> -> memref<50x64xf32, #tpu.memory_space<vmem>>
          tpu.wait_dma2 semaphore(%arg28 : memref<!tpu.dma_semaphore, #tpu.memory_space<semaphore_mem>>) src(%dma_wait3A_1423 : memref<50x64xf32, #tpu.memory_space<vmem>>) dst(%dma_wait3A_1420 : memref<50x64xf32, #tpu.memory_space<hbm>>)
          %mul3A_1424 = arith.constant 4 : i32
          %mul3A_1425 = arith.muli %sub3A_1404, %mul3A_1424 : i32
          %add3A_1426 = arith.addi %mul3A_2, %mul3A_1425 : i32
          %add3A_1427 = arith.constant 1 : i32
          %add3A_1428 = arith.addi %add3A_1426, %add3A_1427 : i32
          %dma_wait3A_1429 = arith.constant 50 : i32
          %dma_wait3A_1430 = arith.constant 0 : i32
          %dma_wait3A_1431 = tpu.memref_slice %arg12[%dma_wait3A_1429, %dma_wait3A_1430] : memref<200x64xf32, #tpu.memory_space<vmem>> -> memref<50x64xf32, #tpu.memory_space<vmem>>
          %dma_wait3A_1432 = arith.constant 0 : i32
          %dma_wait3A_1433 = arith.constant 0 : i32
          %dma_wait3A_1434 = tpu.memref_slice %arg4[%add3A_1428, %dma_wait3A_1432, %dma_wait3A_1433] : memref<16384x56x128xf32, #tpu.memory_space<hbm>> -> memref<1x50x64xf32, #tpu.memory_space<hbm>>
          %dma_wait3A_1435 = tpu.memref_squeeze %dma_wait3A_1434 : memref<1x50x64xf32, #tpu.memory_space<hbm>> -> memref<50x64xf32, #tpu.memory_space<hbm>>
          %dma_wait3A_1436 = arith.constant 0 : i32
          %dma_wait3A_1437 = arith.constant 0 : i32
          %dma_wait3A_1438 = tpu.memref_slice %arg4[%add3A_1428, %dma_wait3A_1436, %dma_wait3A_1437] : memref<16384x56x128xf32, #tpu.memory_space<hbm>> -> memref<1x50x64xf32, #tpu.memory_space<hbm>>
          %dma_wait3A_1439 = tpu.memref_squeeze %dma_wait3A_1438 : memref<1x50x64xf32, #tpu.memory_space<hbm>> -> memref<50x64xf32, #tpu.memory_space<hbm>>
          %dma_wait3A_1440 = arith.constant 50 : i32
          %dma_wait3A_1441 = arith.constant 0 : i32
          %dma_wait3A_1442 = tpu.memref_slice %arg12[%dma_wait3A_1440, %dma_wait3A_1441] : memref<200x64xf32, #tpu.memory_space<vmem>> -> memref<50x64xf32, #tpu.memory_space<vmem>>
          tpu.wait_dma2 semaphore(%arg28 : memref<!tpu.dma_semaphore, #tpu.memory_space<semaphore_mem>>) src(%dma_wait3A_1442 : memref<50x64xf32, #tpu.memory_space<vmem>>) dst(%dma_wait3A_1439 : memref<50x64xf32, #tpu.memory_space<hbm>>)
          %mul3A_1443 = arith.constant 4 : i32
          %mul3A_1444 = arith.muli %sub3A_1404, %mul3A_1443 : i32
          %add3A_1445 = arith.addi %mul3A_2, %mul3A_1444 : i32
          %add3A_1446 = arith.constant 2 : i32
          %add3A_1447 = arith.addi %add3A_1445, %add3A_1446 : i32
          %dma_wait3A_1448 = arith.constant 100 : i32
          %dma_wait3A_1449 = arith.constant 0 : i32
          %dma_wait3A_1450 = tpu.memref_slice %arg12[%dma_wait3A_1448, %dma_wait3A_1449] : memref<200x64xf32, #tpu.memory_space<vmem>> -> memref<50x64xf32, #tpu.memory_space<vmem>>
          %dma_wait3A_1451 = arith.constant 0 : i32
          %dma_wait3A_1452 = arith.constant 0 : i32
          %dma_wait3A_1453 = tpu.memref_slice %arg4[%add3A_1447, %dma_wait3A_1451, %dma_wait3A_1452] : memref<16384x56x128xf32, #tpu.memory_space<hbm>> -> memref<1x50x64xf32, #tpu.memory_space<hbm>>
          %dma_wait3A_1454 = tpu.memref_squeeze %dma_wait3A_1453 : memref<1x50x64xf32, #tpu.memory_space<hbm>> -> memref<50x64xf32, #tpu.memory_space<hbm>>
          %dma_wait3A_1455 = arith.constant 0 : i32
          %dma_wait3A_1456 = arith.constant 0 : i32
          %dma_wait3A_1457 = tpu.memref_slice %arg4[%add3A_1447, %dma_wait3A_1455, %dma_wait3A_1456] : memref<16384x56x128xf32, #tpu.memory_space<hbm>> -> memref<1x50x64xf32, #tpu.memory_space<hbm>>
          %dma_wait3A_1458 = tpu.memref_squeeze %dma_wait3A_1457 : memref<1x50x64xf32, #tpu.memory_space<hbm>> -> memref<50x64xf32, #tpu.memory_space<hbm>>
          %dma_wait3A_1459 = arith.constant 100 : i32
          %dma_wait3A_1460 = arith.constant 0 : i32
          %dma_wait3A_1461 = tpu.memref_slice %arg12[%dma_wait3A_1459, %dma_wait3A_1460] : memref<200x64xf32, #tpu.memory_space<vmem>> -> memref<50x64xf32, #tpu.memory_space<vmem>>
          tpu.wait_dma2 semaphore(%arg28 : memref<!tpu.dma_semaphore, #tpu.memory_space<semaphore_mem>>) src(%dma_wait3A_1461 : memref<50x64xf32, #tpu.memory_space<vmem>>) dst(%dma_wait3A_1458 : memref<50x64xf32, #tpu.memory_space<hbm>>)
          %mul3A_1462 = arith.constant 4 : i32
          %mul3A_1463 = arith.muli %sub3A_1404, %mul3A_1462 : i32
          %add3A_1464 = arith.addi %mul3A_2, %mul3A_1463 : i32
          %add3A_1465 = arith.constant 3 : i32
          %add3A_1466 = arith.addi %add3A_1464, %add3A_1465 : i32
          %dma_wait3A_1467 = arith.constant 150 : i32
          %dma_wait3A_1468 = arith.constant 0 : i32
          %dma_wait3A_1469 = tpu.memref_slice %arg12[%dma_wait3A_1467, %dma_wait3A_1468] : memref<200x64xf32, #tpu.memory_space<vmem>> -> memref<50x64xf32, #tpu.memory_space<vmem>>
          %dma_wait3A_1470 = arith.constant 0 : i32
          %dma_wait3A_1471 = arith.constant 0 : i32
          %dma_wait3A_1472 = tpu.memref_slice %arg4[%add3A_1466, %dma_wait3A_1470, %dma_wait3A_1471] : memref<16384x56x128xf32, #tpu.memory_space<hbm>> -> memref<1x50x64xf32, #tpu.memory_space<hbm>>
          %dma_wait3A_1473 = tpu.memref_squeeze %dma_wait3A_1472 : memref<1x50x64xf32, #tpu.memory_space<hbm>> -> memref<50x64xf32, #tpu.memory_space<hbm>>
          %dma_wait3A_1474 = arith.constant 0 : i32
          %dma_wait3A_1475 = arith.constant 0 : i32
          %dma_wait3A_1476 = tpu.memref_slice %arg4[%add3A_1466, %dma_wait3A_1474, %dma_wait3A_1475] : memref<16384x56x128xf32, #tpu.memory_space<hbm>> -> memref<1x50x64xf32, #tpu.memory_space<hbm>>
          %dma_wait3A_1477 = tpu.memref_squeeze %dma_wait3A_1476 : memref<1x50x64xf32, #tpu.memory_space<hbm>> -> memref<50x64xf32, #tpu.memory_space<hbm>>
          %dma_wait3A_1478 = arith.constant 150 : i32
          %dma_wait3A_1479 = arith.constant 0 : i32
          %dma_wait3A_1480 = tpu.memref_slice %arg12[%dma_wait3A_1478, %dma_wait3A_1479] : memref<200x64xf32, #tpu.memory_space<vmem>> -> memref<50x64xf32, #tpu.memory_space<vmem>>
          tpu.wait_dma2 semaphore(%arg28 : memref<!tpu.dma_semaphore, #tpu.memory_space<semaphore_mem>>) src(%dma_wait3A_1480 : memref<50x64xf32, #tpu.memory_space<vmem>>) dst(%dma_wait3A_1477 : memref<50x64xf32, #tpu.memory_space<hbm>>)
        } else {
        }
        %dma_start3A_1397 = arith.constant 0 : i32
        %dma_start3A_1398 = tpu.memref_slice %arg5[%sub3A_1386, %dma_start3A_1397] : memref<128x200xi32, #tpu.memory_space<vmem>> -> memref<1x200xi32, #tpu.memory_space<vmem>>
        %dma_start3A_1399 = tpu.memref_squeeze %dma_start3A_1398 : memref<1x200xi32, #tpu.memory_space<vmem>> -> memref<200xi32, #tpu.memory_space<vmem>>
        %dma_start3A_1400 = arith.constant 0 : i32
        %dma_start3A_1401 = arith.constant 0 : i32
        %dma_start3A_1402 = tpu.memref_slice %arg3[%dma_start3A_1400, %dma_start3A_1401] : memref<1000000x64xf32, #tpu.memory_space<hbm>> -> memref<1000000x64xf32, #tpu.memory_space<hbm>>
        tpu.enqueue_indirect_dma source(%dma_start3A_1402 : memref<1000000x64xf32, #tpu.memory_space<hbm>>) target(%arg12 : memref<200x64xf32, #tpu.memory_space<vmem>>) offsets(%dma_start3A_1399 : memref<200xi32, #tpu.memory_space<vmem>>) semaphore(%arg20 : memref<!tpu.dma_semaphore, #tpu.memory_space<semaphore_mem>>)
      } else {
      }
      %scan3A_1392 = arith.constant 0 : i32
      scf.yield %scan3A_1392 : i32
    }
    %scan3A_58 = arith.constant 16 : i32
    %add3A_59 = arith.constant 480 : i32
    %add3A_60 = arith.addi %mul3A_2, %add3A_59 : i32
    %add3A_61 = arith.constant 0 : i32
    %add3A_62 = arith.addi %add3A_60, %add3A_61 : i32
    %dma_wait3A = arith.constant 0 : i32
    %dma_wait3A_63 = arith.constant 0 : i32
    %dma_wait3A_64 = tpu.memref_slice %arg6[%dma_wait3A, %dma_wait3A_63] : memref<200x64xf32, #tpu.memory_space<vmem>> -> memref<50x64xf32, #tpu.memory_space<vmem>>
    %dma_wait3A_65 = arith.constant 0 : i32
    %dma_wait3A_66 = arith.constant 0 : i32
    %dma_wait3A_67 = tpu.memref_slice %arg4[%add3A_62, %dma_wait3A_65, %dma_wait3A_66] : memref<16384x56x128xf32, #tpu.memory_space<hbm>> -> memref<1x50x64xf32, #tpu.memory_space<hbm>>
    %dma_wait3A_68 = tpu.memref_squeeze %dma_wait3A_67 : memref<1x50x64xf32, #tpu.memory_space<hbm>> -> memref<50x64xf32, #tpu.memory_space<hbm>>
    %dma_wait3A_69 = arith.constant 0 : i32
    %dma_wait3A_70 = arith.constant 0 : i32
    %dma_wait3A_71 = tpu.memref_slice %arg4[%add3A_62, %dma_wait3A_69, %dma_wait3A_70] : memref<16384x56x128xf32, #tpu.memory_space<hbm>> -> memref<1x50x64xf32, #tpu.memory_space<hbm>>
    %dma_wait3A_72 = tpu.memref_squeeze %dma_wait3A_71 : memref<1x50x64xf32, #tpu.memory_space<hbm>> -> memref<50x64xf32, #tpu.memory_space<hbm>>
    %dma_wait3A_73 = arith.constant 0 : i32
    %dma_wait3A_74 = arith.constant 0 : i32
    %dma_wait3A_75 = tpu.memref_slice %arg6[%dma_wait3A_73, %dma_wait3A_74] : memref<200x64xf32, #tpu.memory_space<vmem>> -> memref<50x64xf32, #tpu.memory_space<vmem>>
    tpu.wait_dma2 semaphore(%arg22 : memref<!tpu.dma_semaphore, #tpu.memory_space<semaphore_mem>>) src(%dma_wait3A_75 : memref<50x64xf32, #tpu.memory_space<vmem>>) dst(%dma_wait3A_72 : memref<50x64xf32, #tpu.memory_space<hbm>>)
    %add3A_76 = arith.constant 480 : i32
    %add3A_77 = arith.addi %mul3A_2, %add3A_76 : i32
    %add3A_78 = arith.constant 1 : i32
    %add3A_79 = arith.addi %add3A_77, %add3A_78 : i32
    %dma_wait3A_80 = arith.constant 50 : i32
    %dma_wait3A_81 = arith.constant 0 : i32
    %dma_wait3A_82 = tpu.memref_slice %arg6[%dma_wait3A_80, %dma_wait3A_81] : memref<200x64xf32, #tpu.memory_space<vmem>> -> memref<50x64xf32, #tpu.memory_space<vmem>>
    %dma_wait3A_83 = arith.constant 0 : i32
    %dma_wait3A_84 = arith.constant 0 : i32
    %dma_wait3A_85 = tpu.memref_slice %arg4[%add3A_79, %dma_wait3A_83, %dma_wait3A_84] : memref<16384x56x128xf32, #tpu.memory_space<hbm>> -> memref<1x50x64xf32, #tpu.memory_space<hbm>>
    %dma_wait3A_86 = tpu.memref_squeeze %dma_wait3A_85 : memref<1x50x64xf32, #tpu.memory_space<hbm>> -> memref<50x64xf32, #tpu.memory_space<hbm>>
    %dma_wait3A_87 = arith.constant 0 : i32
    %dma_wait3A_88 = arith.constant 0 : i32
    %dma_wait3A_89 = tpu.memref_slice %arg4[%add3A_79, %dma_wait3A_87, %dma_wait3A_88] : memref<16384x56x128xf32, #tpu.memory_space<hbm>> -> memref<1x50x64xf32, #tpu.memory_space<hbm>>
    %dma_wait3A_90 = tpu.memref_squeeze %dma_wait3A_89 : memref<1x50x64xf32, #tpu.memory_space<hbm>> -> memref<50x64xf32, #tpu.memory_space<hbm>>
    %dma_wait3A_91 = arith.constant 50 : i32
    %dma_wait3A_92 = arith.constant 0 : i32
    %dma_wait3A_93 = tpu.memref_slice %arg6[%dma_wait3A_91, %dma_wait3A_92] : memref<200x64xf32, #tpu.memory_space<vmem>> -> memref<50x64xf32, #tpu.memory_space<vmem>>
    tpu.wait_dma2 semaphore(%arg22 : memref<!tpu.dma_semaphore, #tpu.memory_space<semaphore_mem>>) src(%dma_wait3A_93 : memref<50x64xf32, #tpu.memory_space<vmem>>) dst(%dma_wait3A_90 : memref<50x64xf32, #tpu.memory_space<hbm>>)
    %add3A_94 = arith.constant 480 : i32
    %add3A_95 = arith.addi %mul3A_2, %add3A_94 : i32
    %add3A_96 = arith.constant 2 : i32
    %add3A_97 = arith.addi %add3A_95, %add3A_96 : i32
    %dma_wait3A_98 = arith.constant 100 : i32
    %dma_wait3A_99 = arith.constant 0 : i32
    %dma_wait3A_100 = tpu.memref_slice %arg6[%dma_wait3A_98, %dma_wait3A_99] : memref<200x64xf32, #tpu.memory_space<vmem>> -> memref<50x64xf32, #tpu.memory_space<vmem>>
    %dma_wait3A_101 = arith.constant 0 : i32
    %dma_wait3A_102 = arith.constant 0 : i32
    %dma_wait3A_103 = tpu.memref_slice %arg4[%add3A_97, %dma_wait3A_101, %dma_wait3A_102] : memref<16384x56x128xf32, #tpu.memory_space<hbm>> -> memref<1x50x64xf32, #tpu.memory_space<hbm>>
    %dma_wait3A_104 = tpu.memref_squeeze %dma_wait3A_103 : memref<1x50x64xf32, #tpu.memory_space<hbm>> -> memref<50x64xf32, #tpu.memory_space<hbm>>
    %dma_wait3A_105 = arith.constant 0 : i32
    %dma_wait3A_106 = arith.constant 0 : i32
    %dma_wait3A_107 = tpu.memref_slice %arg4[%add3A_97, %dma_wait3A_105, %dma_wait3A_106] : memref<16384x56x128xf32, #tpu.memory_space<hbm>> -> memref<1x50x64xf32, #tpu.memory_space<hbm>>
    %dma_wait3A_108 = tpu.memref_squeeze %dma_wait3A_107 : memref<1x50x64xf32, #tpu.memory_space<hbm>> -> memref<50x64xf32, #tpu.memory_space<hbm>>
    %dma_wait3A_109 = arith.constant 100 : i32
    %dma_wait3A_110 = arith.constant 0 : i32
    %dma_wait3A_111 = tpu.memref_slice %arg6[%dma_wait3A_109, %dma_wait3A_110] : memref<200x64xf32, #tpu.memory_space<vmem>> -> memref<50x64xf32, #tpu.memory_space<vmem>>
    tpu.wait_dma2 semaphore(%arg22 : memref<!tpu.dma_semaphore, #tpu.memory_space<semaphore_mem>>) src(%dma_wait3A_111 : memref<50x64xf32, #tpu.memory_space<vmem>>) dst(%dma_wait3A_108 : memref<50x64xf32, #tpu.memory_space<hbm>>)
    %add3A_112 = arith.constant 480 : i32
    %add3A_113 = arith.addi %mul3A_2, %add3A_112 : i32
    %add3A_114 = arith.constant 3 : i32
    %add3A_115 = arith.addi %add3A_113, %add3A_114 : i32
    %dma_wait3A_116 = arith.constant 150 : i32
    %dma_wait3A_117 = arith.constant 0 : i32
    %dma_wait3A_118 = tpu.memref_slice %arg6[%dma_wait3A_116, %dma_wait3A_117] : memref<200x64xf32, #tpu.memory_space<vmem>> -> memref<50x64xf32, #tpu.memory_space<vmem>>
    %dma_wait3A_119 = arith.constant 0 : i32
    %dma_wait3A_120 = arith.constant 0 : i32
    %dma_wait3A_121 = tpu.memref_slice %arg4[%add3A_115, %dma_wait3A_119, %dma_wait3A_120] : memref<16384x56x128xf32, #tpu.memory_space<hbm>> -> memref<1x50x64xf32, #tpu.memory_space<hbm>>
    %dma_wait3A_122 = tpu.memref_squeeze %dma_wait3A_121 : memref<1x50x64xf32, #tpu.memory_space<hbm>> -> memref<50x64xf32, #tpu.memory_space<hbm>>
    %dma_wait3A_123 = arith.constant 0 : i32
    %dma_wait3A_124 = arith.constant 0 : i32
    %dma_wait3A_125 = tpu.memref_slice %arg4[%add3A_115, %dma_wait3A_123, %dma_wait3A_124] : memref<16384x56x128xf32, #tpu.memory_space<hbm>> -> memref<1x50x64xf32, #tpu.memory_space<hbm>>
    %dma_wait3A_126 = tpu.memref_squeeze %dma_wait3A_125 : memref<1x50x64xf32, #tpu.memory_space<hbm>> -> memref<50x64xf32, #tpu.memory_space<hbm>>
    %dma_wait3A_127 = arith.constant 150 : i32
    %dma_wait3A_128 = arith.constant 0 : i32
    %dma_wait3A_129 = tpu.memref_slice %arg6[%dma_wait3A_127, %dma_wait3A_128] : memref<200x64xf32, #tpu.memory_space<vmem>> -> memref<50x64xf32, #tpu.memory_space<vmem>>
    tpu.wait_dma2 semaphore(%arg22 : memref<!tpu.dma_semaphore, #tpu.memory_space<semaphore_mem>>) src(%dma_wait3A_129 : memref<50x64xf32, #tpu.memory_space<vmem>>) dst(%dma_wait3A_126 : memref<50x64xf32, #tpu.memory_space<hbm>>)
    %add3A_130 = arith.constant 484 : i32
    %add3A_131 = arith.addi %mul3A_2, %add3A_130 : i32
    %add3A_132 = arith.constant 0 : i32
    %add3A_133 = arith.addi %add3A_131, %add3A_132 : i32
    %dma_wait3A_134 = arith.constant 0 : i32
    %dma_wait3A_135 = arith.constant 0 : i32
    %dma_wait3A_136 = tpu.memref_slice %arg7[%dma_wait3A_134, %dma_wait3A_135] : memref<200x64xf32, #tpu.memory_space<vmem>> -> memref<50x64xf32, #tpu.memory_space<vmem>>
    %dma_wait3A_137 = arith.constant 0 : i32
    %dma_wait3A_138 = arith.constant 0 : i32
    %dma_wait3A_139 = tpu.memref_slice %arg4[%add3A_133, %dma_wait3A_137, %dma_wait3A_138] : memref<16384x56x128xf32, #tpu.memory_space<hbm>> -> memref<1x50x64xf32, #tpu.memory_space<hbm>>
    %dma_wait3A_140 = tpu.memref_squeeze %dma_wait3A_139 : memref<1x50x64xf32, #tpu.memory_space<hbm>> -> memref<50x64xf32, #tpu.memory_space<hbm>>
    %dma_wait3A_141 = arith.constant 0 : i32
    %dma_wait3A_142 = arith.constant 0 : i32
    %dma_wait3A_143 = tpu.memref_slice %arg4[%add3A_133, %dma_wait3A_141, %dma_wait3A_142] : memref<16384x56x128xf32, #tpu.memory_space<hbm>> -> memref<1x50x64xf32, #tpu.memory_space<hbm>>
    %dma_wait3A_144 = tpu.memref_squeeze %dma_wait3A_143 : memref<1x50x64xf32, #tpu.memory_space<hbm>> -> memref<50x64xf32, #tpu.memory_space<hbm>>
    %dma_wait3A_145 = arith.constant 0 : i32
    %dma_wait3A_146 = arith.constant 0 : i32
    %dma_wait3A_147 = tpu.memref_slice %arg7[%dma_wait3A_145, %dma_wait3A_146] : memref<200x64xf32, #tpu.memory_space<vmem>> -> memref<50x64xf32, #tpu.memory_space<vmem>>
    tpu.wait_dma2 semaphore(%arg23 : memref<!tpu.dma_semaphore, #tpu.memory_space<semaphore_mem>>) src(%dma_wait3A_147 : memref<50x64xf32, #tpu.memory_space<vmem>>) dst(%dma_wait3A_144 : memref<50x64xf32, #tpu.memory_space<hbm>>)
    %add3A_148 = arith.constant 484 : i32
    %add3A_149 = arith.addi %mul3A_2, %add3A_148 : i32
    %add3A_150 = arith.constant 1 : i32
    %add3A_151 = arith.addi %add3A_149, %add3A_150 : i32
    %dma_wait3A_152 = arith.constant 50 : i32
    %dma_wait3A_153 = arith.constant 0 : i32
    %dma_wait3A_154 = tpu.memref_slice %arg7[%dma_wait3A_152, %dma_wait3A_153] : memref<200x64xf32, #tpu.memory_space<vmem>> -> memref<50x64xf32, #tpu.memory_space<vmem>>
    %dma_wait3A_155 = arith.constant 0 : i32
    %dma_wait3A_156 = arith.constant 0 : i32
    %dma_wait3A_157 = tpu.memref_slice %arg4[%add3A_151, %dma_wait3A_155, %dma_wait3A_156] : memref<16384x56x128xf32, #tpu.memory_space<hbm>> -> memref<1x50x64xf32, #tpu.memory_space<hbm>>
    %dma_wait3A_158 = tpu.memref_squeeze %dma_wait3A_157 : memref<1x50x64xf32, #tpu.memory_space<hbm>> -> memref<50x64xf32, #tpu.memory_space<hbm>>
    %dma_wait3A_159 = arith.constant 0 : i32
    %dma_wait3A_160 = arith.constant 0 : i32
    %dma_wait3A_161 = tpu.memref_slice %arg4[%add3A_151, %dma_wait3A_159, %dma_wait3A_160] : memref<16384x56x128xf32, #tpu.memory_space<hbm>> -> memref<1x50x64xf32, #tpu.memory_space<hbm>>
    %dma_wait3A_162 = tpu.memref_squeeze %dma_wait3A_161 : memref<1x50x64xf32, #tpu.memory_space<hbm>> -> memref<50x64xf32, #tpu.memory_space<hbm>>
    %dma_wait3A_163 = arith.constant 50 : i32
    %dma_wait3A_164 = arith.constant 0 : i32
    %dma_wait3A_165 = tpu.memref_slice %arg7[%dma_wait3A_163, %dma_wait3A_164] : memref<200x64xf32, #tpu.memory_space<vmem>> -> memref<50x64xf32, #tpu.memory_space<vmem>>
    tpu.wait_dma2 semaphore(%arg23 : memref<!tpu.dma_semaphore, #tpu.memory_space<semaphore_mem>>) src(%dma_wait3A_165 : memref<50x64xf32, #tpu.memory_space<vmem>>) dst(%dma_wait3A_162 : memref<50x64xf32, #tpu.memory_space<hbm>>)
    %add3A_166 = arith.constant 484 : i32
    %add3A_167 = arith.addi %mul3A_2, %add3A_166 : i32
    %add3A_168 = arith.constant 2 : i32
    %add3A_169 = arith.addi %add3A_167, %add3A_168 : i32
    %dma_wait3A_170 = arith.constant 100 : i32
    %dma_wait3A_171 = arith.constant 0 : i32
    %dma_wait3A_172 = tpu.memref_slice %arg7[%dma_wait3A_170, %dma_wait3A_171] : memref<200x64xf32, #tpu.memory_space<vmem>> -> memref<50x64xf32, #tpu.memory_space<vmem>>
    %dma_wait3A_173 = arith.constant 0 : i32
    %dma_wait3A_174 = arith.constant 0 : i32
    %dma_wait3A_175 = tpu.memref_slice %arg4[%add3A_169, %dma_wait3A_173, %dma_wait3A_174] : memref<16384x56x128xf32, #tpu.memory_space<hbm>> -> memref<1x50x64xf32, #tpu.memory_space<hbm>>
    %dma_wait3A_176 = tpu.memref_squeeze %dma_wait3A_175 : memref<1x50x64xf32, #tpu.memory_space<hbm>> -> memref<50x64xf32, #tpu.memory_space<hbm>>
    %dma_wait3A_177 = arith.constant 0 : i32
    %dma_wait3A_178 = arith.constant 0 : i32
    %dma_wait3A_179 = tpu.memref_slice %arg4[%add3A_169, %dma_wait3A_177, %dma_wait3A_178] : memref<16384x56x128xf32, #tpu.memory_space<hbm>> -> memref<1x50x64xf32, #tpu.memory_space<hbm>>
    %dma_wait3A_180 = tpu.memref_squeeze %dma_wait3A_179 : memref<1x50x64xf32, #tpu.memory_space<hbm>> -> memref<50x64xf32, #tpu.memory_space<hbm>>
    %dma_wait3A_181 = arith.constant 100 : i32
    %dma_wait3A_182 = arith.constant 0 : i32
    %dma_wait3A_183 = tpu.memref_slice %arg7[%dma_wait3A_181, %dma_wait3A_182] : memref<200x64xf32, #tpu.memory_space<vmem>> -> memref<50x64xf32, #tpu.memory_space<vmem>>
    tpu.wait_dma2 semaphore(%arg23 : memref<!tpu.dma_semaphore, #tpu.memory_space<semaphore_mem>>) src(%dma_wait3A_183 : memref<50x64xf32, #tpu.memory_space<vmem>>) dst(%dma_wait3A_180 : memref<50x64xf32, #tpu.memory_space<hbm>>)
    %add3A_184 = arith.constant 484 : i32
    %add3A_185 = arith.addi %mul3A_2, %add3A_184 : i32
    %add3A_186 = arith.constant 3 : i32
    %add3A_187 = arith.addi %add3A_185, %add3A_186 : i32
    %dma_wait3A_188 = arith.constant 150 : i32
    %dma_wait3A_189 = arith.constant 0 : i32
    %dma_wait3A_190 = tpu.memref_slice %arg7[%dma_wait3A_188, %dma_wait3A_189] : memref<200x64xf32, #tpu.memory_space<vmem>> -> memref<50x64xf32, #tpu.memory_space<vmem>>
    %dma_wait3A_191 = arith.constant 0 : i32
    %dma_wait3A_192 = arith.constant 0 : i32
    %dma_wait3A_193 = tpu.memref_slice %arg4[%add3A_187, %dma_wait3A_191, %dma_wait3A_192] : memref<16384x56x128xf32, #tpu.memory_space<hbm>> -> memref<1x50x64xf32, #tpu.memory_space<hbm>>
    %dma_wait3A_194 = tpu.memref_squeeze %dma_wait3A_193 : memref<1x50x64xf32, #tpu.memory_space<hbm>> -> memref<50x64xf32, #tpu.memory_space<hbm>>
    %dma_wait3A_195 = arith.constant 0 : i32
    %dma_wait3A_196 = arith.constant 0 : i32
    %dma_wait3A_197 = tpu.memref_slice %arg4[%add3A_187, %dma_wait3A_195, %dma_wait3A_196] : memref<16384x56x128xf32, #tpu.memory_space<hbm>> -> memref<1x50x64xf32, #tpu.memory_space<hbm>>
    %dma_wait3A_198 = tpu.memref_squeeze %dma_wait3A_197 : memref<1x50x64xf32, #tpu.memory_space<hbm>> -> memref<50x64xf32, #tpu.memory_space<hbm>>
    %dma_wait3A_199 = arith.constant 150 : i32
    %dma_wait3A_200 = arith.constant 0 : i32
    %dma_wait3A_201 = tpu.memref_slice %arg7[%dma_wait3A_199, %dma_wait3A_200] : memref<200x64xf32, #tpu.memory_space<vmem>> -> memref<50x64xf32, #tpu.memory_space<vmem>>
    tpu.wait_dma2 semaphore(%arg23 : memref<!tpu.dma_semaphore, #tpu.memory_space<semaphore_mem>>) src(%dma_wait3A_201 : memref<50x64xf32, #tpu.memory_space<vmem>>) dst(%dma_wait3A_198 : memref<50x64xf32, #tpu.memory_space<hbm>>)
    %add3A_202 = arith.constant 488 : i32
    %add3A_203 = arith.addi %mul3A_2, %add3A_202 : i32
    %add3A_204 = arith.constant 0 : i32
    %add3A_205 = arith.addi %add3A_203, %add3A_204 : i32
    %dma_wait3A_206 = arith.constant 0 : i32
    %dma_wait3A_207 = arith.constant 0 : i32
    %dma_wait3A_208 = tpu.memref_slice %arg8[%dma_wait3A_206, %dma_wait3A_207] : memref<200x64xf32, #tpu.memory_space<vmem>> -> memref<50x64xf32, #tpu.memory_space<vmem>>
    %dma_wait3A_209 = arith.constant 0 : i32
    %dma_wait3A_210 = arith.constant 0 : i32
    %dma_wait3A_211 = tpu.memref_slice %arg4[%add3A_205, %dma_wait3A_209, %dma_wait3A_210] : memref<16384x56x128xf32, #tpu.memory_space<hbm>> -> memref<1x50x64xf32, #tpu.memory_space<hbm>>
    %dma_wait3A_212 = tpu.memref_squeeze %dma_wait3A_211 : memref<1x50x64xf32, #tpu.memory_space<hbm>> -> memref<50x64xf32, #tpu.memory_space<hbm>>
    %dma_wait3A_213 = arith.constant 0 : i32
    %dma_wait3A_214 = arith.constant 0 : i32
    %dma_wait3A_215 = tpu.memref_slice %arg4[%add3A_205, %dma_wait3A_213, %dma_wait3A_214] : memref<16384x56x128xf32, #tpu.memory_space<hbm>> -> memref<1x50x64xf32, #tpu.memory_space<hbm>>
    %dma_wait3A_216 = tpu.memref_squeeze %dma_wait3A_215 : memref<1x50x64xf32, #tpu.memory_space<hbm>> -> memref<50x64xf32, #tpu.memory_space<hbm>>
    %dma_wait3A_217 = arith.constant 0 : i32
    %dma_wait3A_218 = arith.constant 0 : i32
    %dma_wait3A_219 = tpu.memref_slice %arg8[%dma_wait3A_217, %dma_wait3A_218] : memref<200x64xf32, #tpu.memory_space<vmem>> -> memref<50x64xf32, #tpu.memory_space<vmem>>
    tpu.wait_dma2 semaphore(%arg24 : memref<!tpu.dma_semaphore, #tpu.memory_space<semaphore_mem>>) src(%dma_wait3A_219 : memref<50x64xf32, #tpu.memory_space<vmem>>) dst(%dma_wait3A_216 : memref<50x64xf32, #tpu.memory_space<hbm>>)
    %add3A_220 = arith.constant 488 : i32
    %add3A_221 = arith.addi %mul3A_2, %add3A_220 : i32
    %add3A_222 = arith.constant 1 : i32
    %add3A_223 = arith.addi %add3A_221, %add3A_222 : i32
    %dma_wait3A_224 = arith.constant 50 : i32
    %dma_wait3A_225 = arith.constant 0 : i32
    %dma_wait3A_226 = tpu.memref_slice %arg8[%dma_wait3A_224, %dma_wait3A_225] : memref<200x64xf32, #tpu.memory_space<vmem>> -> memref<50x64xf32, #tpu.memory_space<vmem>>
    %dma_wait3A_227 = arith.constant 0 : i32
    %dma_wait3A_228 = arith.constant 0 : i32
    %dma_wait3A_229 = tpu.memref_slice %arg4[%add3A_223, %dma_wait3A_227, %dma_wait3A_228] : memref<16384x56x128xf32, #tpu.memory_space<hbm>> -> memref<1x50x64xf32, #tpu.memory_space<hbm>>
    %dma_wait3A_230 = tpu.memref_squeeze %dma_wait3A_229 : memref<1x50x64xf32, #tpu.memory_space<hbm>> -> memref<50x64xf32, #tpu.memory_space<hbm>>
    %dma_wait3A_231 = arith.constant 0 : i32
    %dma_wait3A_232 = arith.constant 0 : i32
    %dma_wait3A_233 = tpu.memref_slice %arg4[%add3A_223, %dma_wait3A_231, %dma_wait3A_232] : memref<16384x56x128xf32, #tpu.memory_space<hbm>> -> memref<1x50x64xf32, #tpu.memory_space<hbm>>
    %dma_wait3A_234 = tpu.memref_squeeze %dma_wait3A_233 : memref<1x50x64xf32, #tpu.memory_space<hbm>> -> memref<50x64xf32, #tpu.memory_space<hbm>>
    %dma_wait3A_235 = arith.constant 50 : i32
    %dma_wait3A_236 = arith.constant 0 : i32
    %dma_wait3A_237 = tpu.memref_slice %arg8[%dma_wait3A_235, %dma_wait3A_236] : memref<200x64xf32, #tpu.memory_space<vmem>> -> memref<50x64xf32, #tpu.memory_space<vmem>>
    tpu.wait_dma2 semaphore(%arg24 : memref<!tpu.dma_semaphore, #tpu.memory_space<semaphore_mem>>) src(%dma_wait3A_237 : memref<50x64xf32, #tpu.memory_space<vmem>>) dst(%dma_wait3A_234 : memref<50x64xf32, #tpu.memory_space<hbm>>)
    %add3A_238 = arith.constant 488 : i32
    %add3A_239 = arith.addi %mul3A_2, %add3A_238 : i32
    %add3A_240 = arith.constant 2 : i32
    %add3A_241 = arith.addi %add3A_239, %add3A_240 : i32
    %dma_wait3A_242 = arith.constant 100 : i32
    %dma_wait3A_243 = arith.constant 0 : i32
    %dma_wait3A_244 = tpu.memref_slice %arg8[%dma_wait3A_242, %dma_wait3A_243] : memref<200x64xf32, #tpu.memory_space<vmem>> -> memref<50x64xf32, #tpu.memory_space<vmem>>
    %dma_wait3A_245 = arith.constant 0 : i32
    %dma_wait3A_246 = arith.constant 0 : i32
    %dma_wait3A_247 = tpu.memref_slice %arg4[%add3A_241, %dma_wait3A_245, %dma_wait3A_246] : memref<16384x56x128xf32, #tpu.memory_space<hbm>> -> memref<1x50x64xf32, #tpu.memory_space<hbm>>
    %dma_wait3A_248 = tpu.memref_squeeze %dma_wait3A_247 : memref<1x50x64xf32, #tpu.memory_space<hbm>> -> memref<50x64xf32, #tpu.memory_space<hbm>>
    %dma_wait3A_249 = arith.constant 0 : i32
    %dma_wait3A_250 = arith.constant 0 : i32
    %dma_wait3A_251 = tpu.memref_slice %arg4[%add3A_241, %dma_wait3A_249, %dma_wait3A_250] : memref<16384x56x128xf32, #tpu.memory_space<hbm>> -> memref<1x50x64xf32, #tpu.memory_space<hbm>>
    %dma_wait3A_252 = tpu.memref_squeeze %dma_wait3A_251 : memref<1x50x64xf32, #tpu.memory_space<hbm>> -> memref<50x64xf32, #tpu.memory_space<hbm>>
    %dma_wait3A_253 = arith.constant 100 : i32
    %dma_wait3A_254 = arith.constant 0 : i32
    %dma_wait3A_255 = tpu.memref_slice %arg8[%dma_wait3A_253, %dma_wait3A_254] : memref<200x64xf32, #tpu.memory_space<vmem>> -> memref<50x64xf32, #tpu.memory_space<vmem>>
    tpu.wait_dma2 semaphore(%arg24 : memref<!tpu.dma_semaphore, #tpu.memory_space<semaphore_mem>>) src(%dma_wait3A_255 : memref<50x64xf32, #tpu.memory_space<vmem>>) dst(%dma_wait3A_252 : memref<50x64xf32, #tpu.memory_space<hbm>>)
    %add3A_256 = arith.constant 488 : i32
    %add3A_257 = arith.addi %mul3A_2, %add3A_256 : i32
    %add3A_258 = arith.constant 3 : i32
    %add3A_259 = arith.addi %add3A_257, %add3A_258 : i32
    %dma_wait3A_260 = arith.constant 150 : i32
    %dma_wait3A_261 = arith.constant 0 : i32
    %dma_wait3A_262 = tpu.memref_slice %arg8[%dma_wait3A_260, %dma_wait3A_261] : memref<200x64xf32, #tpu.memory_space<vmem>> -> memref<50x64xf32, #tpu.memory_space<vmem>>
    %dma_wait3A_263 = arith.constant 0 : i32
    %dma_wait3A_264 = arith.constant 0 : i32
    %dma_wait3A_265 = tpu.memref_slice %arg4[%add3A_259, %dma_wait3A_263, %dma_wait3A_264] : memref<16384x56x128xf32, #tpu.memory_space<hbm>> -> memref<1x50x64xf32, #tpu.memory_space<hbm>>
    %dma_wait3A_266 = tpu.memref_squeeze %dma_wait3A_265 : memref<1x50x64xf32, #tpu.memory_space<hbm>> -> memref<50x64xf32, #tpu.memory_space<hbm>>
    %dma_wait3A_267 = arith.constant 0 : i32
    %dma_wait3A_268 = arith.constant 0 : i32
    %dma_wait3A_269 = tpu.memref_slice %arg4[%add3A_259, %dma_wait3A_267, %dma_wait3A_268] : memref<16384x56x128xf32, #tpu.memory_space<hbm>> -> memref<1x50x64xf32, #tpu.memory_space<hbm>>
    %dma_wait3A_270 = tpu.memref_squeeze %dma_wait3A_269 : memref<1x50x64xf32, #tpu.memory_space<hbm>> -> memref<50x64xf32, #tpu.memory_space<hbm>>
    %dma_wait3A_271 = arith.constant 150 : i32
    %dma_wait3A_272 = arith.constant 0 : i32
    %dma_wait3A_273 = tpu.memref_slice %arg8[%dma_wait3A_271, %dma_wait3A_272] : memref<200x64xf32, #tpu.memory_space<vmem>> -> memref<50x64xf32, #tpu.memory_space<vmem>>
    tpu.wait_dma2 semaphore(%arg24 : memref<!tpu.dma_semaphore, #tpu.memory_space<semaphore_mem>>) src(%dma_wait3A_273 : memref<50x64xf32, #tpu.memory_space<vmem>>) dst(%dma_wait3A_270 : memref<50x64xf32, #tpu.memory_space<hbm>>)
    %add3A_274 = arith.constant 492 : i32
    %add3A_275 = arith.addi %mul3A_2, %add3A_274 : i32
    %add3A_276 = arith.constant 0 : i32
    %add3A_277 = arith.addi %add3A_275, %add3A_276 : i32
    %dma_wait3A_278 = arith.constant 0 : i32
    %dma_wait3A_279 = arith.constant 0 : i32
    %dma_wait3A_280 = tpu.memref_slice %arg9[%dma_wait3A_278, %dma_wait3A_279] : memref<200x64xf32, #tpu.memory_space<vmem>> -> memref<50x64xf32, #tpu.memory_space<vmem>>
    %dma_wait3A_281 = arith.constant 0 : i32
    %dma_wait3A_282 = arith.constant 0 : i32
    %dma_wait3A_283 = tpu.memref_slice %arg4[%add3A_277, %dma_wait3A_281, %dma_wait3A_282] : memref<16384x56x128xf32, #tpu.memory_space<hbm>> -> memref<1x50x64xf32, #tpu.memory_space<hbm>>
    %dma_wait3A_284 = tpu.memref_squeeze %dma_wait3A_283 : memref<1x50x64xf32, #tpu.memory_space<hbm>> -> memref<50x64xf32, #tpu.memory_space<hbm>>
    %dma_wait3A_285 = arith.constant 0 : i32
    %dma_wait3A_286 = arith.constant 0 : i32
    %dma_wait3A_287 = tpu.memref_slice %arg4[%add3A_277, %dma_wait3A_285, %dma_wait3A_286] : memref<16384x56x128xf32, #tpu.memory_space<hbm>> -> memref<1x50x64xf32, #tpu.memory_space<hbm>>
    %dma_wait3A_288 = tpu.memref_squeeze %dma_wait3A_287 : memref<1x50x64xf32, #tpu.memory_space<hbm>> -> memref<50x64xf32, #tpu.memory_space<hbm>>
    %dma_wait3A_289 = arith.constant 0 : i32
    %dma_wait3A_290 = arith.constant 0 : i32
    %dma_wait3A_291 = tpu.memref_slice %arg9[%dma_wait3A_289, %dma_wait3A_290] : memref<200x64xf32, #tpu.memory_space<vmem>> -> memref<50x64xf32, #tpu.memory_space<vmem>>
    tpu.wait_dma2 semaphore(%arg25 : memref<!tpu.dma_semaphore, #tpu.memory_space<semaphore_mem>>) src(%dma_wait3A_291 : memref<50x64xf32, #tpu.memory_space<vmem>>) dst(%dma_wait3A_288 : memref<50x64xf32, #tpu.memory_space<hbm>>)
    %add3A_292 = arith.constant 492 : i32
    %add3A_293 = arith.addi %mul3A_2, %add3A_292 : i32
    %add3A_294 = arith.constant 1 : i32
    %add3A_295 = arith.addi %add3A_293, %add3A_294 : i32
    %dma_wait3A_296 = arith.constant 50 : i32
    %dma_wait3A_297 = arith.constant 0 : i32
    %dma_wait3A_298 = tpu.memref_slice %arg9[%dma_wait3A_296, %dma_wait3A_297] : memref<200x64xf32, #tpu.memory_space<vmem>> -> memref<50x64xf32, #tpu.memory_space<vmem>>
    %dma_wait3A_299 = arith.constant 0 : i32
    %dma_wait3A_300 = arith.constant 0 : i32
    %dma_wait3A_301 = tpu.memref_slice %arg4[%add3A_295, %dma_wait3A_299, %dma_wait3A_300] : memref<16384x56x128xf32, #tpu.memory_space<hbm>> -> memref<1x50x64xf32, #tpu.memory_space<hbm>>
    %dma_wait3A_302 = tpu.memref_squeeze %dma_wait3A_301 : memref<1x50x64xf32, #tpu.memory_space<hbm>> -> memref<50x64xf32, #tpu.memory_space<hbm>>
    %dma_wait3A_303 = arith.constant 0 : i32
    %dma_wait3A_304 = arith.constant 0 : i32
    %dma_wait3A_305 = tpu.memref_slice %arg4[%add3A_295, %dma_wait3A_303, %dma_wait3A_304] : memref<16384x56x128xf32, #tpu.memory_space<hbm>> -> memref<1x50x64xf32, #tpu.memory_space<hbm>>
    %dma_wait3A_306 = tpu.memref_squeeze %dma_wait3A_305 : memref<1x50x64xf32, #tpu.memory_space<hbm>> -> memref<50x64xf32, #tpu.memory_space<hbm>>
    %dma_wait3A_307 = arith.constant 50 : i32
    %dma_wait3A_308 = arith.constant 0 : i32
    %dma_wait3A_309 = tpu.memref_slice %arg9[%dma_wait3A_307, %dma_wait3A_308] : memref<200x64xf32, #tpu.memory_space<vmem>> -> memref<50x64xf32, #tpu.memory_space<vmem>>
    tpu.wait_dma2 semaphore(%arg25 : memref<!tpu.dma_semaphore, #tpu.memory_space<semaphore_mem>>) src(%dma_wait3A_309 : memref<50x64xf32, #tpu.memory_space<vmem>>) dst(%dma_wait3A_306 : memref<50x64xf32, #tpu.memory_space<hbm>>)
    %add3A_310 = arith.constant 492 : i32
    %add3A_311 = arith.addi %mul3A_2, %add3A_310 : i32
    %add3A_312 = arith.constant 2 : i32
    %add3A_313 = arith.addi %add3A_311, %add3A_312 : i32
    %dma_wait3A_314 = arith.constant 100 : i32
    %dma_wait3A_315 = arith.constant 0 : i32
    %dma_wait3A_316 = tpu.memref_slice %arg9[%dma_wait3A_314, %dma_wait3A_315] : memref<200x64xf32, #tpu.memory_space<vmem>> -> memref<50x64xf32, #tpu.memory_space<vmem>>
    %dma_wait3A_317 = arith.constant 0 : i32
    %dma_wait3A_318 = arith.constant 0 : i32
    %dma_wait3A_319 = tpu.memref_slice %arg4[%add3A_313, %dma_wait3A_317, %dma_wait3A_318] : memref<16384x56x128xf32, #tpu.memory_space<hbm>> -> memref<1x50x64xf32, #tpu.memory_space<hbm>>
    %dma_wait3A_320 = tpu.memref_squeeze %dma_wait3A_319 : memref<1x50x64xf32, #tpu.memory_space<hbm>> -> memref<50x64xf32, #tpu.memory_space<hbm>>
    %dma_wait3A_321 = arith.constant 0 : i32
    %dma_wait3A_322 = arith.constant 0 : i32
    %dma_wait3A_323 = tpu.memref_slice %arg4[%add3A_313, %dma_wait3A_321, %dma_wait3A_322] : memref<16384x56x128xf32, #tpu.memory_space<hbm>> -> memref<1x50x64xf32, #tpu.memory_space<hbm>>
    %dma_wait3A_324 = tpu.memref_squeeze %dma_wait3A_323 : memref<1x50x64xf32, #tpu.memory_space<hbm>> -> memref<50x64xf32, #tpu.memory_space<hbm>>
    %dma_wait3A_325 = arith.constant 100 : i32
    %dma_wait3A_326 = arith.constant 0 : i32
    %dma_wait3A_327 = tpu.memref_slice %arg9[%dma_wait3A_325, %dma_wait3A_326] : memref<200x64xf32, #tpu.memory_space<vmem>> -> memref<50x64xf32, #tpu.memory_space<vmem>>
    tpu.wait_dma2 semaphore(%arg25 : memref<!tpu.dma_semaphore, #tpu.memory_space<semaphore_mem>>) src(%dma_wait3A_327 : memref<50x64xf32, #tpu.memory_space<vmem>>) dst(%dma_wait3A_324 : memref<50x64xf32, #tpu.memory_space<hbm>>)
    %add3A_328 = arith.constant 492 : i32
    %add3A_329 = arith.addi %mul3A_2, %add3A_328 : i32
    %add3A_330 = arith.constant 3 : i32
    %add3A_331 = arith.addi %add3A_329, %add3A_330 : i32
    %dma_wait3A_332 = arith.constant 150 : i32
    %dma_wait3A_333 = arith.constant 0 : i32
    %dma_wait3A_334 = tpu.memref_slice %arg9[%dma_wait3A_332, %dma_wait3A_333] : memref<200x64xf32, #tpu.memory_space<vmem>> -> memref<50x64xf32, #tpu.memory_space<vmem>>
    %dma_wait3A_335 = arith.constant 0 : i32
    %dma_wait3A_336 = arith.constant 0 : i32
    %dma_wait3A_337 = tpu.memref_slice %arg4[%add3A_331, %dma_wait3A_335, %dma_wait3A_336] : memref<16384x56x128xf32, #tpu.memory_space<hbm>> -> memref<1x50x64xf32, #tpu.memory_space<hbm>>
    %dma_wait3A_338 = tpu.memref_squeeze %dma_wait3A_337 : memref<1x50x64xf32, #tpu.memory_space<hbm>> -> memref<50x64xf32, #tpu.memory_space<hbm>>
    %dma_wait3A_339 = arith.constant 0 : i32
    %dma_wait3A_340 = arith.constant 0 : i32
    %dma_wait3A_341 = tpu.memref_slice %arg4[%add3A_331, %dma_wait3A_339, %dma_wait3A_340] : memref<16384x56x128xf32, #tpu.memory_space<hbm>> -> memref<1x50x64xf32, #tpu.memory_space<hbm>>
    %dma_wait3A_342 = tpu.memref_squeeze %dma_wait3A_341 : memref<1x50x64xf32, #tpu.memory_space<hbm>> -> memref<50x64xf32, #tpu.memory_space<hbm>>
    %dma_wait3A_343 = arith.constant 150 : i32
    %dma_wait3A_344 = arith.constant 0 : i32
    %dma_wait3A_345 = tpu.memref_slice %arg9[%dma_wait3A_343, %dma_wait3A_344] : memref<200x64xf32, #tpu.memory_space<vmem>> -> memref<50x64xf32, #tpu.memory_space<vmem>>
    tpu.wait_dma2 semaphore(%arg25 : memref<!tpu.dma_semaphore, #tpu.memory_space<semaphore_mem>>) src(%dma_wait3A_345 : memref<50x64xf32, #tpu.memory_space<vmem>>) dst(%dma_wait3A_342 : memref<50x64xf32, #tpu.memory_space<hbm>>)
    %add3A_346 = arith.constant 496 : i32
    %add3A_347 = arith.addi %mul3A_2, %add3A_346 : i32
    %add3A_348 = arith.constant 0 : i32
    %add3A_349 = arith.addi %add3A_347, %add3A_348 : i32
    %dma_wait3A_350 = arith.constant 0 : i32
    %dma_wait3A_351 = arith.constant 0 : i32
    %dma_wait3A_352 = tpu.memref_slice %arg10[%dma_wait3A_350, %dma_wait3A_351] : memref<200x64xf32, #tpu.memory_space<vmem>> -> memref<50x64xf32, #tpu.memory_space<vmem>>
    %dma_wait3A_353 = arith.constant 0 : i32
    %dma_wait3A_354 = arith.constant 0 : i32
    %dma_wait3A_355 = tpu.memref_slice %arg4[%add3A_349, %dma_wait3A_353, %dma_wait3A_354] : memref<16384x56x128xf32, #tpu.memory_space<hbm>> -> memref<1x50x64xf32, #tpu.memory_space<hbm>>
    %dma_wait3A_356 = tpu.memref_squeeze %dma_wait3A_355 : memref<1x50x64xf32, #tpu.memory_space<hbm>> -> memref<50x64xf32, #tpu.memory_space<hbm>>
    %dma_wait3A_357 = arith.constant 0 : i32
    %dma_wait3A_358 = arith.constant 0 : i32
    %dma_wait3A_359 = tpu.memref_slice %arg4[%add3A_349, %dma_wait3A_357, %dma_wait3A_358] : memref<16384x56x128xf32, #tpu.memory_space<hbm>> -> memref<1x50x64xf32, #tpu.memory_space<hbm>>
    %dma_wait3A_360 = tpu.memref_squeeze %dma_wait3A_359 : memref<1x50x64xf32, #tpu.memory_space<hbm>> -> memref<50x64xf32, #tpu.memory_space<hbm>>
    %dma_wait3A_361 = arith.constant 0 : i32
    %dma_wait3A_362 = arith.constant 0 : i32
    %dma_wait3A_363 = tpu.memref_slice %arg10[%dma_wait3A_361, %dma_wait3A_362] : memref<200x64xf32, #tpu.memory_space<vmem>> -> memref<50x64xf32, #tpu.memory_space<vmem>>
    tpu.wait_dma2 semaphore(%arg26 : memref<!tpu.dma_semaphore, #tpu.memory_space<semaphore_mem>>) src(%dma_wait3A_363 : memref<50x64xf32, #tpu.memory_space<vmem>>) dst(%dma_wait3A_360 : memref<50x64xf32, #tpu.memory_space<hbm>>)
    %add3A_364 = arith.constant 496 : i32
    %add3A_365 = arith.addi %mul3A_2, %add3A_364 : i32
    %add3A_366 = arith.constant 1 : i32
    %add3A_367 = arith.addi %add3A_365, %add3A_366 : i32
    %dma_wait3A_368 = arith.constant 50 : i32
    %dma_wait3A_369 = arith.constant 0 : i32
    %dma_wait3A_370 = tpu.memref_slice %arg10[%dma_wait3A_368, %dma_wait3A_369] : memref<200x64xf32, #tpu.memory_space<vmem>> -> memref<50x64xf32, #tpu.memory_space<vmem>>
    %dma_wait3A_371 = arith.constant 0 : i32
    %dma_wait3A_372 = arith.constant 0 : i32
    %dma_wait3A_373 = tpu.memref_slice %arg4[%add3A_367, %dma_wait3A_371, %dma_wait3A_372] : memref<16384x56x128xf32, #tpu.memory_space<hbm>> -> memref<1x50x64xf32, #tpu.memory_space<hbm>>
    %dma_wait3A_374 = tpu.memref_squeeze %dma_wait3A_373 : memref<1x50x64xf32, #tpu.memory_space<hbm>> -> memref<50x64xf32, #tpu.memory_space<hbm>>
    %dma_wait3A_375 = arith.constant 0 : i32
    %dma_wait3A_376 = arith.constant 0 : i32
    %dma_wait3A_377 = tpu.memref_slice %arg4[%add3A_367, %dma_wait3A_375, %dma_wait3A_376] : memref<16384x56x128xf32, #tpu.memory_space<hbm>> -> memref<1x50x64xf32, #tpu.memory_space<hbm>>
    %dma_wait3A_378 = tpu.memref_squeeze %dma_wait3A_377 : memref<1x50x64xf32, #tpu.memory_space<hbm>> -> memref<50x64xf32, #tpu.memory_space<hbm>>
    %dma_wait3A_379 = arith.constant 50 : i32
    %dma_wait3A_380 = arith.constant 0 : i32
    %dma_wait3A_381 = tpu.memref_slice %arg10[%dma_wait3A_379, %dma_wait3A_380] : memref<200x64xf32, #tpu.memory_space<vmem>> -> memref<50x64xf32, #tpu.memory_space<vmem>>
    tpu.wait_dma2 semaphore(%arg26 : memref<!tpu.dma_semaphore, #tpu.memory_space<semaphore_mem>>) src(%dma_wait3A_381 : memref<50x64xf32, #tpu.memory_space<vmem>>) dst(%dma_wait3A_378 : memref<50x64xf32, #tpu.memory_space<hbm>>)
    %add3A_382 = arith.constant 496 : i32
    %add3A_383 = arith.addi %mul3A_2, %add3A_382 : i32
    %add3A_384 = arith.constant 2 : i32
    %add3A_385 = arith.addi %add3A_383, %add3A_384 : i32
    %dma_wait3A_386 = arith.constant 100 : i32
    %dma_wait3A_387 = arith.constant 0 : i32
    %dma_wait3A_388 = tpu.memref_slice %arg10[%dma_wait3A_386, %dma_wait3A_387] : memref<200x64xf32, #tpu.memory_space<vmem>> -> memref<50x64xf32, #tpu.memory_space<vmem>>
    %dma_wait3A_389 = arith.constant 0 : i32
    %dma_wait3A_390 = arith.constant 0 : i32
    %dma_wait3A_391 = tpu.memref_slice %arg4[%add3A_385, %dma_wait3A_389, %dma_wait3A_390] : memref<16384x56x128xf32, #tpu.memory_space<hbm>> -> memref<1x50x64xf32, #tpu.memory_space<hbm>>
    %dma_wait3A_392 = tpu.memref_squeeze %dma_wait3A_391 : memref<1x50x64xf32, #tpu.memory_space<hbm>> -> memref<50x64xf32, #tpu.memory_space<hbm>>
    %dma_wait3A_393 = arith.constant 0 : i32
    %dma_wait3A_394 = arith.constant 0 : i32
    %dma_wait3A_395 = tpu.memref_slice %arg4[%add3A_385, %dma_wait3A_393, %dma_wait3A_394] : memref<16384x56x128xf32, #tpu.memory_space<hbm>> -> memref<1x50x64xf32, #tpu.memory_space<hbm>>
    %dma_wait3A_396 = tpu.memref_squeeze %dma_wait3A_395 : memref<1x50x64xf32, #tpu.memory_space<hbm>> -> memref<50x64xf32, #tpu.memory_space<hbm>>
    %dma_wait3A_397 = arith.constant 100 : i32
    %dma_wait3A_398 = arith.constant 0 : i32
    %dma_wait3A_399 = tpu.memref_slice %arg10[%dma_wait3A_397, %dma_wait3A_398] : memref<200x64xf32, #tpu.memory_space<vmem>> -> memref<50x64xf32, #tpu.memory_space<vmem>>
    tpu.wait_dma2 semaphore(%arg26 : memref<!tpu.dma_semaphore, #tpu.memory_space<semaphore_mem>>) src(%dma_wait3A_399 : memref<50x64xf32, #tpu.memory_space<vmem>>) dst(%dma_wait3A_396 : memref<50x64xf32, #tpu.memory_space<hbm>>)
    %add3A_400 = arith.constant 496 : i32
    %add3A_401 = arith.addi %mul3A_2, %add3A_400 : i32
    %add3A_402 = arith.constant 3 : i32
    %add3A_403 = arith.addi %add3A_401, %add3A_402 : i32
    %dma_wait3A_404 = arith.constant 150 : i32
    %dma_wait3A_405 = arith.constant 0 : i32
    %dma_wait3A_406 = tpu.memref_slice %arg10[%dma_wait3A_404, %dma_wait3A_405] : memref<200x64xf32, #tpu.memory_space<vmem>> -> memref<50x64xf32, #tpu.memory_space<vmem>>
    %dma_wait3A_407 = arith.constant 0 : i32
    %dma_wait3A_408 = arith.constant 0 : i32
    %dma_wait3A_409 = tpu.memref_slice %arg4[%add3A_403, %dma_wait3A_407, %dma_wait3A_408] : memref<16384x56x128xf32, #tpu.memory_space<hbm>> -> memref<1x50x64xf32, #tpu.memory_space<hbm>>
    %dma_wait3A_410 = tpu.memref_squeeze %dma_wait3A_409 : memref<1x50x64xf32, #tpu.memory_space<hbm>> -> memref<50x64xf32, #tpu.memory_space<hbm>>
    %dma_wait3A_411 = arith.constant 0 : i32
    %dma_wait3A_412 = arith.constant 0 : i32
    %dma_wait3A_413 = tpu.memref_slice %arg4[%add3A_403, %dma_wait3A_411, %dma_wait3A_412] : memref<16384x56x128xf32, #tpu.memory_space<hbm>> -> memref<1x50x64xf32, #tpu.memory_space<hbm>>
    %dma_wait3A_414 = tpu.memref_squeeze %dma_wait3A_413 : memref<1x50x64xf32, #tpu.memory_space<hbm>> -> memref<50x64xf32, #tpu.memory_space<hbm>>
    %dma_wait3A_415 = arith.constant 150 : i32
    %dma_wait3A_416 = arith.constant 0 : i32
    %dma_wait3A_417 = tpu.memref_slice %arg10[%dma_wait3A_415, %dma_wait3A_416] : memref<200x64xf32, #tpu.memory_space<vmem>> -> memref<50x64xf32, #tpu.memory_space<vmem>>
    tpu.wait_dma2 semaphore(%arg26 : memref<!tpu.dma_semaphore, #tpu.memory_space<semaphore_mem>>) src(%dma_wait3A_417 : memref<50x64xf32, #tpu.memory_space<vmem>>) dst(%dma_wait3A_414 : memref<50x64xf32, #tpu.memory_space<hbm>>)
    %add3A_418 = arith.constant 500 : i32
    %add3A_419 = arith.addi %mul3A_2, %add3A_418 : i32
    %add3A_420 = arith.constant 0 : i32
    %add3A_421 = arith.addi %add3A_419, %add3A_420 : i32
    %dma_wait3A_422 = arith.constant 0 : i32
    %dma_wait3A_423 = arith.constant 0 : i32
    %dma_wait3A_424 = tpu.memref_slice %arg11[%dma_wait3A_422, %dma_wait3A_423] : memref<200x64xf32, #tpu.memory_space<vmem>> -> memref<50x64xf32, #tpu.memory_space<vmem>>
    %dma_wait3A_425 = arith.constant 0 : i32
    %dma_wait3A_426 = arith.constant 0 : i32
    %dma_wait3A_427 = tpu.memref_slice %arg4[%add3A_421, %dma_wait3A_425, %dma_wait3A_426] : memref<16384x56x128xf32, #tpu.memory_space<hbm>> -> memref<1x50x64xf32, #tpu.memory_space<hbm>>
    %dma_wait3A_428 = tpu.memref_squeeze %dma_wait3A_427 : memref<1x50x64xf32, #tpu.memory_space<hbm>> -> memref<50x64xf32, #tpu.memory_space<hbm>>
    %dma_wait3A_429 = arith.constant 0 : i32
    %dma_wait3A_430 = arith.constant 0 : i32
    %dma_wait3A_431 = tpu.memref_slice %arg4[%add3A_421, %dma_wait3A_429, %dma_wait3A_430] : memref<16384x56x128xf32, #tpu.memory_space<hbm>> -> memref<1x50x64xf32, #tpu.memory_space<hbm>>
    %dma_wait3A_432 = tpu.memref_squeeze %dma_wait3A_431 : memref<1x50x64xf32, #tpu.memory_space<hbm>> -> memref<50x64xf32, #tpu.memory_space<hbm>>
    %dma_wait3A_433 = arith.constant 0 : i32
    %dma_wait3A_434 = arith.constant 0 : i32
    %dma_wait3A_435 = tpu.memref_slice %arg11[%dma_wait3A_433, %dma_wait3A_434] : memref<200x64xf32, #tpu.memory_space<vmem>> -> memref<50x64xf32, #tpu.memory_space<vmem>>
    tpu.wait_dma2 semaphore(%arg27 : memref<!tpu.dma_semaphore, #tpu.memory_space<semaphore_mem>>) src(%dma_wait3A_435 : memref<50x64xf32, #tpu.memory_space<vmem>>) dst(%dma_wait3A_432 : memref<50x64xf32, #tpu.memory_space<hbm>>)
    %add3A_436 = arith.constant 500 : i32
    %add3A_437 = arith.addi %mul3A_2, %add3A_436 : i32
    %add3A_438 = arith.constant 1 : i32
    %add3A_439 = arith.addi %add3A_437, %add3A_438 : i32
    %dma_wait3A_440 = arith.constant 50 : i32
    %dma_wait3A_441 = arith.constant 0 : i32
    %dma_wait3A_442 = tpu.memref_slice %arg11[%dma_wait3A_440, %dma_wait3A_441] : memref<200x64xf32, #tpu.memory_space<vmem>> -> memref<50x64xf32, #tpu.memory_space<vmem>>
    %dma_wait3A_443 = arith.constant 0 : i32
    %dma_wait3A_444 = arith.constant 0 : i32
    %dma_wait3A_445 = tpu.memref_slice %arg4[%add3A_439, %dma_wait3A_443, %dma_wait3A_444] : memref<16384x56x128xf32, #tpu.memory_space<hbm>> -> memref<1x50x64xf32, #tpu.memory_space<hbm>>
    %dma_wait3A_446 = tpu.memref_squeeze %dma_wait3A_445 : memref<1x50x64xf32, #tpu.memory_space<hbm>> -> memref<50x64xf32, #tpu.memory_space<hbm>>
    %dma_wait3A_447 = arith.constant 0 : i32
    %dma_wait3A_448 = arith.constant 0 : i32
    %dma_wait3A_449 = tpu.memref_slice %arg4[%add3A_439, %dma_wait3A_447, %dma_wait3A_448] : memref<16384x56x128xf32, #tpu.memory_space<hbm>> -> memref<1x50x64xf32, #tpu.memory_space<hbm>>
    %dma_wait3A_450 = tpu.memref_squeeze %dma_wait3A_449 : memref<1x50x64xf32, #tpu.memory_space<hbm>> -> memref<50x64xf32, #tpu.memory_space<hbm>>
    %dma_wait3A_451 = arith.constant 50 : i32
    %dma_wait3A_452 = arith.constant 0 : i32
    %dma_wait3A_453 = tpu.memref_slice %arg11[%dma_wait3A_451, %dma_wait3A_452] : memref<200x64xf32, #tpu.memory_space<vmem>> -> memref<50x64xf32, #tpu.memory_space<vmem>>
    tpu.wait_dma2 semaphore(%arg27 : memref<!tpu.dma_semaphore, #tpu.memory_space<semaphore_mem>>) src(%dma_wait3A_453 : memref<50x64xf32, #tpu.memory_space<vmem>>) dst(%dma_wait3A_450 : memref<50x64xf32, #tpu.memory_space<hbm>>)
    %add3A_454 = arith.constant 500 : i32
    %add3A_455 = arith.addi %mul3A_2, %add3A_454 : i32
    %add3A_456 = arith.constant 2 : i32
    %add3A_457 = arith.addi %add3A_455, %add3A_456 : i32
    %dma_wait3A_458 = arith.constant 100 : i32
    %dma_wait3A_459 = arith.constant 0 : i32
    %dma_wait3A_460 = tpu.memref_slice %arg11[%dma_wait3A_458, %dma_wait3A_459] : memref<200x64xf32, #tpu.memory_space<vmem>> -> memref<50x64xf32, #tpu.memory_space<vmem>>
    %dma_wait3A_461 = arith.constant 0 : i32
    %dma_wait3A_462 = arith.constant 0 : i32
    %dma_wait3A_463 = tpu.memref_slice %arg4[%add3A_457, %dma_wait3A_461, %dma_wait3A_462] : memref<16384x56x128xf32, #tpu.memory_space<hbm>> -> memref<1x50x64xf32, #tpu.memory_space<hbm>>
    %dma_wait3A_464 = tpu.memref_squeeze %dma_wait3A_463 : memref<1x50x64xf32, #tpu.memory_space<hbm>> -> memref<50x64xf32, #tpu.memory_space<hbm>>
    %dma_wait3A_465 = arith.constant 0 : i32
    %dma_wait3A_466 = arith.constant 0 : i32
    %dma_wait3A_467 = tpu.memref_slice %arg4[%add3A_457, %dma_wait3A_465, %dma_wait3A_466] : memref<16384x56x128xf32, #tpu.memory_space<hbm>> -> memref<1x50x64xf32, #tpu.memory_space<hbm>>
    %dma_wait3A_468 = tpu.memref_squeeze %dma_wait3A_467 : memref<1x50x64xf32, #tpu.memory_space<hbm>> -> memref<50x64xf32, #tpu.memory_space<hbm>>
    %dma_wait3A_469 = arith.constant 100 : i32
    %dma_wait3A_470 = arith.constant 0 : i32
    %dma_wait3A_471 = tpu.memref_slice %arg11[%dma_wait3A_469, %dma_wait3A_470] : memref<200x64xf32, #tpu.memory_space<vmem>> -> memref<50x64xf32, #tpu.memory_space<vmem>>
    tpu.wait_dma2 semaphore(%arg27 : memref<!tpu.dma_semaphore, #tpu.memory_space<semaphore_mem>>) src(%dma_wait3A_471 : memref<50x64xf32, #tpu.memory_space<vmem>>) dst(%dma_wait3A_468 : memref<50x64xf32, #tpu.memory_space<hbm>>)
    %add3A_472 = arith.constant 500 : i32
    %add3A_473 = arith.addi %mul3A_2, %add3A_472 : i32
    %add3A_474 = arith.constant 3 : i32
    %add3A_475 = arith.addi %add3A_473, %add3A_474 : i32
    %dma_wait3A_476 = arith.constant 150 : i32
    %dma_wait3A_477 = arith.constant 0 : i32
    %dma_wait3A_478 = tpu.memref_slice %arg11[%dma_wait3A_476, %dma_wait3A_477] : memref<200x64xf32, #tpu.memory_space<vmem>> -> memref<50x64xf32, #tpu.memory_space<vmem>>
    %dma_wait3A_479 = arith.constant 0 : i32
    %dma_wait3A_480 = arith.constant 0 : i32
    %dma_wait3A_481 = tpu.memref_slice %arg4[%add3A_475, %dma_wait3A_479, %dma_wait3A_480] : memref<16384x56x128xf32, #tpu.memory_space<hbm>> -> memref<1x50x64xf32, #tpu.memory_space<hbm>>
    %dma_wait3A_482 = tpu.memref_squeeze %dma_wait3A_481 : memref<1x50x64xf32, #tpu.memory_space<hbm>> -> memref<50x64xf32, #tpu.memory_space<hbm>>
    %dma_wait3A_483 = arith.constant 0 : i32
    %dma_wait3A_484 = arith.constant 0 : i32
    %dma_wait3A_485 = tpu.memref_slice %arg4[%add3A_475, %dma_wait3A_483, %dma_wait3A_484] : memref<16384x56x128xf32, #tpu.memory_space<hbm>> -> memref<1x50x64xf32, #tpu.memory_space<hbm>>
    %dma_wait3A_486 = tpu.memref_squeeze %dma_wait3A_485 : memref<1x50x64xf32, #tpu.memory_space<hbm>> -> memref<50x64xf32, #tpu.memory_space<hbm>>
    %dma_wait3A_487 = arith.constant 150 : i32
    %dma_wait3A_488 = arith.constant 0 : i32
    %dma_wait3A_489 = tpu.memref_slice %arg11[%dma_wait3A_487, %dma_wait3A_488] : memref<200x64xf32, #tpu.memory_space<vmem>> -> memref<50x64xf32, #tpu.memory_space<vmem>>
    tpu.wait_dma2 semaphore(%arg27 : memref<!tpu.dma_semaphore, #tpu.memory_space<semaphore_mem>>) src(%dma_wait3A_489 : memref<50x64xf32, #tpu.memory_space<vmem>>) dst(%dma_wait3A_486 : memref<50x64xf32, #tpu.memory_space<hbm>>)
    %add3A_490 = arith.constant 504 : i32
    %add3A_491 = arith.addi %mul3A_2, %add3A_490 : i32
    %add3A_492 = arith.constant 0 : i32
    %add3A_493 = arith.addi %add3A_491, %add3A_492 : i32
    %dma_wait3A_494 = arith.constant 0 : i32
    %dma_wait3A_495 = arith.constant 0 : i32
    %dma_wait3A_496 = tpu.memref_slice %arg12[%dma_wait3A_494, %dma_wait3A_495] : memref<200x64xf32, #tpu.memory_space<vmem>> -> memref<50x64xf32, #tpu.memory_space<vmem>>
    %dma_wait3A_497 = arith.constant 0 : i32
    %dma_wait3A_498 = arith.constant 0 : i32
    %dma_wait3A_499 = tpu.memref_slice %arg4[%add3A_493, %dma_wait3A_497, %dma_wait3A_498] : memref<16384x56x128xf32, #tpu.memory_space<hbm>> -> memref<1x50x64xf32, #tpu.memory_space<hbm>>
    %dma_wait3A_500 = tpu.memref_squeeze %dma_wait3A_499 : memref<1x50x64xf32, #tpu.memory_space<hbm>> -> memref<50x64xf32, #tpu.memory_space<hbm>>
    %dma_wait3A_501 = arith.constant 0 : i32
    %dma_wait3A_502 = arith.constant 0 : i32
    %dma_wait3A_503 = tpu.memref_slice %arg4[%add3A_493, %dma_wait3A_501, %dma_wait3A_502] : memref<16384x56x128xf32, #tpu.memory_space<hbm>> -> memref<1x50x64xf32, #tpu.memory_space<hbm>>
    %dma_wait3A_504 = tpu.memref_squeeze %dma_wait3A_503 : memref<1x50x64xf32, #tpu.memory_space<hbm>> -> memref<50x64xf32, #tpu.memory_space<hbm>>
    %dma_wait3A_505 = arith.constant 0 : i32
    %dma_wait3A_506 = arith.constant 0 : i32
    %dma_wait3A_507 = tpu.memref_slice %arg12[%dma_wait3A_505, %dma_wait3A_506] : memref<200x64xf32, #tpu.memory_space<vmem>> -> memref<50x64xf32, #tpu.memory_space<vmem>>
    tpu.wait_dma2 semaphore(%arg28 : memref<!tpu.dma_semaphore, #tpu.memory_space<semaphore_mem>>) src(%dma_wait3A_507 : memref<50x64xf32, #tpu.memory_space<vmem>>) dst(%dma_wait3A_504 : memref<50x64xf32, #tpu.memory_space<hbm>>)
    %add3A_508 = arith.constant 504 : i32
    %add3A_509 = arith.addi %mul3A_2, %add3A_508 : i32
    %add3A_510 = arith.constant 1 : i32
    %add3A_511 = arith.addi %add3A_509, %add3A_510 : i32
    %dma_wait3A_512 = arith.constant 50 : i32
    %dma_wait3A_513 = arith.constant 0 : i32
    %dma_wait3A_514 = tpu.memref_slice %arg12[%dma_wait3A_512, %dma_wait3A_513] : memref<200x64xf32, #tpu.memory_space<vmem>> -> memref<50x64xf32, #tpu.memory_space<vmem>>
    %dma_wait3A_515 = arith.constant 0 : i32
    %dma_wait3A_516 = arith.constant 0 : i32
    %dma_wait3A_517 = tpu.memref_slice %arg4[%add3A_511, %dma_wait3A_515, %dma_wait3A_516] : memref<16384x56x128xf32, #tpu.memory_space<hbm>> -> memref<1x50x64xf32, #tpu.memory_space<hbm>>
    %dma_wait3A_518 = tpu.memref_squeeze %dma_wait3A_517 : memref<1x50x64xf32, #tpu.memory_space<hbm>> -> memref<50x64xf32, #tpu.memory_space<hbm>>
    %dma_wait3A_519 = arith.constant 0 : i32
    %dma_wait3A_520 = arith.constant 0 : i32
    %dma_wait3A_521 = tpu.memref_slice %arg4[%add3A_511, %dma_wait3A_519, %dma_wait3A_520] : memref<16384x56x128xf32, #tpu.memory_space<hbm>> -> memref<1x50x64xf32, #tpu.memory_space<hbm>>
    %dma_wait3A_522 = tpu.memref_squeeze %dma_wait3A_521 : memref<1x50x64xf32, #tpu.memory_space<hbm>> -> memref<50x64xf32, #tpu.memory_space<hbm>>
    %dma_wait3A_523 = arith.constant 50 : i32
    %dma_wait3A_524 = arith.constant 0 : i32
    %dma_wait3A_525 = tpu.memref_slice %arg12[%dma_wait3A_523, %dma_wait3A_524] : memref<200x64xf32, #tpu.memory_space<vmem>> -> memref<50x64xf32, #tpu.memory_space<vmem>>
    tpu.wait_dma2 semaphore(%arg28 : memref<!tpu.dma_semaphore, #tpu.memory_space<semaphore_mem>>) src(%dma_wait3A_525 : memref<50x64xf32, #tpu.memory_space<vmem>>) dst(%dma_wait3A_522 : memref<50x64xf32, #tpu.memory_space<hbm>>)
    %add3A_526 = arith.constant 504 : i32
    %add3A_527 = arith.addi %mul3A_2, %add3A_526 : i32
    %add3A_528 = arith.constant 2 : i32
    %add3A_529 = arith.addi %add3A_527, %add3A_528 : i32
    %dma_wait3A_530 = arith.constant 100 : i32
    %dma_wait3A_531 = arith.constant 0 : i32
    %dma_wait3A_532 = tpu.memref_slice %arg12[%dma_wait3A_530, %dma_wait3A_531] : memref<200x64xf32, #tpu.memory_space<vmem>> -> memref<50x64xf32, #tpu.memory_space<vmem>>
    %dma_wait3A_533 = arith.constant 0 : i32
    %dma_wait3A_534 = arith.constant 0 : i32
    %dma_wait3A_535 = tpu.memref_slice %arg4[%add3A_529, %dma_wait3A_533, %dma_wait3A_534] : memref<16384x56x128xf32, #tpu.memory_space<hbm>> -> memref<1x50x64xf32, #tpu.memory_space<hbm>>
    %dma_wait3A_536 = tpu.memref_squeeze %dma_wait3A_535 : memref<1x50x64xf32, #tpu.memory_space<hbm>> -> memref<50x64xf32, #tpu.memory_space<hbm>>
    %dma_wait3A_537 = arith.constant 0 : i32
    %dma_wait3A_538 = arith.constant 0 : i32
    %dma_wait3A_539 = tpu.memref_slice %arg4[%add3A_529, %dma_wait3A_537, %dma_wait3A_538] : memref<16384x56x128xf32, #tpu.memory_space<hbm>> -> memref<1x50x64xf32, #tpu.memory_space<hbm>>
    %dma_wait3A_540 = tpu.memref_squeeze %dma_wait3A_539 : memref<1x50x64xf32, #tpu.memory_space<hbm>> -> memref<50x64xf32, #tpu.memory_space<hbm>>
    %dma_wait3A_541 = arith.constant 100 : i32
    %dma_wait3A_542 = arith.constant 0 : i32
    %dma_wait3A_543 = tpu.memref_slice %arg12[%dma_wait3A_541, %dma_wait3A_542] : memref<200x64xf32, #tpu.memory_space<vmem>> -> memref<50x64xf32, #tpu.memory_space<vmem>>
    tpu.wait_dma2 semaphore(%arg28 : memref<!tpu.dma_semaphore, #tpu.memory_space<semaphore_mem>>) src(%dma_wait3A_543 : memref<50x64xf32, #tpu.memory_space<vmem>>) dst(%dma_wait3A_540 : memref<50x64xf32, #tpu.memory_space<hbm>>)
    %add3A_544 = arith.constant 504 : i32
    %add3A_545 = arith.addi %mul3A_2, %add3A_544 : i32
    %add3A_546 = arith.constant 3 : i32
    %add3A_547 = arith.addi %add3A_545, %add3A_546 : i32
    %dma_wait3A_548 = arith.constant 150 : i32
    %dma_wait3A_549 = arith.constant 0 : i32
    %dma_wait3A_550 = tpu.memref_slice %arg12[%dma_wait3A_548, %dma_wait3A_549] : memref<200x64xf32, #tpu.memory_space<vmem>> -> memref<50x64xf32, #tpu.memory_space<vmem>>
    %dma_wait3A_551 = arith.constant 0 : i32
    %dma_wait3A_552 = arith.constant 0 : i32
    %dma_wait3A_553 = tpu.memref_slice %arg4[%add3A_547, %dma_wait3A_551, %dma_wait3A_552] : memref<16384x56x128xf32, #tpu.memory_space<hbm>> -> memref<1x50x64xf32, #tpu.memory_space<hbm>>
    %dma_wait3A_554 = tpu.memref_squeeze %dma_wait3A_553 : memref<1x50x64xf32, #tpu.memory_space<hbm>> -> memref<50x64xf32, #tpu.memory_space<hbm>>
    %dma_wait3A_555 = arith.constant 0 : i32
    %dma_wait3A_556 = arith.constant 0 : i32
    %dma_wait3A_557 = tpu.memref_slice %arg4[%add3A_547, %dma_wait3A_555, %dma_wait3A_556] : memref<16384x56x128xf32, #tpu.memory_space<hbm>> -> memref<1x50x64xf32, #tpu.memory_space<hbm>>
    %dma_wait3A_558 = tpu.memref_squeeze %dma_wait3A_557 : memref<1x50x64xf32, #tpu.memory_space<hbm>> -> memref<50x64xf32, #tpu.memory_space<hbm>>
    %dma_wait3A_559 = arith.constant 150 : i32
    %dma_wait3A_560 = arith.constant 0 : i32
    %dma_wait3A_561 = tpu.memref_slice %arg12[%dma_wait3A_559, %dma_wait3A_560] : memref<200x64xf32, #tpu.memory_space<vmem>> -> memref<50x64xf32, #tpu.memory_space<vmem>>
    tpu.wait_dma2 semaphore(%arg28 : memref<!tpu.dma_semaphore, #tpu.memory_space<semaphore_mem>>) src(%dma_wait3A_561 : memref<50x64xf32, #tpu.memory_space<vmem>>) dst(%dma_wait3A_558 : memref<50x64xf32, #tpu.memory_space<hbm>>)
    %add3A_562 = arith.constant 508 : i32
    %add3A_563 = arith.addi %mul3A_2, %add3A_562 : i32
    %add3A_564 = arith.constant 0 : i32
    %add3A_565 = arith.addi %add3A_563, %add3A_564 : i32
    %dma_wait3A_566 = arith.constant 0 : i32
    %dma_wait3A_567 = arith.constant 0 : i32
    %dma_wait3A_568 = tpu.memref_slice %arg13[%dma_wait3A_566, %dma_wait3A_567] : memref<200x64xf32, #tpu.memory_space<vmem>> -> memref<50x64xf32, #tpu.memory_space<vmem>>
    %dma_wait3A_569 = arith.constant 0 : i32
    %dma_wait3A_570 = arith.constant 0 : i32
    %dma_wait3A_571 = tpu.memref_slice %arg4[%add3A_565, %dma_wait3A_569, %dma_wait3A_570] : memref<16384x56x128xf32, #tpu.memory_space<hbm>> -> memref<1x50x64xf32, #tpu.memory_space<hbm>>
    %dma_wait3A_572 = tpu.memref_squeeze %dma_wait3A_571 : memref<1x50x64xf32, #tpu.memory_space<hbm>> -> memref<50x64xf32, #tpu.memory_space<hbm>>
    %dma_wait3A_573 = arith.constant 0 : i32
    %dma_wait3A_574 = arith.constant 0 : i32
    %dma_wait3A_575 = tpu.memref_slice %arg4[%add3A_565, %dma_wait3A_573, %dma_wait3A_574] : memref<16384x56x128xf32, #tpu.memory_space<hbm>> -> memref<1x50x64xf32, #tpu.memory_space<hbm>>
    %dma_wait3A_576 = tpu.memref_squeeze %dma_wait3A_575 : memref<1x50x64xf32, #tpu.memory_space<hbm>> -> memref<50x64xf32, #tpu.memory_space<hbm>>
    %dma_wait3A_577 = arith.constant 0 : i32
    %dma_wait3A_578 = arith.constant 0 : i32
    %dma_wait3A_579 = tpu.memref_slice %arg13[%dma_wait3A_577, %dma_wait3A_578] : memref<200x64xf32, #tpu.memory_space<vmem>> -> memref<50x64xf32, #tpu.memory_space<vmem>>
    tpu.wait_dma2 semaphore(%arg29 : memref<!tpu.dma_semaphore, #tpu.memory_space<semaphore_mem>>) src(%dma_wait3A_579 : memref<50x64xf32, #tpu.memory_space<vmem>>) dst(%dma_wait3A_576 : memref<50x64xf32, #tpu.memory_space<hbm>>)
    %add3A_580 = arith.constant 508 : i32
    %add3A_581 = arith.addi %mul3A_2, %add3A_580 : i32
    %add3A_582 = arith.constant 1 : i32
    %add3A_583 = arith.addi %add3A_581, %add3A_582 : i32
    %dma_wait3A_584 = arith.constant 50 : i32
    %dma_wait3A_585 = arith.constant 0 : i32
    %dma_wait3A_586 = tpu.memref_slice %arg13[%dma_wait3A_584, %dma_wait3A_585] : memref<200x64xf32, #tpu.memory_space<vmem>> -> memref<50x64xf32, #tpu.memory_space<vmem>>
    %dma_wait3A_587 = arith.constant 0 : i32
    %dma_wait3A_588 = arith.constant 0 : i32
    %dma_wait3A_589 = tpu.memref_slice %arg4[%add3A_583, %dma_wait3A_587, %dma_wait3A_588] : memref<16384x56x128xf32, #tpu.memory_space<hbm>> -> memref<1x50x64xf32, #tpu.memory_space<hbm>>
    %dma_wait3A_590 = tpu.memref_squeeze %dma_wait3A_589 : memref<1x50x64xf32, #tpu.memory_space<hbm>> -> memref<50x64xf32, #tpu.memory_space<hbm>>
    %dma_wait3A_591 = arith.constant 0 : i32
    %dma_wait3A_592 = arith.constant 0 : i32
    %dma_wait3A_593 = tpu.memref_slice %arg4[%add3A_583, %dma_wait3A_591, %dma_wait3A_592] : memref<16384x56x128xf32, #tpu.memory_space<hbm>> -> memref<1x50x64xf32, #tpu.memory_space<hbm>>
    %dma_wait3A_594 = tpu.memref_squeeze %dma_wait3A_593 : memref<1x50x64xf32, #tpu.memory_space<hbm>> -> memref<50x64xf32, #tpu.memory_space<hbm>>
    %dma_wait3A_595 = arith.constant 50 : i32
    %dma_wait3A_596 = arith.constant 0 : i32
    %dma_wait3A_597 = tpu.memref_slice %arg13[%dma_wait3A_595, %dma_wait3A_596] : memref<200x64xf32, #tpu.memory_space<vmem>> -> memref<50x64xf32, #tpu.memory_space<vmem>>
    tpu.wait_dma2 semaphore(%arg29 : memref<!tpu.dma_semaphore, #tpu.memory_space<semaphore_mem>>) src(%dma_wait3A_597 : memref<50x64xf32, #tpu.memory_space<vmem>>) dst(%dma_wait3A_594 : memref<50x64xf32, #tpu.memory_space<hbm>>)
    %add3A_598 = arith.constant 508 : i32
    %add3A_599 = arith.addi %mul3A_2, %add3A_598 : i32
    %add3A_600 = arith.constant 2 : i32
    %add3A_601 = arith.addi %add3A_599, %add3A_600 : i32
    %dma_wait3A_602 = arith.constant 100 : i32
    %dma_wait3A_603 = arith.constant 0 : i32
    %dma_wait3A_604 = tpu.memref_slice %arg13[%dma_wait3A_602, %dma_wait3A_603] : memref<200x64xf32, #tpu.memory_space<vmem>> -> memref<50x64xf32, #tpu.memory_space<vmem>>
    %dma_wait3A_605 = arith.constant 0 : i32
    %dma_wait3A_606 = arith.constant 0 : i32
    %dma_wait3A_607 = tpu.memref_slice %arg4[%add3A_601, %dma_wait3A_605, %dma_wait3A_606] : memref<16384x56x128xf32, #tpu.memory_space<hbm>> -> memref<1x50x64xf32, #tpu.memory_space<hbm>>
    %dma_wait3A_608 = tpu.memref_squeeze %dma_wait3A_607 : memref<1x50x64xf32, #tpu.memory_space<hbm>> -> memref<50x64xf32, #tpu.memory_space<hbm>>
    %dma_wait3A_609 = arith.constant 0 : i32
    %dma_wait3A_610 = arith.constant 0 : i32
    %dma_wait3A_611 = tpu.memref_slice %arg4[%add3A_601, %dma_wait3A_609, %dma_wait3A_610] : memref<16384x56x128xf32, #tpu.memory_space<hbm>> -> memref<1x50x64xf32, #tpu.memory_space<hbm>>
    %dma_wait3A_612 = tpu.memref_squeeze %dma_wait3A_611 : memref<1x50x64xf32, #tpu.memory_space<hbm>> -> memref<50x64xf32, #tpu.memory_space<hbm>>
    %dma_wait3A_613 = arith.constant 100 : i32
    %dma_wait3A_614 = arith.constant 0 : i32
    %dma_wait3A_615 = tpu.memref_slice %arg13[%dma_wait3A_613, %dma_wait3A_614] : memref<200x64xf32, #tpu.memory_space<vmem>> -> memref<50x64xf32, #tpu.memory_space<vmem>>
    tpu.wait_dma2 semaphore(%arg29 : memref<!tpu.dma_semaphore, #tpu.memory_space<semaphore_mem>>) src(%dma_wait3A_615 : memref<50x64xf32, #tpu.memory_space<vmem>>) dst(%dma_wait3A_612 : memref<50x64xf32, #tpu.memory_space<hbm>>)
    %add3A_616 = arith.constant 508 : i32
    %add3A_617 = arith.addi %mul3A_2, %add3A_616 : i32
    %add3A_618 = arith.constant 3 : i32
    %add3A_619 = arith.addi %add3A_617, %add3A_618 : i32
    %dma_wait3A_620 = arith.constant 150 : i32
    %dma_wait3A_621 = arith.constant 0 : i32
    %dma_wait3A_622 = tpu.memref_slice %arg13[%dma_wait3A_620, %dma_wait3A_621] : memref<200x64xf32, #tpu.memory_space<vmem>> -> memref<50x64xf32, #tpu.memory_space<vmem>>
    %dma_wait3A_623 = arith.constant 0 : i32
    %dma_wait3A_624 = arith.constant 0 : i32
    %dma_wait3A_625 = tpu.memref_slice %arg4[%add3A_619, %dma_wait3A_623, %dma_wait3A_624] : memref<16384x56x128xf32, #tpu.memory_space<hbm>> -> memref<1x50x64xf32, #tpu.memory_space<hbm>>
    %dma_wait3A_626 = tpu.memref_squeeze %dma_wait3A_625 : memref<1x50x64xf32, #tpu.memory_space<hbm>> -> memref<50x64xf32, #tpu.memory_space<hbm>>
    %dma_wait3A_627 = arith.constant 0 : i32
    %dma_wait3A_628 = arith.constant 0 : i32
    %dma_wait3A_629 = tpu.memref_slice %arg4[%add3A_619, %dma_wait3A_627, %dma_wait3A_628] : memref<16384x56x128xf32, #tpu.memory_space<hbm>> -> memref<1x50x64xf32, #tpu.memory_space<hbm>>
    %dma_wait3A_630 = tpu.memref_squeeze %dma_wait3A_629 : memref<1x50x64xf32, #tpu.memory_space<hbm>> -> memref<50x64xf32, #tpu.memory_space<hbm>>
    %dma_wait3A_631 = arith.constant 150 : i32
    %dma_wait3A_632 = arith.constant 0 : i32
    %dma_wait3A_633 = tpu.memref_slice %arg13[%dma_wait3A_631, %dma_wait3A_632] : memref<200x64xf32, #tpu.memory_space<vmem>> -> memref<50x64xf32, #tpu.memory_space<vmem>>
    tpu.wait_dma2 semaphore(%arg29 : memref<!tpu.dma_semaphore, #tpu.memory_space<semaphore_mem>>) src(%dma_wait3A_633 : memref<50x64xf32, #tpu.memory_space<vmem>>) dst(%dma_wait3A_630 : memref<50x64xf32, #tpu.memory_space<hbm>>)
    return
  }
}

</mosaic_0001>

<sc_bundles>
// kernel: kernel.3.cloned.1.call-start
scs
__scs_entry_jumppad:
0x0: {  	(pc) =	sbr.rel $0x88, $3  }
0x1: {  	(tag) =	ssettag $0x0;
	lr =	simm.s32 $0x1  }
0x2: {  	[smem:$0x3F9F] =	sst lr;
	_ =	strace $0xD0000000  }
0x3: {  	_ = 	snop  }
0x4: {  	_ = 	snop  }
0x5: {  	_ = 	snop  }
0x6: {  	_ = 	snop  }
0x7: {  	_ = 	snop  }
__scs_overlays_trampoline_lowered:
0x8: {  	[smem:$0x3FAE] =	sst s0  }
0x9: {  	[smem:$0x3FAF] =	sst s1  }
0xa: {  	[smem:$0x3FB0] =	sst s2  }
0xb: {  	[smem:$0x3FB1] =	sst s3  }
0xc: {  	[smem:$0x3FB2] =	sst s4  }
0xd: {  	[smem:$0x3FB3] =	sst s5  }
0xe: {  	[smem:$0x3FB4] =	sst s6  }
0xf: {  	[smem:$0x3FB5] =	sst s7  }
0x10: {  	[smem:$0x3FB6] =	sst s8  }
0x11: {  	[smem:$0x3FB7] =	sst s9;
	s0 =	simm.s32 @!p0 $0x0  }
0x12: {  	s1 =	sld [smem:$0x3F9D];
	s0 =	simm.s32 @p0 $0x1  }
0x13: {  	[smem:$0x3FB8] =	sst s0;
	s0 =	simm.s32 @!p1 $0x0  }
0x14: {  	s2 =	sld [smem:$0x3F9C];
	s0 =	simm.s32 @p1 $0x1  }
0x15: {  	[smem:$0x3FB9] =	sst s0;
	s0 =	simm.s32 @!p2 $0x0  }
0x16: {  	s3 =	sld [smem:$0x3FDB];
	s0 =	simm.s32 @p2 $0x1  }
0x17: {  	s4 =	simm.s32 $0x1BF5;
	[smem:$0x3FBB] =	sst s0  }
0x18: {  	s0 =	sld [smem:$0x3F9E];
	_ =	swait.ge [sflag:s4], $0x0  }
0x19: {  	s7 =	sld [smem:$0x3F9F]  }
0x1a: {  	s8 =	sadd.s32 $0xFFFFE003, lr  }
0x1b: {  	s9 =	sadd.s32 $0xFFFFFEF7, lr;
	s5 =	simm.s32 $0xFFFFFFFF;
	p2 =	slt.u32 s8, $0xFFFFF086  }
0x1c: {  	p1 =	slt.u32 s9, $0xF7A;
	s5 =	simm.s32 @!p2 $0x0  }
0x1d: {  	s5 =	simm.s32 @p1 $0x1;
	p0 =	seq.s32 s7, s2  }
0x1e: {  	s7 =	smul.u32 @!p0 $0xF7A, s2;
	p2 =	seq.s32 @!p0 s5, $0x0  }
0x1f: {  	s9 =	smul.u32 $0xF7A, s1;
	s8 =	simm.s32 @!p0 $0x1BF5;
	p2 =	por !p2, p0  }
0x20: {  	[sflag:s8] =	ssyncset.s32 @!p0 $0xFFFFF086;
	s6 =	sadd.s32 @!p0 s3, s7;
	s7 =	simm.s32 @!p0 $0x108  }
0x21: {  	s3 =	sadd.s32 s3, s9;
	s6 =	sadd.s32 @!p0 $0x88, s6;
	s7 =	simm.s32 @p2 $0x1082  }
0x22: {  	[simem:s7], [sflag:s8] =	dma.local @!p0 [hbm:s6], $0xF7A  }
0x23: {  	s9 =	sor.u32 $0xD0000000, s2;
	s6 =	simm.s32 $0x108;
	_ =	swait.ge @!p0 [sflag:s8], $0x0  }
0x24: {  	s3 =	sadd.s32 $0x88, s3;
	s6 =	simm.s32 @!p1 $0x1082;
	[sflag:s4] =	ssyncset.s32 $0xFFFFF086  }
0x25: {  	[simem:s6], [sflag:s4] =	dma.local [hbm:s3], $0xF7A  }
0x26: {  	[smem:$0x3F9F] =	sst s1;
	(tag) =	ssettag s2;
	_ =	strace s9  }
0x27: {  	s1 =	sld [smem:$0x3FAF]  }
0x28: {  	s2 =	sld [smem:$0x3FB0]  }
0x29: {  	s4 =	sld [smem:$0x3FB2]  }
0x2a: {  	p0 =	seq.s32 s5, $0x0;
	s5 =	sld [smem:$0x3FB3]  }
0x2b: {  	s6 =	sld [smem:$0x3FB4]  }
0x2c: {  	s7 =	sld [smem:$0x3FB5]  }
0x2d: {  	s3 =	simm.s32 $0x108;
	s8 =	sld [smem:$0x3FB6]  }
0x2e: {  	s3 =	simm.s32 @!p0 $0x1082;
	s9 =	sld [smem:$0x3FB7]  }
0x2f: {  	lr =	sadd.s32 s0, s3;
	s0 =	sld [smem:$0x3FAE]  }
0x30: {  	s3 =	sld [smem:$0x3FB1]  }
0x31: {  	[smem:$0x3FBA] =	sst s10  }
0x32: {  	s10 =	sld [smem:$0x3FB8];
	_ =	sdelay $0x3  }
0x33: {  	p0 =	seq.s32 s10, $0x1;
	s10 =	sld [smem:$0x3FBA];
	_ =	sdelay $0x3  }
0x34: {  	[smem:$0x3FBA] =	sst s10  }
0x35: {  	s10 =	sld [smem:$0x3FB9];
	_ =	sdelay $0x3  }
0x36: {  	p1 =	seq.s32 s10, $0x1;
	s10 =	sld [smem:$0x3FBA];
	_ =	sdelay $0x3  }
0x37: {  	[smem:$0x3FBA] =	sst s10  }
0x38: {  	s10 =	sld [smem:$0x3FBB]  }
0x39: {  	_ = 	snop;
	(pc) =	sbr.ind lr, $3  }
0x3a: {  	_ = 	snop  }
0x3b: {  	_ = 	snop  }
0x3c: {  	p2 =	seq.s32 s10, $0x1;
	s10 =	sld [smem:$0x3FBA]  }
0x3d: {  	_ =	shalt  }
0x3e: {  	_ =	shalt  }
0x3f: {  	_ =	shalt  }
0x40: {  	_ =	shalt  }
0x41: {  	_ =	shalt  }
0x42: {  	_ =	shalt  }
0x43: {  	_ =	shalt  }
0x44: {  	_ =	shalt  }
0x45: {  	_ =	shalt  }
0x46: {  	_ =	shalt  }
0x47: {  	_ =	shalt  }
0x48: {  	_ =	shalt  }
0x49: {  	_ =	shalt  }
0x4a: {  	_ =	shalt  }
0x4b: {  	_ =	shalt  }
0x4c: {  	_ =	shalt  }
0x4d: {  	_ =	shalt  }
0x4e: {  	_ =	shalt  }
0x4f: {  	_ =	shalt  }
0x50: {  	_ =	shalt  }
0x51: {  	_ =	shalt  }
0x52: {  	_ =	shalt  }
0x53: {  	_ =	shalt  }
0x54: {  	_ =	shalt  }
0x55: {  	_ =	shalt  }
0x56: {  	_ =	shalt  }
0x57: {  	_ =	shalt  }
0x58: {  	_ =	shalt  }
0x59: {  	_ =	shalt  }
0x5a: {  	_ =	shalt  }
0x5b: {  	_ =	shalt  }
0x5c: {  	_ =	shalt  }
0x5d: {  	_ =	shalt  }
0x5e: {  	_ =	shalt  }
0x5f: {  	_ =	shalt  }
0x60: {  	_ =	shalt  }
0x61: {  	_ =	shalt  }
0x62: {  	_ =	shalt  }
0x63: {  	_ =	shalt  }
0x64: {  	_ =	shalt  }
0x65: {  	_ =	shalt  }
0x66: {  	_ =	shalt  }
0x67: {  	_ =	shalt  }
0x68: {  	_ =	shalt  }
0x69: {  	_ =	shalt  }
0x6a: {  	_ =	shalt  }
0x6b: {  	_ =	shalt  }
0x6c: {  	_ =	shalt  }
0x6d: {  	_ =	shalt  }
0x6e: {  	_ =	shalt  }
0x6f: {  	_ =	shalt  }
0x70: {  	_ =	shalt  }
0x71: {  	_ =	shalt  }
0x72: {  	_ =	shalt  }
0x73: {  	_ =	shalt  }
0x74: {  	_ =	shalt  }
0x75: {  	_ =	shalt  }
0x76: {  	_ =	shalt  }
0x77: {  	_ =	shalt  }
0x78: {  	_ =	shalt  }
0x79: {  	_ =	shalt  }
0x7a: {  	_ =	shalt  }
0x7b: {  	_ =	shalt  }
0x7c: {  	_ =	shalt  }
0x7d: {  	_ =	shalt  }
0x7e: {  	_ =	shalt  }
0x7f: {  	_ =	shalt  }
0x80: {  	_ =	shalt  }
0x81: {  	_ =	shalt  }
0x82: {  	_ =	shalt  }
0x83: {  	_ =	shalt  }
0x84: {  	_ =	shalt  }
0x85: {  	_ =	shalt  }
0x86: {  	_ =	shalt  }
0x87: {  	_ =	shalt  }
.Lfunc_end0:
.L_simem_size_0:
called_computation.1_lowered:
.L_overlay_start_0:
0x88: {  	s2 =	sld [smem:$0x3FD9]  }
0x89: {  	s3 =	sld [smem:$0x3FFE];
	_ =	sdelay $0x1  }
0x8a: {  	s1 =	srdreg.scid  }
0x8b: {  	s0 =	sand.u32 $0x1, s1  }
0x8c: {  	s17 =	sshll.u32 s0, $0xA;
	s2 =	sadd.s32 s3, s2  }
0x8d: {  	s2 =	sadd.s32 s2, s17  }
0x8e: {  	[smem:$0x3FC6] =	sst s2  }
0x8f: {  	_ = 	snop  }
0x90: {  	s2 =	sld [smem:$0x3FD0];
	(tm) =	ssettm $0x1  }
0x91: {  	s18 =	sld [smem:$0x3FFB];
	_ =	sdelay $0x3  }
0x92: {  	_ =	strace s18  }
0x93: {  	s3 =	sld [smem:$0x3FFC];
	_ =	sdelay $0x3  }
0x94: {  	_ =	strace s3  }
0x95: {  	s3 =	sld [smem:$0x3FFD];
	_ =	sdelay $0x3  }
0x96: {  	_ =	strace s3  }
0x97: {  	_ =	strace $0x8FFFFFFF  }
0x98: {  	s19 =	sld [smem:$0x3FDB];
	_ =	sdelay $0x1  }
0x99: {  	s4 =	simm.s32 $_scs_section_size  }
0x9a: {  	s5 =	simm.s32 $_size__tile_overlayer_lowered;
	s6 =	simm.s32 $_tile_overlayer_lowered  }
0x9b: {  	s22 =	simm.s32 $0x1BFF;
	s21 =	sshll.u32 s6, $0x1;
	s3 =	sadd.s32 s4, s19  }
0x9c: {  	s7 =	simm.s32 $0x0;
	s20 =	sshll.u32 s5, $0x1;
	s5 =	sadd.s32 s21, s3  }
0x9d: {  	[timem:s7], [sflag:s22] =	dma.local [hbm:s5], s20  }
0x9e: {  	_ =	swait.ge [sflag:s22], s20  }
0x9f: {  	s4 =	ssub.s32 $0x0, s20;
	[sflag:s22] =	ssyncset.done $0x0  }
0xa0: {  	[sflag:s22] =	ssyncadd.s32 s4;
	_ =	sdelay $0x1  }
0xa1: {  	s23 =	simm.s32 $0x1B8B  }
0xa2: {  	_ =	swait.ge [sflag:s23], $0x1  }
0xa3: {  	[sflag:s23] =	ssyncset.done $0x0  }
0xa4: {  	s25 =	simm.s32 $0x1B8E;
	s24 =	sld [smem:$0x3FFE];
	[sflag:s23] =	ssyncadd.s32 $0xFFFFFFFF  }
0xa5: {  	s26 =	simm.s32 $execute0_lowered;
	[smem:$0x3FD2] =	sst s25  }
0xa6: {  	s5 =	sshll.u32 s26, $0x1;
	_ =	strace $0x80000046;
	[dreg:$0x1] =	wrdreg $0xFFFFFFFF  }
0xa7: {  	s28 =	simm.s32 $_size_execute0_lowered;
	s3 =	sadd.s32 s3, s5;
	[dreg:$0x0] =	wrdreg $0x0  }
0xa8: {  	s5 =	sshll.u32 s28, $0x1;
	[dreg:$0x2] =	wrdreg s3  }
0xa9: {  	[dreg:$0x3] =	wrdreg s5  }
0xaa: {  	[dreg:$0x4] =	wrdreg $0xC0  }
0xab: {  	_ =	task [dreg:s7], $0x5FFFF  }
0xac: {  	[dreg:$0x1] =	wrdreg $0xFFFFFFFF  }
0xad: {  	[dreg:$0x0] =	wrdreg $0x60  }
0xae: {  	[dreg:$0x2] =	wrdreg s2  }
0xaf: {  	[dreg:$0x3] =	wrdreg s24  }
0xb0: {  	[dreg:$0x4] =	wrdreg $0x9  }
0xb1: {  	_ =	task.clear_ibuf [dreg:s7], $0x5FFFF;
	_ =	strace $0x90000046  }
0xb2: {  	s29 =	simm.s32 $0x9;
	_ =	strace $0x80000048  }
0xb3: {  	_ =	swait.ge [sflag:s29], $0x1  }
0xb4: {  	[sflag:s29] =	ssyncadd.s32 $0xFFFFFFFF  }
0xb5: {  	_ =	strace $0x90000048  }
0xb6: {  	_ =	sfence  }
0xb7: {  	s30 =	sld [smem:$0x0];
	_ =	sdelay $0x2  }
0xb8: {  	s31 =	sshll.u32 s1, $0xD;
	s1 =	sshrl.u32 s1, $0x2  }
0xb9: {  	s3 =	sand.u32 $0x4000, s31;
	s1 =	sadd.s32 s1, s30  }
0xba: {  	s0 =	sor.u32 s3, s0;
	s1 =	sshll.u32 s1, $0x11  }
0xbb: {  	s0 =	sor.u32 s1, s0  }
0xbc: {  	s0 =	sadd.s32 $0x8F2B, s0  }
0xbd: {  	[sflag:s0] =	ssyncadd.remote.s32 $0x1  }
0xbe: {  	_ =	sfence.sel $0xFFFF  }
0xbf: {  	[dreg:$0x0] =	wrdreg $0xFFFFFFFF;
	(pc) =	sbr.abs _section_cstart, $3  }
0xc0: {  	[dreg:$0x1] =	wrdreg $0xFFFFFFFF  }
0xc1: {  	_ =	task.clear_ibuf [dreg:s7], $0x2FFFF;
	_ =	strace $0x9FFFFFFF  }
0xc2: {  	(tm) =	ssettm $0x7FFFFFFF  }
0xc3: {  	_ =	shalt  }
tec
execute0_lowered:
.L_overlay_start_1:
0x0: {  	(tag) =	ssettag $0x1  }
0x1: {  	s0 =	rddreg [dreg:$0x0]  }
0x2: {  	s1 =	rddreg [dreg:$0x1]  }
0x3: {  	s2 =	simm.s32 $0x0;
	s16 =	srdreg.scid;
	s9 =	stileid.u32  }
0x4: {  	s28 =	simm.s32 $0x19000;
	s31 =	simm.s32 $0x3;
	s30 =	simm.s32 $0x4  }
0x5: {  	s29 =	simm.s32 $0x7;
	[smem:$0x7FF] =	sst s2;
	s5 =	smul.u32 $0x700000, s9  }
0x6: {  	s3 =	sadd.s32 $0xF42E00, s1;
	s2 =	sand.u32 $0x1, s16;
	s17 =	smul.u32 $0xE0000, s9  }
0x7: {  	s4 =	sshll.u32 s9, $0x1;
	s1 =	sadd.s32 $0xA00, s1;
	s7 =	smul.u32 $0x380000, s2  }
0x8: {  	s6 =	ssub.s32 $0x2, s2;
	s4 =	sor.u32 s2, s4;
	s2 =	smul.u32 $0x70000, s2  }
0x9: {  	_ =	strace $0x80000047;
	s8 =	sshrl.u32 s6, $0x1;
	s4 =	smul.u32 $0xC80, s4  }
0xa: {  	s20 =	sadd.s32 s17, s1;
	s6 =	ssub.s32 s6, s8;
	s5 =	sadd.s32 s7, s5  }
0xb: {  	s21 =	sadd.s32 s2, s20;
	s0 =	sadd.s32 s0, s4;
	s18 =	sor.u32 $0x2D800, s5  }
0xc: {  	s19 =	smax.u32 s6, $0x1;
	[dreg:$0x6] =	wrdreg s21;
	s22 =	sor.u32 $0x28400, s5  }
0xd: {  	s23 =	sor.u32 $0x26800, s5;
	s24 =	sor.u32 $0x24C00, s5;
	s4 =	sor.u32 $0x21400, s5  }
0xe: {  	s6 =	sor.u32 $0x1A400, s5;
	s7 =	sor.u32 $0x18800, s5;
	s10 =	sor.u32 $0x16C00, s5  }
0xf: {  	s11 =	sor.u32 $0x13400, s5;
	s12 =	sor.u32 $0x11800, s5;
	[dreg:$0x3] =	wrdreg s0  }
0x10: {  	s17 =	sor.u32 $0xC400, s5;
	[dreg:$0x4] =	wrdreg s19;
	s0 =	sshrl.u32 s18, $0x3  }
0x11: {  	s25 =	sshrl.u32 s23, $0x3;
	s26 =	sshrl.u32 s24, $0x3;
	s8 =	sshrl.u32 s6, $0x3  }
0x12: {  	s9 =	sshrl.u32 s7, $0x3;
	s15 =	sshrl.u32 s11, $0x3;
	s16 =	sshrl.u32 s12, $0x3  }
0x13: {  	s18 =	sor.u32 $0xA800, s5;
	s19 =	sor.u32 $0x8C00, s5;
	s23 =	sor.u32 $0x34800, s5  }
0x14: {  	s24 =	sor.u32 $0x32C00, s5;
	s6 =	simm.s32 $0xF;
	s0 =	sadd.s32 s0, s1  }
0x15: {  	s2 =	sadd.s32 s26, s1;
	s13 =	sadd.s32 s9, s1;
	s15 =	sadd.s32 s15, s1  }
0x16: {  	s16 =	sadd.s32 s16, s1;
	s20 =	sshrl.u32 s18, $0x3;
	s21 =	sshrl.u32 s19, $0x3  }
0x17: {  	s26 =	sshrl.u32 s24, $0x3;
	s24 =	simm.s32 $0xC8;
	[dreg:$0x5] =	wrdreg s0  }
0x18: {  	s9 =	simm.s32 $0x0;
	s0 =	sshrl.u32 s22, $0x3;
	[dreg:$0x9] =	wrdreg s2  }
0x19: {  	s18 =	sadd.s32 s20, s1;
	s19 =	sadd.s32 s21, s1;
	s0 =	sadd.s32 s0, s1  }
0x1a: {  	s22 =	sor.u32 $0x36400, s5;
	[dreg:$0x7] =	wrdreg s0;
	s0 =	sadd.s32 s25, s1  }
0x1b: {  	s5 =	simm.s32 $0x2;
	[dreg:$0x8] =	wrdreg s0;
	s0 =	sshrl.u32 s4, $0x3  }
0x1c: {  	s2 =	simm.s32 $0x8;
	s25 =	sshrl.u32 s23, $0x3;
	s0 =	sadd.s32 s0, s1  }
0x1d: {  	s23 =	simm.s32 $0x5;
	[dreg:$0xa] =	wrdreg s0;
	s0 =	sadd.s32 s8, s1  }
.Ltmp0:
0x1e: {  	[dreg:$0xb] =	wrdreg s0;
	s0 =	sshrl.u32 s10, $0x3;
	(pc) =	sbr.rel .LBB2_1-.Ltmp0, $4  }
0x1f: {  	s21 =	sadd.s32 s25, s1;
	s14 =	sadd.s32 s0, s1;
	s0 =	sshrl.u32 s17, $0x3  }
0x20: {  	s4 =	simm.s32 $0x80;
	s25 =	simm.s32 $0x6;
	s17 =	sadd.s32 s0, s1  }
0x21: {  	s0 =	sshrl.u32 s22, $0x3;
	s22 =	sadd.s32 s26, s1;
	s26 =	simm.s32 $0x1C200  }
0x22: {  	s20 =	sadd.s32 s0, s1;
	s0 =	simm.s32 $0x1;
	s1 =	simm.s32 $0x40  }
.LBB2_4:
0x23: {  	s7 =	simm.s32 $0x9  }
0x24: {  	_ =	swait.ge [sflag:s7], $0xC80  }
0x25: {  	[sflag:s7] =	ssyncset.done $0x0  }
0x26: {  	[sflag:s7] =	ssyncadd.s32 $0xFFFFF380  }
0x27: {  	_ =	swait.ge [sflag:s7], $0xC80  }
0x28: {  	[sflag:s7] =	ssyncset.done $0x0  }
0x29: {  	[sflag:s7] =	ssyncadd.s32 $0xFFFFF380  }
0x2a: {  	_ =	swait.ge [sflag:s7], $0xC80  }
0x2b: {  	[sflag:s7] =	ssyncset.done $0x0  }
0x2c: {  	[sflag:s7] =	ssyncadd.s32 $0xFFFFF380  }
0x2d: {  	_ =	swait.ge [sflag:s7], $0xC80  }
0x2e: {  	[sflag:s7] =	ssyncset.done $0x0  }
0x2f: {  	s12 =	simm.s32 $0xA;
	[sflag:s7] =	ssyncadd.s32 $0xFFFFF380  }
0x30: {  	_ =	swait.ge [sflag:s12], $0xC80  }
0x31: {  	[sflag:s12] =	ssyncset.done $0x0  }
0x32: {  	[sflag:s12] =	ssyncadd.s32 $0xFFFFF380  }
0x33: {  	_ =	swait.ge [sflag:s12], $0xC80  }
0x34: {  	[sflag:s12] =	ssyncset.done $0x0  }
0x35: {  	[sflag:s12] =	ssyncadd.s32 $0xFFFFF380  }
0x36: {  	_ =	swait.ge [sflag:s12], $0xC80  }
0x37: {  	[sflag:s12] =	ssyncset.done $0x0  }
0x38: {  	[sflag:s12] =	ssyncadd.s32 $0xFFFFF380  }
0x39: {  	_ =	swait.ge [sflag:s12], $0xC80  }
0x3a: {  	[sflag:s12] =	ssyncset.done $0x0  }
0x3b: {  	s8 =	simm.s32 $0xB;
	[sflag:s12] =	ssyncadd.s32 $0xFFFFF380  }
0x3c: {  	_ =	swait.ge [sflag:s8], $0xC80  }
0x3d: {  	[sflag:s8] =	ssyncset.done $0x0  }
0x3e: {  	[sflag:s8] =	ssyncadd.s32 $0xFFFFF380  }
0x3f: {  	_ =	swait.ge [sflag:s8], $0xC80  }
0x40: {  	[sflag:s8] =	ssyncset.done $0x0  }
0x41: {  	[sflag:s8] =	ssyncadd.s32 $0xFFFFF380  }
0x42: {  	_ =	swait.ge [sflag:s8], $0xC80  }
0x43: {  	[sflag:s8] =	ssyncset.done $0x0  }
0x44: {  	[sflag:s8] =	ssyncadd.s32 $0xFFFFF380  }
0x45: {  	_ =	swait.ge [sflag:s8], $0xC80  }
0x46: {  	[sflag:s8] =	ssyncset.done $0x0  }
0x47: {  	s9 =	simm.s32 $0xC;
	[sflag:s8] =	ssyncadd.s32 $0xFFFFF380  }
0x48: {  	_ =	swait.ge [sflag:s9], $0xC80  }
0x49: {  	[sflag:s9] =	ssyncset.done $0x0  }
0x4a: {  	[sflag:s9] =	ssyncadd.s32 $0xFFFFF380  }
0x4b: {  	_ =	swait.ge [sflag:s9], $0xC80  }
0x4c: {  	[sflag:s9] =	ssyncset.done $0x0  }
0x4d: {  	[sflag:s9] =	ssyncadd.s32 $0xFFFFF380  }
0x4e: {  	_ =	swait.ge [sflag:s9], $0xC80  }
0x4f: {  	[sflag:s9] =	ssyncset.done $0x0  }
0x50: {  	[sflag:s9] =	ssyncadd.s32 $0xFFFFF380  }
0x51: {  	_ =	swait.ge [sflag:s9], $0xC80  }
0x52: {  	[sflag:s9] =	ssyncset.done $0x0  }
0x53: {  	s10 =	simm.s32 $0xD;
	[sflag:s9] =	ssyncadd.s32 $0xFFFFF380  }
0x54: {  	_ =	swait.ge [sflag:s10], $0xC80  }
0x55: {  	[sflag:s10] =	ssyncset.done $0x0  }
0x56: {  	[sflag:s10] =	ssyncadd.s32 $0xFFFFF380  }
0x57: {  	_ =	swait.ge [sflag:s10], $0xC80  }
0x58: {  	[sflag:s10] =	ssyncset.done $0x0  }
0x59: {  	[sflag:s10] =	ssyncadd.s32 $0xFFFFF380  }
0x5a: {  	_ =	swait.ge [sflag:s10], $0xC80  }
0x5b: {  	[sflag:s10] =	ssyncset.done $0x0  }
0x5c: {  	[sflag:s10] =	ssyncadd.s32 $0xFFFFF380  }
0x5d: {  	_ =	swait.ge [sflag:s10], $0xC80  }
0x5e: {  	[sflag:s10] =	ssyncset.done $0x0  }
0x5f: {  	s11 =	simm.s32 $0xE;
	[sflag:s10] =	ssyncadd.s32 $0xFFFFF380  }
0x60: {  	_ =	swait.ge [sflag:s11], $0xC80  }
0x61: {  	[sflag:s11] =	ssyncset.done $0x0  }
0x62: {  	[sflag:s11] =	ssyncadd.s32 $0xFFFFF380  }
0x63: {  	_ =	swait.ge [sflag:s11], $0xC80  }
0x64: {  	[sflag:s11] =	ssyncset.done $0x0  }
0x65: {  	[sflag:s11] =	ssyncadd.s32 $0xFFFFF380  }
0x66: {  	_ =	swait.ge [sflag:s11], $0xC80  }
0x67: {  	[sflag:s11] =	ssyncset.done $0x0  }
0x68: {  	[sflag:s11] =	ssyncadd.s32 $0xFFFFF380  }
0x69: {  	_ =	swait.ge [sflag:s11], $0xC80  }
0x6a: {  	[sflag:s11] =	ssyncset.done $0x0  }
0x6b: {  	[sflag:s11] =	ssyncadd.s32 $0xFFFFF380  }
0x6c: {  	_ =	swait.ge [sflag:s6], $0xC80  }
0x6d: {  	[sflag:s6] =	ssyncset.done $0x0  }
0x6e: {  	[sflag:s6] =	ssyncadd.s32 $0xFFFFF380  }
0x6f: {  	_ =	swait.ge [sflag:s6], $0xC80  }
0x70: {  	[sflag:s6] =	ssyncset.done $0x0  }
0x71: {  	[sflag:s6] =	ssyncadd.s32 $0xFFFFF380  }
0x72: {  	_ =	swait.ge [sflag:s6], $0xC80  }
0x73: {  	[sflag:s6] =	ssyncset.done $0x0  }
0x74: {  	[sflag:s6] =	ssyncadd.s32 $0xFFFFF380  }
0x75: {  	_ =	swait.ge [sflag:s6], $0xC80  }
0x76: {  	[sflag:s6] =	ssyncset.done $0x0  }
0x77: {  	s8 =	simm.s32 $0x10;
	[sflag:s6] =	ssyncadd.s32 $0xFFFFF380  }
0x78: {  	_ =	swait.ge [sflag:s8], $0xC80  }
0x79: {  	[sflag:s8] =	ssyncset.done $0x0  }
0x7a: {  	[sflag:s8] =	ssyncadd.s32 $0xFFFFF380  }
0x7b: {  	_ =	swait.ge [sflag:s8], $0xC80  }
0x7c: {  	[sflag:s8] =	ssyncset.done $0x0  }
0x7d: {  	[sflag:s8] =	ssyncadd.s32 $0xFFFFF380  }
0x7e: {  	_ =	swait.ge [sflag:s8], $0xC80  }
0x7f: {  	[sflag:s8] =	ssyncset.done $0x0  }
0x80: {  	[sflag:s8] =	ssyncadd.s32 $0xFFFFF380  }
0x81: {  	_ =	swait.ge [sflag:s8], $0xC80  }
0x82: {  	s9 =	rddreg [dreg:$0xc]  }
0x83: {  	s12 =	rddreg [dreg:$0x4];
	s9 =	sadd.s32 $0x1, s9  }
0x84: {  	p0 =	sne.s32 s9, s12  }
.Ltmp1:
0x85: {  	_ = 	snop;
	(pc) =	sbr.rel @!p0 .LBB2_5-.Ltmp1, $3  }
0x86: {  	_ =	sdelay $0x1  }
0x87: {  	[sflag:s8] =	ssyncset.done $0x0  }
0x88: {  	[sflag:s8] =	ssyncadd.s32 $0xFFFFF380  }
.LBB2_1:
0x89: {  	[dreg:$0xc] =	wrdreg s9  }
0x8a: {  	s7 =	simm.s32 $0x0;
	s8 =	rddreg [dreg:$0x3];
	s11 =	simm.s32 $0x11  }
0x8b: {  	[tilespmem:s7], [sflag:$0x11] =	stream.linear.gather [hbm4b:s8+s7], $0x6400, $0x38;
	[tilespmem:$0x1F400] =	vst v63  }
0x8c: {  	_ =	swait.ge [sflag:s11], $0x6400  }
0x8d: {  	[sflag:s11] =	ssyncset.done $0x0  }
0x8e: {  	s12 =	simm.s32 $0x6400;
	[sflag:s11] =	ssyncadd.s32 $0xFFFF9C00  }
0x8f: {  	[tilespmem:s12], [sflag:$0x1] =	stream.indirect.gather [hbm4b:s3+s24], $0x40, s7, s24, $0xb8;
	[tilespmem:$0x1F400] =	vst v63  }
0x90: {  	s8 =	simm.s32 $0x9600  }
0x91: {  	[tilespmem:s8], [sflag:$0x2] =	stream.indirect.gather [hbm4b:s3+s24], $0x40, s24, s24, $0xb8;
	[tilespmem:$0x1F400] =	vst v63  }
0x92: {  	s9 =	simm.s32 $0x190;
	s10 =	simm.s32 $0xC800  }
0x93: {  	[tilespmem:s10], [sflag:$0x3] =	stream.indirect.gather [hbm4b:s3+s24], $0x40, s9, s24, $0xb8;
	[tilespmem:$0x1F400] =	vst v63  }
0x94: {  	s11 =	simm.s32 $0x258;
	s12 =	simm.s32 $0xFA00  }
0x95: {  	[tilespmem:s12], [sflag:$0x4] =	stream.indirect.gather [hbm4b:s3+s24], $0x40, s11, s24, $0xb8;
	[tilespmem:$0x1F400] =	vst v63  }
0x96: {  	s8 =	simm.s32 $0x320;
	s9 =	simm.s32 $0x12C00  }
0x97: {  	[tilespmem:s9], [sflag:$0x5] =	stream.indirect.gather [hbm4b:s3+s24], $0x40, s8, s24, $0xb8;
	[tilespmem:$0x1F400] =	vst v63  }
0x98: {  	s10 =	simm.s32 $0x3E8;
	s11 =	simm.s32 $0x15E00  }
0x99: {  	[tilespmem:s11], [sflag:$0x6] =	stream.indirect.gather [hbm4b:s3+s24], $0x40, s10, s24, $0xb8;
	[tilespmem:$0x1F400] =	vst v63  }
0x9a: {  	s7 =	simm.s32 $0xAF0;
	s12 =	simm.s32 $0x4B0;
	s8 =	simm.s32 $0x0  }
0x9b: {  	[tilespmem:s28], [sflag:$0x7] =	stream.indirect.gather [hbm4b:s3+s24], $0x40, s12, s24, $0xb8;
	[tilespmem:$0x1F400] =	vst v63  }
.LBB2_2:
0x9c: {  	_ =	swait.ge [sflag:s0], $0x3200  }
0x9d: {  	[sflag:s0] =	ssyncset.done $0x0;
	s9 =	rddreg [dreg:$0x6]  }
0x9e: {  	s10 =	simm.s32 $0x6400;
	[sflag:s0] =	ssyncadd.s32 $0xFFFFCE00;
	s9 =	sadd.s32 s8, s9  }
0x9f: {  	[hbm4b:s9+s1] =	stream.strided.scatter [tilespmem:s10], [sflag:$0x9], $0xC80, s4, s1, $0x38;
	[tilespmem:$0x1F400] =	vst v63  }
0xa0: {  	s11 =	simm.s32 $0x7080;
	s12 =	sadd.s32 $0x380, s9  }
0xa1: {  	[hbm4b:s12+s1] =	stream.strided.scatter [tilespmem:s11], [sflag:$0x9], $0xC80, s4, s1, $0x38;
	[tilespmem:$0x1F400] =	vst v63  }
0xa2: {  	p0 =	seq.s32 s8, $0x0;
	s11 =	sadd.s32 $0x700, s9;
	s12 =	simm.s32 $0x7D00  }
0xa3: {  	[hbm4b:s11+s1] =	stream.strided.scatter [tilespmem:s12], [sflag:$0x9], $0xC80, s4, s1, $0x38;
	[tilespmem:$0x1F400] =	vst v63  }
0xa4: {  	s10 =	simm.s32 @!p0 $0x10;
	s11 =	sadd.s32 $0xA80, s9;
	s12 =	simm.s32 $0x8980  }
0xa5: {  	[hbm4b:s11+s1] =	stream.strided.scatter [tilespmem:s12], [sflag:$0x9], $0xC80, s4, s1, $0x38;
	[tilespmem:$0x1F400] =	vst v63  }
0xa6: {  	_ =	swait.ge @!p0 [sflag:s10], $0xC80  }
0xa7: {  	[sflag:s10] =	ssyncset.done @!p0 $0x0  }
0xa8: {  	[sflag:s10] =	ssyncadd.s32 @!p0 $0xFFFFF380  }
0xa9: {  	_ =	swait.ge @!p0 [sflag:s10], $0xC80  }
0xaa: {  	[sflag:s10] =	ssyncset.done @!p0 $0x0  }
0xab: {  	[sflag:s10] =	ssyncadd.s32 @!p0 $0xFFFFF380  }
0xac: {  	_ =	swait.ge @!p0 [sflag:s10], $0xC80  }
0xad: {  	[sflag:s10] =	ssyncset.done @!p0 $0x0  }
0xae: {  	[sflag:s10] =	ssyncadd.s32 @!p0 $0xFFFFF380  }
0xaf: {  	_ =	swait.ge @!p0 [sflag:s10], $0xC80  }
0xb0: {  	[sflag:s10] =	ssyncset.done @!p0 $0x0  }
0xb1: {  	s12 =	sadd.s32 $0xFFFFFA88, s7;
	[sflag:s10] =	ssyncadd.s32 @!p0 $0xFFFFF380  }
0xb2: {  	[tilespmem:s26], [sflag:$0x8] =	stream.indirect.gather [hbm4b:s3+s24], $0x40, s12, s24, $0xb8;
	[tilespmem:$0x1F400] =	vst v63  }
0xb3: {  	_ =	swait.ge [sflag:s5], $0x3200  }
0xb4: {  	[sflag:s5] =	ssyncset.done $0x0  }
0xb5: {  	s11 =	sadd.s32 $0xE00, s9;
	s12 =	simm.s32 $0x9600;
	[sflag:s5] =	ssyncadd.s32 $0xFFFFCE00  }
0xb6: {  	[hbm4b:s11+s1] =	stream.strided.scatter [tilespmem:s12], [sflag:$0xA], $0xC80, s4, s1, $0x38;
	[tilespmem:$0x1F400] =	vst v63  }
0xb7: {  	s11 =	sadd.s32 s8, s19;
	s12 =	simm.s32 $0xA280  }
0xb8: {  	[hbm4b:s11+s1] =	stream.strided.scatter [tilespmem:s12], [sflag:$0xA], $0xC80, s4, s1, $0x38;
	[tilespmem:$0x1F400] =	vst v63  }
0xb9: {  	p0 =	seq.s32 s8, $0x69000;
	s11 =	sadd.s32 s8, s18;
	s12 =	simm.s32 $0xAF00  }
0xba: {  	[hbm4b:s11+s1] =	stream.strided.scatter [tilespmem:s12], [sflag:$0xA], $0xC80, s4, s1, $0x38;
	[tilespmem:$0x1F400] =	vst v63  }
0xbb: {  	s10 =	simm.s32 @!p0 $0x9;
	s11 =	sadd.s32 s8, s17;
	s12 =	simm.s32 $0xBB80  }
0xbc: {  	[hbm4b:s11+s1] =	stream.strided.scatter [tilespmem:s12], [sflag:$0xA], $0xC80, s4, s1, $0x38;
	[tilespmem:$0x1F400] =	vst v63  }
0xbd: {  	_ =	swait.ge @!p0 [sflag:s10], $0xC80  }
0xbe: {  	[sflag:s10] =	ssyncset.done @!p0 $0x0  }
0xbf: {  	[sflag:s10] =	ssyncadd.s32 @!p0 $0xFFFFF380  }
0xc0: {  	_ =	swait.ge @!p0 [sflag:s10], $0xC80  }
0xc1: {  	[sflag:s10] =	ssyncset.done @!p0 $0x0  }
0xc2: {  	[sflag:s10] =	ssyncadd.s32 @!p0 $0xFFFFF380  }
0xc3: {  	_ =	swait.ge @!p0 [sflag:s10], $0xC80  }
0xc4: {  	[sflag:s10] =	ssyncset.done @!p0 $0x0  }
0xc5: {  	[sflag:s10] =	ssyncadd.s32 @!p0 $0xFFFFF380  }
0xc6: {  	_ =	swait.ge @!p0 [sflag:s10], $0xC80  }
0xc7: {  	s11 =	sadd.s32 @!p0 $0xFFFFFB50, s7;
	[sflag:s10] =	ssyncset.done @!p0 $0x0  }
0xc8: {  	s12 =	simm.s32 @!p0 $0x6400;
	[sflag:s10] =	ssyncadd.s32 @!p0 $0xFFFFF380;
	s10 =	simm.s32 @!p0 $0xC8  }
0xc9: {  	[tilespmem:s12], [sflag:$0x1] =	stream.indirect.gather @!p0 [hbm4b:s3+s10], $0x40, s11, s10, $0xb8;
	[tilespmem:$0x1F400] =	vst v63  }
0xca: {  	_ =	swait.ge [sflag:s31], $0x3200  }
0xcb: {  	[sflag:s31] =	ssyncset.done $0x0  }
0xcc: {  	s11 =	sadd.s32 $0x1C00, s9;
	s12 =	simm.s32 $0xC800;
	[sflag:s31] =	ssyncadd.s32 $0xFFFFCE00  }
0xcd: {  	[hbm4b:s11+s1] =	stream.strided.scatter [tilespmem:s12], [sflag:$0xB], $0xC80, s4, s1, $0x38;
	[tilespmem:$0x1F400] =	vst v63  }
0xce: {  	s11 =	sadd.s32 $0x1F80, s9;
	s12 =	simm.s32 $0xD480  }
0xcf: {  	[hbm4b:s11+s1] =	stream.strided.scatter [tilespmem:s12], [sflag:$0xB], $0xC80, s4, s1, $0x38;
	[tilespmem:$0x1F400] =	vst v63  }
0xd0: {  	s11 =	sadd.s32 s8, s16;
	s12 =	simm.s32 $0xE100  }
0xd1: {  	[hbm4b:s11+s1] =	stream.strided.scatter [tilespmem:s12], [sflag:$0xB], $0xC80, s4, s1, $0x38;
	[tilespmem:$0x1F400] =	vst v63  }
0xd2: {  	s11 =	sadd.s32 s8, s15;
	s12 =	simm.s32 $0xED80  }
0xd3: {  	[hbm4b:s11+s1] =	stream.strided.scatter [tilespmem:s12], [sflag:$0xB], $0xC80, s4, s1, $0x38;
	[tilespmem:$0x1F400] =	vst v63  }
0xd4: {  	s11 =	simm.s32 @!p0 $0xA  }
0xd5: {  	_ =	swait.ge @!p0 [sflag:s11], $0xC80  }
0xd6: {  	[sflag:s11] =	ssyncset.done @!p0 $0x0  }
0xd7: {  	[sflag:s11] =	ssyncadd.s32 @!p0 $0xFFFFF380  }
0xd8: {  	_ =	swait.ge @!p0 [sflag:s11], $0xC80  }
0xd9: {  	[sflag:s11] =	ssyncset.done @!p0 $0x0  }
0xda: {  	[sflag:s11] =	ssyncadd.s32 @!p0 $0xFFFFF380  }
0xdb: {  	_ =	swait.ge @!p0 [sflag:s11], $0xC80  }
0xdc: {  	[sflag:s11] =	ssyncset.done @!p0 $0x0  }
0xdd: {  	[sflag:s11] =	ssyncadd.s32 @!p0 $0xFFFFF380  }
0xde: {  	_ =	swait.ge @!p0 [sflag:s11], $0xC80  }
0xdf: {  	[sflag:s11] =	ssyncset.done @!p0 $0x0  }
0xe0: {  	s12 =	simm.s32 @!p0 $0x9600;
	[sflag:s11] =	ssyncadd.s32 @!p0 $0xFFFFF380;
	s11 =	sadd.s32 @!p0 $0xFFFFFC18, s7  }
0xe1: {  	[tilespmem:s12], [sflag:$0x2] =	stream.indirect.gather @!p0 [hbm4b:s3+s10], $0x40, s11, s10, $0xb8;
	[tilespmem:$0x1F400] =	vst v63  }
0xe2: {  	_ =	swait.ge [sflag:s30], $0x3200  }
0xe3: {  	[sflag:s30] =	ssyncset.done $0x0  }
0xe4: {  	s11 =	sadd.s32 $0x2A00, s9;
	s12 =	simm.s32 $0xFA00;
	[sflag:s30] =	ssyncadd.s32 $0xFFFFCE00  }
0xe5: {  	[hbm4b:s11+s1] =	stream.strided.scatter [tilespmem:s12], [sflag:$0xC], $0xC80, s4, s1, $0x38;
	[tilespmem:$0x1F400] =	vst v63  }
0xe6: {  	s11 =	sadd.s32 s8, s14;
	s12 =	simm.s32 $0x10680  }
0xe7: {  	[hbm4b:s11+s1] =	stream.strided.scatter [tilespmem:s12], [sflag:$0xC], $0xC80, s4, s1, $0x38;
	[tilespmem:$0x1F400] =	vst v63  }
0xe8: {  	s11 =	sadd.s32 s8, s13;
	s12 =	simm.s32 $0x11300  }
0xe9: {  	[hbm4b:s11+s1] =	stream.strided.scatter [tilespmem:s12], [sflag:$0xC], $0xC80, s4, s1, $0x38;
	[tilespmem:$0x1F400] =	vst v63  }
0xea: {  	s12 =	rddreg [dreg:$0xb]  }
0xeb: {  	s11 =	sadd.s32 s8, s12;
	s12 =	simm.s32 $0x11F80  }
0xec: {  	[hbm4b:s11+s1] =	stream.strided.scatter [tilespmem:s12], [sflag:$0xC], $0xC80, s4, s1, $0x38;
	[tilespmem:$0x1F400] =	vst v63  }
0xed: {  	s11 =	simm.s32 @!p0 $0xB  }
0xee: {  	_ =	swait.ge @!p0 [sflag:s11], $0xC80  }
0xef: {  	[sflag:s11] =	ssyncset.done @!p0 $0x0  }
0xf0: {  	[sflag:s11] =	ssyncadd.s32 @!p0 $0xFFFFF380  }
0xf1: {  	_ =	swait.ge @!p0 [sflag:s11], $0xC80  }
0xf2: {  	[sflag:s11] =	ssyncset.done @!p0 $0x0  }
0xf3: {  	[sflag:s11] =	ssyncadd.s32 @!p0 $0xFFFFF380  }
0xf4: {  	_ =	swait.ge @!p0 [sflag:s11], $0xC80  }
0xf5: {  	[sflag:s11] =	ssyncset.done @!p0 $0x0  }
0xf6: {  	[sflag:s11] =	ssyncadd.s32 @!p0 $0xFFFFF380  }
0xf7: {  	_ =	swait.ge @!p0 [sflag:s11], $0xC80  }
0xf8: {  	[sflag:s11] =	ssyncset.done @!p0 $0x0  }
0xf9: {  	s12 =	simm.s32 @!p0 $0xC800;
	[sflag:s11] =	ssyncadd.s32 @!p0 $0xFFFFF380;
	s11 =	sadd.s32 @!p0 $0xFFFFFCE0, s7  }
0xfa: {  	[tilespmem:s12], [sflag:$0x3] =	stream.indirect.gather @!p0 [hbm4b:s3+s10], $0x40, s11, s10, $0xb8;
	[tilespmem:$0x1F400] =	vst v63  }
0xfb: {  	_ =	swait.ge [sflag:s23], $0x3200  }
0xfc: {  	[sflag:s23] =	ssyncset.done $0x0  }
0xfd: {  	s11 =	sadd.s32 $0x3800, s9;
	s12 =	simm.s32 $0x12C00;
	[sflag:s23] =	ssyncadd.s32 $0xFFFFCE00  }
0xfe: {  	[hbm4b:s11+s1] =	stream.strided.scatter [tilespmem:s12], [sflag:$0xD], $0xC80, s4, s1, $0x38;
	[tilespmem:$0x1F400] =	vst v63  }
0xff: {  	s11 =	sadd.s32 $0x3B80, s9;
	s12 =	simm.s32 $0x13880  }
0x100: {  	[hbm4b:s11+s1] =	stream.strided.scatter [tilespmem:s12], [sflag:$0xD], $0xC80, s4, s1, $0x38;
	[tilespmem:$0x1F400] =	vst v63  }
0x101: {  	s11 =	sadd.s32 $0x3F00, s9;
	s12 =	simm.s32 $0x14500  }
0x102: {  	[hbm4b:s11+s1] =	stream.strided.scatter [tilespmem:s12], [sflag:$0xD], $0xC80, s4, s1, $0x38;
	[tilespmem:$0x1F400] =	vst v63  }
0x103: {  	s12 =	rddreg [dreg:$0xa]  }
0x104: {  	s11 =	sadd.s32 s8, s12;
	s12 =	simm.s32 $0x15180  }
0x105: {  	[hbm4b:s11+s1] =	stream.strided.scatter [tilespmem:s12], [sflag:$0xD], $0xC80, s4, s1, $0x38;
	[tilespmem:$0x1F400] =	vst v63  }
0x106: {  	s11 =	simm.s32 @!p0 $0xC  }
0x107: {  	_ =	swait.ge @!p0 [sflag:s11], $0xC80  }
0x108: {  	[sflag:s11] =	ssyncset.done @!p0 $0x0  }
0x109: {  	[sflag:s11] =	ssyncadd.s32 @!p0 $0xFFFFF380  }
0x10a: {  	_ =	swait.ge @!p0 [sflag:s11], $0xC80  }
0x10b: {  	[sflag:s11] =	ssyncset.done @!p0 $0x0  }
0x10c: {  	[sflag:s11] =	ssyncadd.s32 @!p0 $0xFFFFF380  }
0x10d: {  	_ =	swait.ge @!p0 [sflag:s11], $0xC80  }
0x10e: {  	[sflag:s11] =	ssyncset.done @!p0 $0x0  }
0x10f: {  	[sflag:s11] =	ssyncadd.s32 @!p0 $0xFFFFF380  }
0x110: {  	_ =	swait.ge @!p0 [sflag:s11], $0xC80  }
0x111: {  	[sflag:s11] =	ssyncset.done @!p0 $0x0  }
0x112: {  	s12 =	simm.s32 @!p0 $0xFA00;
	[sflag:s11] =	ssyncadd.s32 @!p0 $0xFFFFF380;
	s11 =	sadd.s32 @!p0 $0xFFFFFDA8, s7  }
0x113: {  	[tilespmem:s12], [sflag:$0x4] =	stream.indirect.gather @!p0 [hbm4b:s3+s10], $0x40, s11, s10, $0xb8;
	[tilespmem:$0x1F400] =	vst v63  }
0x114: {  	_ =	swait.ge [sflag:s25], $0x3200  }
0x115: {  	[sflag:s25] =	ssyncset.done $0x0  }
0x116: {  	s11 =	sadd.s32 $0x4600, s9;
	s12 =	simm.s32 $0x15E00;
	[sflag:s25] =	ssyncadd.s32 $0xFFFFCE00  }
0x117: {  	[hbm4b:s11+s1] =	stream.strided.scatter [tilespmem:s12], [sflag:$0xE], $0xC80, s4, s1, $0x38;
	[tilespmem:$0x1F400] =	vst v63  }
0x118: {  	s12 =	rddreg [dreg:$0x9]  }
0x119: {  	s11 =	sadd.s32 s8, s12;
	s12 =	simm.s32 $0x16A80  }
0x11a: {  	[hbm4b:s11+s1] =	stream.strided.scatter [tilespmem:s12], [sflag:$0xE], $0xC80, s4, s1, $0x38;
	[tilespmem:$0x1F400] =	vst v63  }
0x11b: {  	s12 =	rddreg [dreg:$0x8]  }
0x11c: {  	s11 =	sadd.s32 s8, s12;
	s12 =	simm.s32 $0x17700  }
0x11d: {  	[hbm4b:s11+s1] =	stream.strided.scatter [tilespmem:s12], [sflag:$0xE], $0xC80, s4, s1, $0x38;
	[tilespmem:$0x1F400] =	vst v63  }
0x11e: {  	s12 =	rddreg [dreg:$0x7]  }
0x11f: {  	s11 =	sadd.s32 s8, s12;
	s12 =	simm.s32 $0x18380  }
0x120: {  	[hbm4b:s11+s1] =	stream.strided.scatter [tilespmem:s12], [sflag:$0xE], $0xC80, s4, s1, $0x38;
	[tilespmem:$0x1F400] =	vst v63  }
0x121: {  	s11 =	simm.s32 @!p0 $0xD  }
0x122: {  	_ =	swait.ge @!p0 [sflag:s11], $0xC80  }
0x123: {  	[sflag:s11] =	ssyncset.done @!p0 $0x0  }
0x124: {  	[sflag:s11] =	ssyncadd.s32 @!p0 $0xFFFFF380  }
0x125: {  	_ =	swait.ge @!p0 [sflag:s11], $0xC80  }
0x126: {  	[sflag:s11] =	ssyncset.done @!p0 $0x0  }
0x127: {  	[sflag:s11] =	ssyncadd.s32 @!p0 $0xFFFFF380  }
0x128: {  	_ =	swait.ge @!p0 [sflag:s11], $0xC80  }
0x129: {  	[sflag:s11] =	ssyncset.done @!p0 $0x0  }
0x12a: {  	[sflag:s11] =	ssyncadd.s32 @!p0 $0xFFFFF380  }
0x12b: {  	_ =	swait.ge @!p0 [sflag:s11], $0xC80  }
0x12c: {  	[sflag:s11] =	ssyncset.done @!p0 $0x0  }
0x12d: {  	s12 =	simm.s32 @!p0 $0x12C00;
	[sflag:s11] =	ssyncadd.s32 @!p0 $0xFFFFF380;
	s11 =	sadd.s32 @!p0 $0xFFFFFE70, s7  }
0x12e: {  	[tilespmem:s12], [sflag:$0x5] =	stream.indirect.gather @!p0 [hbm4b:s3+s10], $0x40, s11, s10, $0xb8;
	[tilespmem:$0x1F400] =	vst v63  }
0x12f: {  	_ =	swait.ge [sflag:s29], $0x3200  }
0x130: {  	[sflag:s29] =	ssyncset.done $0x0  }
0x131: {  	s12 =	sadd.s32 $0x5400, s9;
	[sflag:s29] =	ssyncadd.s32 $0xFFFFCE00  }
0x132: {  	[hbm4b:s12+s1] =	stream.strided.scatter [tilespmem:s28], [sflag:$0xF], $0xC80, s4, s1, $0x38;
	[tilespmem:$0x1F400] =	vst v63  }
0x133: {  	s11 =	sadd.s32 $0x5780, s9;
	s12 =	simm.s32 $0x19C80  }
0x134: {  	[hbm4b:s11+s1] =	stream.strided.scatter [tilespmem:s12], [sflag:$0xF], $0xC80, s4, s1, $0x38;
	[tilespmem:$0x1F400] =	vst v63  }
0x135: {  	s12 =	rddreg [dreg:$0x5]  }
0x136: {  	s11 =	sadd.s32 s8, s12;
	s12 =	simm.s32 $0x1A900  }
0x137: {  	[hbm4b:s11+s1] =	stream.strided.scatter [tilespmem:s12], [sflag:$0xF], $0xC80, s4, s1, $0x38;
	[tilespmem:$0x1F400] =	vst v63  }
0x138: {  	s11 =	sadd.s32 $0x5E80, s9;
	s12 =	simm.s32 $0x1B580  }
0x139: {  	[hbm4b:s11+s1] =	stream.strided.scatter [tilespmem:s12], [sflag:$0xF], $0xC80, s4, s1, $0x38;
	[tilespmem:$0x1F400] =	vst v63  }
0x13a: {  	s11 =	simm.s32 @!p0 $0xE  }
0x13b: {  	_ =	swait.ge @!p0 [sflag:s11], $0xC80  }
0x13c: {  	[sflag:s11] =	ssyncset.done @!p0 $0x0  }
0x13d: {  	[sflag:s11] =	ssyncadd.s32 @!p0 $0xFFFFF380  }
0x13e: {  	_ =	swait.ge @!p0 [sflag:s11], $0xC80  }
0x13f: {  	[sflag:s11] =	ssyncset.done @!p0 $0x0  }
0x140: {  	[sflag:s11] =	ssyncadd.s32 @!p0 $0xFFFFF380  }
0x141: {  	_ =	swait.ge @!p0 [sflag:s11], $0xC80  }
0x142: {  	[sflag:s11] =	ssyncset.done @!p0 $0x0  }
0x143: {  	[sflag:s11] =	ssyncadd.s32 @!p0 $0xFFFFF380  }
0x144: {  	_ =	swait.ge @!p0 [sflag:s11], $0xC80  }
0x145: {  	[sflag:s11] =	ssyncset.done @!p0 $0x0  }
0x146: {  	s12 =	simm.s32 @!p0 $0x15E00;
	[sflag:s11] =	ssyncadd.s32 @!p0 $0xFFFFF380;
	s11 =	sadd.s32 @!p0 $0xFFFFFF38, s7  }
0x147: {  	[tilespmem:s12], [sflag:$0x6] =	stream.indirect.gather @!p0 [hbm4b:s3+s10], $0x40, s11, s10, $0xb8;
	[tilespmem:$0x1F400] =	vst v63  }
0x148: {  	_ =	swait.ge [sflag:s2], $0x3200  }
0x149: {  	[sflag:s2] =	ssyncset.done $0x0  }
0x14a: {  	s9 =	sadd.s32 $0x6200, s9;
	[sflag:s2] =	ssyncadd.s32 $0xFFFFCE00  }
0x14b: {  	[hbm4b:s9+s1] =	stream.strided.scatter [tilespmem:s26], [sflag:$0x10], $0xC80, s4, s1, $0x38;
	[tilespmem:$0x1F400] =	vst v63  }
0x14c: {  	s11 =	sadd.s32 s8, s22;
	s12 =	simm.s32 $0x1CE80  }
0x14d: {  	[hbm4b:s11+s1] =	stream.strided.scatter [tilespmem:s12], [sflag:$0x10], $0xC80, s4, s1, $0x38;
	[tilespmem:$0x1F400] =	vst v63  }
.Ltmp2:
0x14e: {  	_ = 	snop;
	(pc) =	sbr.rel @p0 .LBB2_4-.Ltmp2, $4  }
0x14f: {  	s11 =	sadd.s32 s8, s21;
	s12 =	simm.s32 $0x1DB00  }
0x150: {  	[hbm4b:s11+s1] =	stream.strided.scatter [tilespmem:s12], [sflag:$0x10], $0xC80, s4, s1, $0x38;
	[tilespmem:$0x1F400] =	vst v63  }
0x151: {  	s11 =	sadd.s32 s8, s20;
	s12 =	simm.s32 $0x1E780  }
0x152: {  	[hbm4b:s11+s1] =	stream.strided.scatter [tilespmem:s12], [sflag:$0x10], $0xC80, s4, s1, $0x38;
	[tilespmem:$0x1F400] =	vst v63  }
0x153: {  	_ =	swait.ge [sflag:s6], $0xC80  }
0x154: {  	[sflag:s6] =	ssyncset.done $0x0  }
0x155: {  	[sflag:s6] =	ssyncadd.s32 $0xFFFFF380  }
0x156: {  	_ =	swait.ge [sflag:s6], $0xC80  }
0x157: {  	[sflag:s6] =	ssyncset.done $0x0  }
0x158: {  	[sflag:s6] =	ssyncadd.s32 $0xFFFFF380  }
0x159: {  	_ =	swait.ge [sflag:s6], $0xC80  }
0x15a: {  	[sflag:s6] =	ssyncset.done $0x0  }
0x15b: {  	[sflag:s6] =	ssyncadd.s32 $0xFFFFF380  }
.Ltmp3:
0x15c: {  	_ =	swait.ge [sflag:s6], $0xC80;
	(pc) =	sbr.rel .LBB2_2-.Ltmp3, $4  }
0x15d: {  	[sflag:s6] =	ssyncset.done $0x0  }
0x15e: {  	[sflag:s6] =	ssyncadd.s32 $0xFFFFF380  }
0x15f: {  	[tilespmem:s28], [sflag:$0x7] =	stream.indirect.gather [hbm4b:s3+s24], $0x40, s7, s24, $0xb8;
	[tilespmem:$0x1F400] =	vst v63  }
0x160: {  	s8 =	sadd.s32 $0x7000, s8;
	s7 =	sadd.s32 $0x640, s7  }
.LBB2_5:
0x161: {  	_ =	sfence.sel $0x180000  }
0x162: {  	[bflag:$0x0] =	sbarrier.arrive $0xFFFF  }
0x163: {  	_ =	strace $0x90000047  }
0x164: {  	s0 =	stileid.u32;
	[bflag:$0x2] =	sbarrier.arrive $0xFFFF  }
0x165: {  	p0 =	sne.s32 s0, $0x0;
	s0 =	rddreg [dreg:$0x2]  }
0x166: {  	s0 =	sadd.s32 @!p0 $0x100000, s0  }
0x167: {  	[sflag:s0] =	ssyncadd.tile.s32 @!p0 $0x1;
	_ =	shalt  }
.Lfunc_end2:
_tile_overlayer_lowered:
.L_overlay_start_2:
0x168: {  	(tag) =	ssettag $0x2  }
0x169: {  	s0 =	rddreg [dreg:$0x0];
	s2 =	stileid.u32  }
0x16a: {  	s1 =	rddreg [dreg:$0x1];
	p0 =	sne.s32 s2, $0x0  }
0x16b: {  	s3 =	rddreg [dreg:$0x2];
	[bflag:$0x3] =	sbarrier.arrive $0xFFFF;
	s2 =	simm.s32 @!p0 $0x1C11  }
0x16c: {  	[timem:s3], [sflag:s2] =	dma.local @!p0 [hbm:s0], s1  }
0x16d: {  	s0 =	simm.s32 @!p0 $0x11  }
0x16e: {  	_ =	swait.ge @!p0 [sflag:s0], s1  }
0x16f: {  	s1 =	ssub.s32 @!p0 $0x0, s1;
	[sflag:s0] =	ssyncset.done @!p0 $0x0  }
0x170: {  	[sflag:s0] =	ssyncadd.s32 @!p0 s1  }
0x171: {  	[bflag:$0x3] =	sbarrier.arrive $0xFFFF  }
0x172: {  	_ =	shalt  }

// kernel: sparse-core-data-format-call.cloned.1.call-start
scs
called_computation_lowered:
.L_overlay_start_0:
0x0: {  	s2 =	sld [smem:$0x3FD9]  }
0x1: {  	s3 =	sld [smem:$0x3FFE];
	_ =	sdelay $0x1  }
0x2: {  	s1 =	srdreg.scid  }
0x3: {  	s0 =	sand.u32 $0x1, s1  }
0x4: {  	s18 =	sshll.u32 s0, $0xA;
	s2 =	sadd.s32 s3, s2  }
0x5: {  	s2 =	sadd.s32 s2, s18  }
0x6: {  	[smem:$0x3FC6] =	sst s2  }
0x7: {  	_ = 	snop  }
0x8: {  	s2 =	sld [smem:$0x3FD0];
	(tm) =	ssettm $0x1  }
0x9: {  	s19 =	sld [smem:$0x3FFB];
	_ =	sdelay $0x3  }
0xa: {  	_ =	strace s19  }
0xb: {  	s3 =	sld [smem:$0x3FFC];
	_ =	sdelay $0x3  }
0xc: {  	_ =	strace s3  }
0xd: {  	s3 =	sld [smem:$0x3FFD];
	_ =	sdelay $0x3  }
0xe: {  	_ =	strace s3  }
0xf: {  	_ =	strace $0x8FFFFFFF  }
0x10: {  	s20 =	sld [smem:$0x3FDB];
	_ =	sdelay $0x1  }
0x11: {  	s4 =	simm.s32 $_scs_section_size  }
0x12: {  	s5 =	simm.s32 $_size__tile_overlayer_lowered;
	s6 =	simm.s32 $_tile_overlayer_lowered  }
0x13: {  	s23 =	simm.s32 $0x1BFF;
	s22 =	sshll.u32 s6, $0x1;
	s3 =	sadd.s32 s4, s20  }
0x14: {  	s7 =	simm.s32 $0x0;
	s21 =	sshll.u32 s5, $0x1;
	s5 =	sadd.s32 s22, s3  }
0x15: {  	[timem:s7], [sflag:s23] =	dma.local [hbm:s5], s21  }
0x16: {  	_ =	swait.ge [sflag:s23], s21  }
0x17: {  	s4 =	ssub.s32 $0x0, s21;
	[sflag:s23] =	ssyncset.done $0x0  }
0x18: {  	[sflag:s23] =	ssyncadd.s32 s4;
	_ =	sdelay $0x1  }
0x19: {  	s24 =	simm.s32 $0x1B8B  }
0x1a: {  	_ =	swait.ge [sflag:s24], $0x1  }
0x1b: {  	[sflag:s24] =	ssyncset.done $0x0  }
0x1c: {  	s26 =	simm.s32 $0x1B8E;
	s25 =	sld [smem:$0x3FFE];
	[sflag:s24] =	ssyncadd.s32 $0xFFFFFFFF  }
0x1d: {  	s27 =	simm.s32 $execute0_lowered;
	[smem:$0x3FD2] =	sst s26  }
0x1e: {  	s5 =	sshll.u32 s27, $0x1;
	_ =	strace $0x80000049;
	[dreg:$0x1] =	wrdreg $0xFFFFFFFF  }
0x1f: {  	s28 =	simm.s32 $_size_execute0_lowered;
	s3 =	sadd.s32 s3, s5;
	[dreg:$0x0] =	wrdreg $0x0  }
0x20: {  	s5 =	sshll.u32 s28, $0x1;
	[dreg:$0x2] =	wrdreg s3  }
0x21: {  	[dreg:$0x3] =	wrdreg s5  }
0x22: {  	[dreg:$0x4] =	wrdreg $0xC0  }
0x23: {  	_ =	task [dreg:s7], $0x5FFFF  }
0x24: {  	[dreg:$0x1] =	wrdreg $0xFFFFFFFF  }
0x25: {  	[dreg:$0x0] =	wrdreg $0x60  }
0x26: {  	[dreg:$0x2] =	wrdreg s25  }
0x27: {  	[dreg:$0x3] =	wrdreg s2  }
0x28: {  	[dreg:$0x4] =	wrdreg $0x9  }
0x29: {  	_ =	task.clear_ibuf [dreg:s7], $0x5FFFF;
	_ =	strace $0x90000049  }
0x2a: {  	s29 =	simm.s32 $0x9;
	_ =	strace $0x8000004B  }
0x2b: {  	_ =	swait.ge [sflag:s29], $0x1  }
0x2c: {  	[sflag:s29] =	ssyncadd.s32 $0xFFFFFFFF  }
0x2d: {  	_ =	strace $0x9000004B  }
0x2e: {  	_ =	sfence  }
0x2f: {  	s30 =	sld [smem:$0x0];
	_ =	sdelay $0x2  }
0x30: {  	s31 =	sshll.u32 s1, $0xD;
	s1 =	sshrl.u32 s1, $0x2  }
0x31: {  	s3 =	sand.u32 $0x4000, s31;
	s1 =	sadd.s32 s1, s30  }
0x32: {  	s0 =	sor.u32 s3, s0;
	s1 =	sshll.u32 s1, $0x11  }
0x33: {  	s0 =	sor.u32 s1, s0  }
0x34: {  	s0 =	sadd.s32 $0x8F2B, s0  }
0x35: {  	[sflag:s0] =	ssyncadd.remote.s32 $0x1  }
0x36: {  	_ =	sfence.sel $0xFFFF  }
0x37: {  	[dreg:$0x0] =	wrdreg $0xFFFFFFFF;
	(pc) =	sbr.abs _section_cstart, $3  }
0x38: {  	[dreg:$0x1] =	wrdreg $0xFFFFFFFF  }
0x39: {  	_ =	task.clear_ibuf [dreg:s7], $0x2FFFF;
	_ =	strace $0x9FFFFFFF  }
0x3a: {  	(tm) =	ssettm $0x7FFFFFFF  }
0x3b: {  	_ =	shalt  }
tec
execute0_lowered:
.L_overlay_start_1:
0x0: {  	(tag) =	ssettag $0x1  }
0x1: {  	s0 =	srdreg.scid  }
0x2: {  	s1 =	sshll.u32 s0, $0x4  }
0x3: {  	s0 =	stileid.u32;
	s1 =	sand.u32 $0x10, s1  }
0x4: {  	s1 =	sor.u32 s0, s1  }
0x5: {  	s6 =	rddreg [dreg:$0x0];
	s4 =	simm.s32 $0x1;
	s2 =	sshll.u32 s1, $0x7  }
0x6: {  	s7 =	simm.s32 $0x2;
	s12 =	simm.s32 $0x0;
	s1 =	ssub.s32 $0x4000, s2  }
0x7: {  	s8 =	simm.s32 $0x20000;
	s13 =	simm.s32 $0x0;
	s3 =	sand.u32 $0xF80, s1  }
0x8: {  	s9 =	simm.s32 $0x0;
	s5 =	sshrl.u32 s1, $0xC;
	p0 =	sne.s32 s3, $0x0  }
.Ltmp0:
0x9: {  	s1 =	rddreg [dreg:$0x2];
	s4 =	simm.s32 @!p0 $0x0;
	(pc) =	sbr.rel .LBB1_1-.Ltmp0, $4  }
0xa: {  	s11 =	simm.s32 $0x0;
	s3 =	rddreg [dreg:$0x1];
	s5 =	sadd.s32 s4, s5  }
0xb: {  	_ =	strace $0x8000004A;
	s4 =	simm.s32 $0x1;
	s5 =	smul.u32 $0x32, s5  }
0xc: {  	s6 =	sadd.s32 $0xA00, s6;
	s10 =	smov.u32 s2;
	[sflag:s4] =	ssyncpa.u1 $0x0  }
0xd: {  	p0 =	por $0x0, $0x0;
	[sflag:s7] =	ssyncpa.u1 $0x0;
	s7 =	sor.u32 $0x1, s5  }
.LBB1_4:
0xe: {  	s16 =	sshll.u32 s13, $0x3;
	s17 =	sand.u32 $0x78, s13  }
0xf: {  	s30 =	sand.u32 $0x1F800, s13;
	s12 =	sshll.u32 s12, $0x11;
	s16 =	sand.u32 $0x3C00, s16  }
0x10: {  	[tilespmem:s15+$0x810 ss:$0x81] =	vst.msk $0xffff, v2;
	s31 =	sand.u32 $0x7, s13;
	s16 =	sor.u32 s17, s16;
	s17 =	sadd.s32 s3, s30  }
0x11: {  	[tilespmem:s15+$0x1020 ss:$0x81] =	vst.msk $0xffff, v0;
	s13 =	sshll.u32 s31, $0x12;
	s12 =	sadd.s32 s12, s17;
	s16 =	sshrl.u32 s16, $0x3  }
0x12: {  	[tilespmem:s15+$0x0 ss:$0x81] =	vst.msk $0xffff, v1;
	s13 =	sor.u32 $0x400, s13;
	s12 =	sadd.s32 s16, s12  }
0x13: {  	[hbm4b:s12+s13] =	stream.strided.scatter [tilespmem:s14], [sflag:$0x2], $0x2000, s8, s13, $0x20;
	[tilespmem:$0x8080] =	vst v63  }
.LBB1_5:
0x14: {  	s14 =	sadd.s32 $0x1, s9  }
0x15: {  	s12 =	sadd.s32 $0x1000, s10;
	s16 =	smov.u32 s10;
	p2 =	sgt.s32 s14, $0x31  }
0x16: {  	s16 =	smov.u32 @p2 s12  }
0x17: {  	s14 =	simm.s32 @p2 $0x0;
	p2 =	sgt.s32 s16, $0x3FFF  }
0x18: {  	s16 =	smov.u32 @p2 s2;
	p2 =	sne.s32 s11, s7  }
.Ltmp1:
0x19: {  	p1 =	slt.u32 s11, $0x2;
	(pc) =	sbr.rel @!p2 .LBB1_6-.Ltmp1, $4  }
0x1a: {  	s15 =	simm.s32 @!p1 $0x2  }
0x1b: {  	s13 =	smov.u32 s10;
	p0 =	por !p0, !p0;
	_ =	swait.ge @!p1 [sflag:s15], $0x2000  }
0x1c: {  	s12 =	smov.u32 s9;
	[sflag:s15] =	ssyncset.done @!p1 $0x0;
	s9 =	smov.u32 s14  }
0x1d: {  	s11 =	sadd.s32 $0x1, s11;
	[sflag:s15] =	ssyncadd.s32 @!p1 $0xFFFFE000;
	s10 =	smov.u32 s16  }
.LBB1_1:
0x1e: {  	p1 =	sge.u32 s11, s5  }
0x1f: {  	s14 =	sand.u32 @!p1 $0x1FFFFFF, s9  }
0x20: {  	s15 =	smulhi.u32 @!p1 $0x4924925, s14;
	_ =	sdelay $0x1  }
0x21: {  	s15 =	smul.u32 @!p1 $0x38, s15  }
0x22: {  	s16 =	sxor.u32 @!p1 $0xFFFFFFFF, s11;
	s17 =	smul.u32 @!p1 $0x380, s10  }
0x23: {  	s31 =	sadd.s32 $0xFFFFFFFF, s11;
	s16 =	sshll.u32 @!p1 s16, $0xD;
	s14 =	ssub.s32 @!p1 s14, s15  }
0x24: {  	s15 =	sand.u32 @!p1 $0x2000, s16;
	s16 =	sadd.s32 @!p1 s6, s17;
	s14 =	sshll.u32 @!p1 s14, $0x4  }
0x25: {  	s17 =	simm.s32 @!p1 $0x1C00;
	s14 =	sadd.s32 @!p1 s14, s16;
	s16 =	simm.s32 @!p1 $0x40  }
0x26: {  	[tilespmem:s15], [sflag:$0x1] =	stream.strided.gather @!p1 [hbm4b:s14+s16], $0x2000, s17, s16, $0x38;
	[tilespmem:$0x8080] =	vst v63  }
0x27: {  	p1 =	sge.u32 s31, s5  }
.Ltmp2:
0x28: {  	_ = 	snop;
	(pc) =	sbr.rel @p1 .LBB1_5-.Ltmp2, $1  }
0x29: {  	_ =	sdelay $0x3  }
0x2a: {  	s14 =	simm.s32 $0x1  }
0x2b: {  	_ =	swait.ge [sflag:s4], $0x2000;
	s14 =	simm.s32 @!p0 $0x0  }
0x2c: {  	[sflag:s4] =	ssyncset.done $0x0;
	s15 =	sshll.u32 s14, $0xD  }
0x2d: {  	[sflag:s4] =	ssyncadd.s32 $0xFFFFE000;
	s18 =	sor.u32 $0x20, s15  }
0x2e: {  	s14 =	smul.u32 $0x8100, s14;
	v3 =	vld [tilespmem:s18+$0x10]  }
0x2f: {  	s30 =	sand.u32 $0x1, s11;
	v2 =	vld [tilespmem:s18+$0xFFFFFFF0]  }
0x30: {  	s15 =	smul.u32 $0x8100, s30;
	s14 =	sshrl.u32 s14, $0x2;
	v0 =	vld [tilespmem:s18+$0x0]  }
0x31: {  	v1 =	vld [tilespmem:s18+$0xFFFFFFE0];
	s16 =	sor.u32 $0x4000, s14  }
0x32: {  	s31 =	sshrl.u32 s15, $0x2;
	s15 =	sadd.s32 $0x0, s16  }
0x33: {  	s17 =	simm.s32 $0x4;
	s18 =	sadd.s32 $0x40, s18;
	s14 =	sor.u32 $0x4000, s31;
	[tilespmem:s15+$0x1830 ss:$0x81] =	vst.msk $0xffff, v3  }
.LBB1_3:
0x34: {  	v3 =	vld [tilespmem:s18+$0x10];
	p1 =	sne.s32 s17, $0x1FC;
	[tilespmem:s15+$0x810 ss:$0x81] =	vst.msk $0xffff, v2;
	s19 =	smov.u32 s17;
	s17 =	sadd.s32 $0x4, s17  }
.Ltmp3:
0x35: {  	v2 =	vld [tilespmem:s18+$0xFFFFFFF0];
	[tilespmem:s15+$0x1020 ss:$0x81] =	vst.msk $0xffff, v0;
	(pc) =	sbr.rel @p1 .LBB1_3-.Ltmp3, $4  }
0x36: {  	v0 =	vld [tilespmem:s18+$0x0];
	[tilespmem:s15+$0x0 ss:$0x81] =	vst.msk $0xffff, v1  }
0x37: {  	s15 =	sshra.s32 s19, $0x2;
	v1 =	vld [tilespmem:s18+$0xFFFFFFE0]  }
0x38: {  	s15 =	sadd.s32 s15, s16  }
0x39: {  	s18 =	sadd.s32 $0x40, s18;
	[tilespmem:s15+$0x1830 ss:$0x81] =	vst.msk $0xffff, v3  }
.Ltmp4:
0x3a: {  	_ = 	snop;
	(pc) =	sbr.rel .LBB1_4-.Ltmp4, $1  }
0x3b: {  	_ =	sdelay $0x3  }
.LBB1_6:
0x3c: {  	_ =	sfence.sel $0x180000  }
0x3d: {  	s2 =	simm.s32 $0x1;
	[bflag:$0x0] =	sbarrier.arrive $0xFFFF  }
0x3e: {  	s31 =	simm.s32 $0x2;
	[sflag:s2] =	ssyncpa.u1 $0x1  }
0x3f: {  	[sflag:s31] =	ssyncpa.u1 $0x1  }
0x40: {  	p0 =	sne.s32 s0, $0x0;
	_ =	strace $0x9000004A  }
0x41: {  	s0 =	sadd.s32 @!p0 $0x100000, s1;
	[bflag:$0x2] =	sbarrier.arrive $0xFFFF  }
0x42: {  	[sflag:s0] =	ssyncadd.tile.s32 @!p0 $0x1;
	_ =	shalt  }
.Lfunc_end1:
_tile_overlayer_lowered:
.L_overlay_start_2:
0x43: {  	(tag) =	ssettag $0x2  }
0x44: {  	s0 =	rddreg [dreg:$0x0];
	s2 =	stileid.u32  }
0x45: {  	s1 =	rddreg [dreg:$0x1];
	p0 =	sne.s32 s2, $0x0  }
0x46: {  	s3 =	rddreg [dreg:$0x2];
	[bflag:$0x3] =	sbarrier.arrive $0xFFFF;
	s2 =	simm.s32 @!p0 $0x1C01  }
0x47: {  	[timem:s3], [sflag:s2] =	dma.local @!p0 [hbm:s0], s1  }
0x48: {  	s0 =	simm.s32 @!p0 $0x1  }
0x49: {  	_ =	swait.ge @!p0 [sflag:s0], s1  }
0x4a: {  	s1 =	ssub.s32 @!p0 $0x0, s1;
	[sflag:s0] =	ssyncset.done @!p0 $0x0  }
0x4b: {  	[sflag:s0] =	ssyncadd.s32 @!p0 s1  }
0x4c: {  	[bflag:$0x3] =	sbarrier.arrive $0xFFFF  }
0x4d: {  	_ =	shalt  }

</sc_bundles>
